<compile_context>
chip_gen: v7x
topology: tpu7x:2x2x1
jax: 0.10.2.dev20260603
libtpu: 0.0.44.dev20260713+nightly
codegen_flags: <defaults>
</compile_context>

<pallas_src>
import jax
import jax.numpy as jnp
from jax import lax
from jax.experimental import pallas as pl
from jax.experimental.pallas import tpu as pltpu
from jax.experimental.pallas import tpu_sc as plsc

N = 10000
E = 320000
D = 128
NG = 128

NC = 2
NS = 16
NW = NC * NS
EPT = E // NW
CH = 80
NCHUNK = EPT // CH
RPT = 624
ZR = 48
NROW = 4
NIDX = 8
GL = 2
IL = 4


def _sc_agg_body(h_hbm, ei_hbm, out_hbm,
                 src0, src1, src2, src3, src4, src5, src6, src7,
                 dst0, dst1, dst2, dst3, dst4, dst5, dst6, dst7,
                 rows0, rows1, rows2, rows3,
                 zbuf_v, agg_sh,
                 isem0, isem1, isem2, isem3, isem4, isem5, isem6, isem7,
                 gsem0, gsem1, gsem2, gsem3,
                 ssem0, ssem1, ssem2, ssem3):
    cid = lax.axis_index("c")
    sid = lax.axis_index("s")
    wid = cid * NS + sid
    srcs = (src0, src1, src2, src3, src4, src5, src6, src7)
    dsts = (dst0, dst1, dst2, dst3, dst4, dst5, dst6, dst7)
    rows = (rows0, rows1, rows2, rows3)
    isems = (isem0, isem1, isem2, isem3, isem4, isem5, isem6, isem7)
    gsems = (gsem0, gsem1, gsem2, gsem3)
    ssems = (ssem0, ssem1, ssem2, ssem3)
    ebase = wid * EPT

    def idx_load(i, q):
        pltpu.async_copy(ei_hbm.at[pl.ds(ebase + i * CH, CH)], srcs[q],
                         isems[q])
        pltpu.async_copy(ei_hbm.at[pl.ds(E + ebase + i * CH, CH)], dsts[q],
                         isems[q])

    def idx_wait(i, q):
        pltpu.make_async_copy(ei_hbm.at[pl.ds(ebase + i * CH, CH)],
                              srcs[q], isems[q]).wait()
        pltpu.make_async_copy(ei_hbm.at[pl.ds(E + ebase + i * CH, CH)],
                              dsts[q], isems[q]).wait()

    def scatter_drain(s):
        pltpu.make_async_copy(rows[s], agg_sh.at[dsts[0]], ssems[s]).wait()

    for q in range(NIDX):
        idx_load(q, q)

    z16 = jnp.zeros((16,), jnp.float32)

    def zrow(i, _):
        def zcol(j, __):
            zbuf_v[i, pl.ds(j * 16, 16)] = z16
            return __
        return lax.fori_loop(0, D // 16, zcol, None)

    lax.fori_loop(0, ZR, zrow, None)
    for k in range(RPT // ZR):
        pltpu.sync_copy(zbuf_v, agg_sh.at[pl.ds(sid * RPT + k * ZR, ZR)])

    @pl.when(sid == NS - 1)
    def _zero_tail():
        pltpu.sync_copy(zbuf_v.at[pl.ds(0, 16)],
                        agg_sh.at[pl.ds(NS * RPT, 16)])

    for j in range(GL):
        idx_wait(j, j)
        pltpu.async_copy(h_hbm.at[srcs[j]], rows[j], gsems[j])
    plsc.subcore_barrier()

    def step(i, r, q, head):
        pltpu.make_async_copy(h_hbm.at[srcs[q]], rows[r], gsems[r]).wait()
        pltpu.async_copy(rows[r], agg_sh.at[dsts[q]], ssems[r], add=True)
        r2 = (r + GL) % NROW
        if head is None or head >= 2:
            scatter_drain(r2)
        if head is None or (NIDX <= head + IL < NCHUNK):
            idx_load(i + IL, (q + IL) % NIDX)
        if head is None or head + GL < NCHUNK:
            q2 = (q + GL) % NIDX
            idx_wait(i + GL, q2)
            pltpu.async_copy(h_hbm.at[srcs[q2]], rows[r2], gsems[r2])

    for i in range(NIDX):
        step(i, i % NROW, i % NIDX, head=i)

    def outer(io, _):
        i = io * NIDX
        for b in range(NIDX):
            step(i + b, b % NROW, b % NIDX, head=None)
        return _

    steady_end = (NCHUNK // NIDX) * NIDX
    lax.fori_loop(1, steady_end // NIDX, outer, None)
    for i in range(steady_end, NCHUNK):
        step(i, i % NROW, i % NIDX, head=i)

    scatter_drain((NCHUNK - 2) % NROW)
    scatter_drain((NCHUNK - 1) % NROW)
    plsc.subcore_barrier()

    pltpu.sync_copy(agg_sh.at[pl.ds(sid * RPT, RPT)],
                    out_hbm.at[pl.ds(cid * N + sid * RPT, RPT)])

    @pl.when(sid == NS - 1)
    def _write_tail():
        pltpu.sync_copy(agg_sh.at[pl.ds(NS * RPT, 16)],
                        out_hbm.at[pl.ds(cid * N + NS * RPT, 16)])


@jax.jit
def _sc_agg(h, ei):
    mesh = plsc.VectorSubcoreMesh(core_axis_name="c", subcore_axis_name="s",
                                  num_cores=NC, num_subcores=NS)
    return pl.kernel(
        _sc_agg_body,
        out_type=jax.ShapeDtypeStruct((NC * N, D), jnp.float32),
        mesh=mesh,
        scratch_types=(
            [pltpu.VMEM((CH,), jnp.int32)] * 16
            + [pltpu.VMEM((CH, D), jnp.float32)] * 4
            + [
                pltpu.VMEM((ZR, D), jnp.float32),
                pltpu.VMEM_SHARED((N, D), jnp.float32),
            ]
            + [pltpu.SemaphoreType.DMA] * 16
        ),
    )(h, ei)


OUT_DIM = 64


BR = 2000
NB = N // BR


def _tc_dense_body(h_ref, agg_ref, W_ref, b_ref, g_ref, be_ref,
                   batch_ref, Wo_ref, bo_ref, sin_ref,
                   out_ref, score_ref, pre_sc, acc_sc, stat_sc, pool_sc):
    p = pl.program_id(0)
    i = pl.program_id(1)

    @pl.when(p == 0)
    def _compute():
        hs = h_ref[...] + agg_ref[0] + agg_ref[1]
        pre = jnp.dot(hs, W_ref[...], preferred_element_type=jnp.float32)
        pre = pre + b_ref[...][None, :]
        pre_sc[pl.ds(i * BR, BR), :] = pre
        psum = jnp.sum(pre, axis=0, keepdims=True)
        psq = jnp.sum(pre * pre, axis=0, keepdims=True)

        @pl.when(i == 0)
        def _init():
            acc_sc[0:1, :] = psum
            acc_sc[1:2, :] = psq

        @pl.when(i > 0)
        def _acc():
            acc_sc[0:1, :] += psum
            acc_sc[1:2, :] += psq

    @pl.when(p == 1)
    def _normalize():
        @pl.when(i == 0)
        def _stats():
            mu = acc_sc[0:1, :] * (1.0 / N)
            var = acc_sc[1:2, :] * (1.0 / N) - mu * mu
            inv = lax.rsqrt(var + 1e-5) * g_ref[...][None, :]
            stat_sc[0:1, :] = inv
            stat_sc[1:2, :] = be_ref[...][None, :] - mu * inv

        pre = pre_sc[pl.ds(i * BR, BR), :]
        h_out = jnp.maximum(pre * stat_sc[0:1, :] + stat_sc[1:2, :], 0.0)
        out_ref[...] = h_out
        seg = lax.broadcasted_iota(jnp.int32, (NG, BR), 0)
        onehot = (seg == batch_ref[0, 0, :][None, :]).astype(jnp.float32)
        pooled = jnp.dot(onehot, h_out, preferred_element_type=jnp.float32)

        @pl.when(i == 0)
        def _pool_init():
            pool_sc[...] = pooled

        @pl.when(i > 0)
        def _pool_acc():
            pool_sc[...] += pooled

        @pl.when(i == NB - 1)
        def _head():
            score_ref[...] = (sin_ref[...]
                              + jnp.dot(pool_sc[...], Wo_ref[...],
                                        preferred_element_type=jnp.float32)
                              + bo_ref[...][None, :])


@jax.jit
def _tc_dense(h, agg2, W, b, g, be, batch, Wo, bo, score_in):
    zero = lambda p, i: (0, 0)
    first = lambda p, i: (i * (1 - p), 0)
    return pl.pallas_call(
        _tc_dense_body,
        grid=(2, NB),
        in_specs=[
            pl.BlockSpec((BR, D), first),
            pl.BlockSpec((NC, BR, D), lambda p, i: (0, i * (1 - p), 0)),
            pl.BlockSpec((D, D), zero),
            pl.BlockSpec((D,), lambda p, i: (0,)),
            pl.BlockSpec((D,), lambda p, i: (0,)),
            pl.BlockSpec((D,), lambda p, i: (0,)),
            pl.BlockSpec((1, 1, BR), lambda p, i: (p * i, 0, 0)),
            pl.BlockSpec((D, OUT_DIM), zero),
            pl.BlockSpec((OUT_DIM,), lambda p, i: (0,)),
            pl.BlockSpec((NG, OUT_DIM), zero),
        ],
        out_specs=(pl.BlockSpec((BR, D), lambda p, i: (p * i, 0)),
                   pl.BlockSpec((NG, OUT_DIM), zero)),
        out_shape=(jax.ShapeDtypeStruct((N, D), jnp.float32),
                   jax.ShapeDtypeStruct((NG, OUT_DIM), jnp.float32)),
        scratch_shapes=[
            pltpu.VMEM((N, D), jnp.float32),
            pltpu.VMEM((8, D), jnp.float32),
            pltpu.VMEM((8, D), jnp.float32),
            pltpu.VMEM((NG, D), jnp.float32),
        ],
    )(h, agg2.reshape(NC, N, D), W, b, g, be,
      batch.reshape(NB, 1, BR), Wo, bo, score_in)


def kernel(x, edge_index, batch, W0, b0, g0, be0, W1, b1, g1, be1,
           W2, b2, g2, be2, Wo0, bo0, Wo1, bo1, Wo2, bo2):
    ei = edge_index.reshape(2 * E)
    score = jnp.zeros((NG, OUT_DIM), jnp.float32)

    agg = _sc_agg(x, ei)
    h0, score = _tc_dense(x, agg, W0, b0, g0, be0, batch, Wo0, bo0, score)
    agg = _sc_agg(h0, ei)
    h1, score = _tc_dense(h0, agg, W1, b1, g1, be1, batch, Wo1, bo1, score)
    agg = _sc_agg(h1, ei)
    h2, score = _tc_dense(h1, agg, W2, b2, g2, be2, batch, Wo2, bo2, score)

    return score

# --- scband reference (transcript-rebuilt; emitter-appended) ---
"""Pipeline reference for scband-ginpaper-10737418240834 (READ-ONLY COPY).

The authoritative reference and input builder live on the scoring server;
editing this copy changes nothing except your own understanding.
"""

import jax, jax.numpy as jnp
import numpy as np

N = 10000
E = 320000
D = 128
H = 128
OUT = 64
NUM_GRAPHS = 128


def setup_inputs(seed: int = 0) -> dict:
    key = jax.random.key(seed)
    ks = jax.random.split(key, 32)
    inp = {}
    inp["x"] = jax.random.normal(ks[0], (N, D), dtype=jnp.float32)
    inp["edge_index"] = jax.random.randint(ks[1], (2, E), 0, N, dtype=jnp.int32)
    inp["batch"] = jnp.sort(jax.random.randint(ks[2], (N,), 0, NUM_GRAPHS, dtype=jnp.int32))
    # GIN layer 0 MLP params (Linear + BatchNorm)
    s_in = 1.0 / np.sqrt(D)
    s_h = 1.0 / np.sqrt(H)
    inp["W0"] = jax.random.uniform(ks[3], (D, H), jnp.float32, -s_in, s_in)
    inp["b0"] = jax.random.uniform(ks[4], (H,), jnp.float32, -s_in, s_in)
    inp["g0"] = jnp.ones((H,), jnp.float32)
    inp["be0"] = jnp.zeros((H,), jnp.float32)
    inp["W1"] = jax.random.uniform(ks[5], (H, H), jnp.float32, -s_h, s_h)
    inp["b1"] = jax.random.uniform(ks[6], (H,), jnp.float32, -s_h, s_h)
    inp["g1"] = jnp.ones((H,), jnp.float32)
    inp["be1"] = jnp.zeros((H,), jnp.float32)
    inp["W2"] = jax.random.uniform(ks[7], (H, H), jnp.float32, -s_h, s_h)
    inp["b2"] = jax.random.uniform(ks[8], (H,), jnp.float32, -s_h, s_h)
    inp["g2"] = jnp.ones((H,), jnp.float32)
    inp["be2"] = jnp.zeros((H,), jnp.float32)
    # per-layer output Linear(H, OUT)
    inp["Wo0"] = jax.random.uniform(ks[9], (H, OUT), jnp.float32, -s_h, s_h)
    inp["bo0"] = jax.random.uniform(ks[10], (OUT,), jnp.float32, -s_h, s_h)
    inp["Wo1"] = jax.random.uniform(ks[11], (H, OUT), jnp.float32, -s_h, s_h)
    inp["bo1"] = jax.random.uniform(ks[12], (OUT,), jnp.float32, -s_h, s_h)
    inp["Wo2"] = jax.random.uniform(ks[13], (H, OUT), jnp.float32, -s_h, s_h)
    inp["bo2"] = jax.random.uniform(ks[14], (OUT,), jnp.float32, -s_h, s_h)
    return inp


def reference(x, edge_index, batch, W0, b0, g0, be0, W1, b1, g1, be1, W2, b2, g2, be2, Wo0, bo0, Wo1, bo1, Wo2, bo2):
    src = edge_index[0]
    dst = edge_index[1]

    def gin_layer(h_in, W, b, g, be):
        # GINConv with train_eps=False (eps=0): (1+eps)*x + sum_{j in N(i)} x_j
        agg = jnp.zeros_like(h_in).at[dst].add(h_in[src])
        h = (h_in + agg) @ W + b
        # BatchNorm (training-mode batch statistics), then ReLU
        mu = h.mean(axis=0)
        var = h.var(axis=0)
        h = (h - mu) / jnp.sqrt(var + 1e-5) * g + be
        return jax.nn.relu(h)

    h0 = gin_layer(x, W0, b0, g0, be0)
    h1 = gin_layer(h0, W1, b1, g1, be1)
    h2 = gin_layer(h1, W2, b2, g2, be2)

    # jumping-knowledge style readout: global_add_pool each layer, per-layer linear, sum
    # (F.dropout is identity in eval mode)
    score = jnp.zeros((NUM_GRAPHS, OUT), dtype=x.dtype)
    for h, Wo, bo in ((h0, Wo0, bo0), (h1, Wo1, bo1), (h2, Wo2, bo2)):
        pooled = jax.ops.segment_sum(h, batch, num_segments=NUM_GRAPHS)
        score = score + pooled @ Wo + bo
    return score

if __name__ == "__main__":
    import jax
    _d = setup_inputs()
    print(jax.jit(kernel)(*tuple(_d.values())))

</pallas_src>

<mosaic_0001>
#map = affine_map<(d0, d1) -> (0, 0)>
#map1 = affine_map<(d0, d1) -> (0)>
module attributes {stable_mosaic.version = 14 : i64} {
  func.func @_sc_agg_body(%arg0: i32, %arg1: i32, %arg2: memref<10000x128xf32, #tpu.memory_space<hbm>>, %arg3: memref<640000xi32, #tpu.memory_space<hbm>>, %arg4: memref<20000x128xf32, #tpu.memory_space<hbm>>, %arg5: memref<80xi32, #tpu.memory_space<vmem>>, %arg6: memref<80xi32, #tpu.memory_space<vmem>>, %arg7: memref<80xi32, #tpu.memory_space<vmem>>, %arg8: memref<80xi32, #tpu.memory_space<vmem>>, %arg9: memref<80xi32, #tpu.memory_space<vmem>>, %arg10: memref<80xi32, #tpu.memory_space<vmem>>, %arg11: memref<80xi32, #tpu.memory_space<vmem>>, %arg12: memref<80xi32, #tpu.memory_space<vmem>>, %arg13: memref<80xi32, #tpu.memory_space<vmem>>, %arg14: memref<80xi32, #tpu.memory_space<vmem>>, %arg15: memref<80xi32, #tpu.memory_space<vmem>>, %arg16: memref<80xi32, #tpu.memory_space<vmem>>, %arg17: memref<80xi32, #tpu.memory_space<vmem>>, %arg18: memref<80xi32, #tpu.memory_space<vmem>>, %arg19: memref<80xi32, #tpu.memory_space<vmem>>, %arg20: memref<80xi32, #tpu.memory_space<vmem>>, %arg21: memref<80x128xf32, #tpu.memory_space<vmem>>, %arg22: memref<80x128xf32, #tpu.memory_space<vmem>>, %arg23: memref<80x128xf32, #tpu.memory_space<vmem>>, %arg24: memref<80x128xf32, #tpu.memory_space<vmem>>, %arg25: memref<48x128xf32, #tpu.memory_space<vmem>>, %arg26: memref<10000x128xf32, #tpu.memory_space<vmem_shared>>, %arg27: memref<!tpu.dma_semaphore, #tpu.memory_space<semaphore_mem>>, %arg28: memref<!tpu.dma_semaphore, #tpu.memory_space<semaphore_mem>>, %arg29: memref<!tpu.dma_semaphore, #tpu.memory_space<semaphore_mem>>, %arg30: memref<!tpu.dma_semaphore, #tpu.memory_space<semaphore_mem>>, %arg31: memref<!tpu.dma_semaphore, #tpu.memory_space<semaphore_mem>>, %arg32: memref<!tpu.dma_semaphore, #tpu.memory_space<semaphore_mem>>, %arg33: memref<!tpu.dma_semaphore, #tpu.memory_space<semaphore_mem>>, %arg34: memref<!tpu.dma_semaphore, #tpu.memory_space<semaphore_mem>>, %arg35: memref<!tpu.dma_semaphore, #tpu.memory_space<semaphore_mem>>, %arg36: memref<!tpu.dma_semaphore, #tpu.memory_space<semaphore_mem>>, %arg37: memref<!tpu.dma_semaphore, #tpu.memory_space<semaphore_mem>>, %arg38: memref<!tpu.dma_semaphore, #tpu.memory_space<semaphore_mem>>, %arg39: memref<!tpu.dma_semaphore, #tpu.memory_space<semaphore_mem>>, %arg40: memref<!tpu.dma_semaphore, #tpu.memory_space<semaphore_mem>>, %arg41: memref<!tpu.dma_semaphore, #tpu.memory_space<semaphore_mem>>, %arg42: memref<!tpu.dma_semaphore, #tpu.memory_space<semaphore_mem>>) attributes {dimension_semantics = [#tpu.dimension_semantics<core_parallel>, #tpu.dimension_semantics<subcore_parallel>], iteration_bounds = array<i64: 2, 16>, scalar_prefetch = 0 : i64, scratch_operands = 38 : i64, tpu.core_type = #tpu.core_type<sc_vector_subcore>, window_params = [{transform_indices = #map}, {transform_indices = #map1}, {transform_indices = #map}]} {
    %mul3A = arith.constant 16 : i32
    %mul3A_0 = arith.muli %arg0, %mul3A : i32
    %add3A = arith.addi %mul3A_0, %arg1 : i32
    %mul3A_1 = arith.constant 10000 : i32
    %mul3A_2 = arith.muli %add3A, %mul3A_1 : i32
    %add3A_3 = arith.constant 0 : i32
    %add3A_4 = arith.addi %mul3A_2, %add3A_3 : i32
    %dma_start3A = tpu.memref_slice %arg3[%add3A_4] : memref<640000xi32, #tpu.memory_space<hbm>> -> memref<80xi32, #tpu.memory_space<hbm>>
    %dma_start3A_5 = tpu.memref_slice %arg3[%add3A_4] : memref<640000xi32, #tpu.memory_space<hbm>> -> memref<80xi32, #tpu.memory_space<hbm>>
    tpu.enqueue_dma source(%dma_start3A_5 : memref<80xi32, #tpu.memory_space<hbm>>) target(%arg5 : memref<80xi32, #tpu.memory_space<vmem>>) target_semaphore(%arg27 : memref<!tpu.dma_semaphore, #tpu.memory_space<semaphore_mem>>)
    %add3A_6 = arith.constant 320000 : i32
    %add3A_7 = arith.addi %add3A_6, %mul3A_2 : i32
    %add3A_8 = arith.constant 0 : i32
    %add3A_9 = arith.addi %add3A_7, %add3A_8 : i32
    %dma_start3A_10 = tpu.memref_slice %arg3[%add3A_9] : memref<640000xi32, #tpu.memory_space<hbm>> -> memref<80xi32, #tpu.memory_space<hbm>>
    %dma_start3A_11 = tpu.memref_slice %arg3[%add3A_9] : memref<640000xi32, #tpu.memory_space<hbm>> -> memref<80xi32, #tpu.memory_space<hbm>>
    tpu.enqueue_dma source(%dma_start3A_11 : memref<80xi32, #tpu.memory_space<hbm>>) target(%arg13 : memref<80xi32, #tpu.memory_space<vmem>>) target_semaphore(%arg27 : memref<!tpu.dma_semaphore, #tpu.memory_space<semaphore_mem>>)
    %add3A_12 = arith.constant 80 : i32
    %add3A_13 = arith.addi %mul3A_2, %add3A_12 : i32
    %dma_start3A_14 = tpu.memref_slice %arg3[%add3A_13] : memref<640000xi32, #tpu.memory_space<hbm>> -> memref<80xi32, #tpu.memory_space<hbm>>
    %dma_start3A_15 = tpu.memref_slice %arg3[%add3A_13] : memref<640000xi32, #tpu.memory_space<hbm>> -> memref<80xi32, #tpu.memory_space<hbm>>
    tpu.enqueue_dma source(%dma_start3A_15 : memref<80xi32, #tpu.memory_space<hbm>>) target(%arg6 : memref<80xi32, #tpu.memory_space<vmem>>) target_semaphore(%arg28 : memref<!tpu.dma_semaphore, #tpu.memory_space<semaphore_mem>>)
    %add3A_16 = arith.constant 320000 : i32
    %add3A_17 = arith.addi %add3A_16, %mul3A_2 : i32
    %add3A_18 = arith.constant 80 : i32
    %add3A_19 = arith.addi %add3A_17, %add3A_18 : i32
    %dma_start3A_20 = tpu.memref_slice %arg3[%add3A_19] : memref<640000xi32, #tpu.memory_space<hbm>> -> memref<80xi32, #tpu.memory_space<hbm>>
    %dma_start3A_21 = tpu.memref_slice %arg3[%add3A_19] : memref<640000xi32, #tpu.memory_space<hbm>> -> memref<80xi32, #tpu.memory_space<hbm>>
    tpu.enqueue_dma source(%dma_start3A_21 : memref<80xi32, #tpu.memory_space<hbm>>) target(%arg14 : memref<80xi32, #tpu.memory_space<vmem>>) target_semaphore(%arg28 : memref<!tpu.dma_semaphore, #tpu.memory_space<semaphore_mem>>)
    %add3A_22 = arith.constant 160 : i32
    %add3A_23 = arith.addi %mul3A_2, %add3A_22 : i32
    %dma_start3A_24 = tpu.memref_slice %arg3[%add3A_23] : memref<640000xi32, #tpu.memory_space<hbm>> -> memref<80xi32, #tpu.memory_space<hbm>>
    %dma_start3A_25 = tpu.memref_slice %arg3[%add3A_23] : memref<640000xi32, #tpu.memory_space<hbm>> -> memref<80xi32, #tpu.memory_space<hbm>>
    tpu.enqueue_dma source(%dma_start3A_25 : memref<80xi32, #tpu.memory_space<hbm>>) target(%arg7 : memref<80xi32, #tpu.memory_space<vmem>>) target_semaphore(%arg29 : memref<!tpu.dma_semaphore, #tpu.memory_space<semaphore_mem>>)
    %add3A_26 = arith.constant 320000 : i32
    %add3A_27 = arith.addi %add3A_26, %mul3A_2 : i32
    %add3A_28 = arith.constant 160 : i32
    %add3A_29 = arith.addi %add3A_27, %add3A_28 : i32
    %dma_start3A_30 = tpu.memref_slice %arg3[%add3A_29] : memref<640000xi32, #tpu.memory_space<hbm>> -> memref<80xi32, #tpu.memory_space<hbm>>
    %dma_start3A_31 = tpu.memref_slice %arg3[%add3A_29] : memref<640000xi32, #tpu.memory_space<hbm>> -> memref<80xi32, #tpu.memory_space<hbm>>
    tpu.enqueue_dma source(%dma_start3A_31 : memref<80xi32, #tpu.memory_space<hbm>>) target(%arg15 : memref<80xi32, #tpu.memory_space<vmem>>) target_semaphore(%arg29 : memref<!tpu.dma_semaphore, #tpu.memory_space<semaphore_mem>>)
    %add3A_32 = arith.constant 240 : i32
    %add3A_33 = arith.addi %mul3A_2, %add3A_32 : i32
    %dma_start3A_34 = tpu.memref_slice %arg3[%add3A_33] : memref<640000xi32, #tpu.memory_space<hbm>> -> memref<80xi32, #tpu.memory_space<hbm>>
    %dma_start3A_35 = tpu.memref_slice %arg3[%add3A_33] : memref<640000xi32, #tpu.memory_space<hbm>> -> memref<80xi32, #tpu.memory_space<hbm>>
    tpu.enqueue_dma source(%dma_start3A_35 : memref<80xi32, #tpu.memory_space<hbm>>) target(%arg8 : memref<80xi32, #tpu.memory_space<vmem>>) target_semaphore(%arg30 : memref<!tpu.dma_semaphore, #tpu.memory_space<semaphore_mem>>)
    %add3A_36 = arith.constant 320000 : i32
    %add3A_37 = arith.addi %add3A_36, %mul3A_2 : i32
    %add3A_38 = arith.constant 240 : i32
    %add3A_39 = arith.addi %add3A_37, %add3A_38 : i32
    %dma_start3A_40 = tpu.memref_slice %arg3[%add3A_39] : memref<640000xi32, #tpu.memory_space<hbm>> -> memref<80xi32, #tpu.memory_space<hbm>>
    %dma_start3A_41 = tpu.memref_slice %arg3[%add3A_39] : memref<640000xi32, #tpu.memory_space<hbm>> -> memref<80xi32, #tpu.memory_space<hbm>>
    tpu.enqueue_dma source(%dma_start3A_41 : memref<80xi32, #tpu.memory_space<hbm>>) target(%arg16 : memref<80xi32, #tpu.memory_space<vmem>>) target_semaphore(%arg30 : memref<!tpu.dma_semaphore, #tpu.memory_space<semaphore_mem>>)
    %add3A_42 = arith.constant 320 : i32
    %add3A_43 = arith.addi %mul3A_2, %add3A_42 : i32
    %dma_start3A_44 = tpu.memref_slice %arg3[%add3A_43] : memref<640000xi32, #tpu.memory_space<hbm>> -> memref<80xi32, #tpu.memory_space<hbm>>
    %dma_start3A_45 = tpu.memref_slice %arg3[%add3A_43] : memref<640000xi32, #tpu.memory_space<hbm>> -> memref<80xi32, #tpu.memory_space<hbm>>
    tpu.enqueue_dma source(%dma_start3A_45 : memref<80xi32, #tpu.memory_space<hbm>>) target(%arg9 : memref<80xi32, #tpu.memory_space<vmem>>) target_semaphore(%arg31 : memref<!tpu.dma_semaphore, #tpu.memory_space<semaphore_mem>>)
    %add3A_46 = arith.constant 320000 : i32
    %add3A_47 = arith.addi %add3A_46, %mul3A_2 : i32
    %add3A_48 = arith.constant 320 : i32
    %add3A_49 = arith.addi %add3A_47, %add3A_48 : i32
    %dma_start3A_50 = tpu.memref_slice %arg3[%add3A_49] : memref<640000xi32, #tpu.memory_space<hbm>> -> memref<80xi32, #tpu.memory_space<hbm>>
    %dma_start3A_51 = tpu.memref_slice %arg3[%add3A_49] : memref<640000xi32, #tpu.memory_space<hbm>> -> memref<80xi32, #tpu.memory_space<hbm>>
    tpu.enqueue_dma source(%dma_start3A_51 : memref<80xi32, #tpu.memory_space<hbm>>) target(%arg17 : memref<80xi32, #tpu.memory_space<vmem>>) target_semaphore(%arg31 : memref<!tpu.dma_semaphore, #tpu.memory_space<semaphore_mem>>)
    %add3A_52 = arith.constant 400 : i32
    %add3A_53 = arith.addi %mul3A_2, %add3A_52 : i32
    %dma_start3A_54 = tpu.memref_slice %arg3[%add3A_53] : memref<640000xi32, #tpu.memory_space<hbm>> -> memref<80xi32, #tpu.memory_space<hbm>>
    %dma_start3A_55 = tpu.memref_slice %arg3[%add3A_53] : memref<640000xi32, #tpu.memory_space<hbm>> -> memref<80xi32, #tpu.memory_space<hbm>>
    tpu.enqueue_dma source(%dma_start3A_55 : memref<80xi32, #tpu.memory_space<hbm>>) target(%arg10 : memref<80xi32, #tpu.memory_space<vmem>>) target_semaphore(%arg32 : memref<!tpu.dma_semaphore, #tpu.memory_space<semaphore_mem>>)
    %add3A_56 = arith.constant 320000 : i32
    %add3A_57 = arith.addi %add3A_56, %mul3A_2 : i32
    %add3A_58 = arith.constant 400 : i32
    %add3A_59 = arith.addi %add3A_57, %add3A_58 : i32
    %dma_start3A_60 = tpu.memref_slice %arg3[%add3A_59] : memref<640000xi32, #tpu.memory_space<hbm>> -> memref<80xi32, #tpu.memory_space<hbm>>
    %dma_start3A_61 = tpu.memref_slice %arg3[%add3A_59] : memref<640000xi32, #tpu.memory_space<hbm>> -> memref<80xi32, #tpu.memory_space<hbm>>
    tpu.enqueue_dma source(%dma_start3A_61 : memref<80xi32, #tpu.memory_space<hbm>>) target(%arg18 : memref<80xi32, #tpu.memory_space<vmem>>) target_semaphore(%arg32 : memref<!tpu.dma_semaphore, #tpu.memory_space<semaphore_mem>>)
    %add3A_62 = arith.constant 480 : i32
    %add3A_63 = arith.addi %mul3A_2, %add3A_62 : i32
    %dma_start3A_64 = tpu.memref_slice %arg3[%add3A_63] : memref<640000xi32, #tpu.memory_space<hbm>> -> memref<80xi32, #tpu.memory_space<hbm>>
    %dma_start3A_65 = tpu.memref_slice %arg3[%add3A_63] : memref<640000xi32, #tpu.memory_space<hbm>> -> memref<80xi32, #tpu.memory_space<hbm>>
    tpu.enqueue_dma source(%dma_start3A_65 : memref<80xi32, #tpu.memory_space<hbm>>) target(%arg11 : memref<80xi32, #tpu.memory_space<vmem>>) target_semaphore(%arg33 : memref<!tpu.dma_semaphore, #tpu.memory_space<semaphore_mem>>)
    %add3A_66 = arith.constant 320000 : i32
    %add3A_67 = arith.addi %add3A_66, %mul3A_2 : i32
    %add3A_68 = arith.constant 480 : i32
    %add3A_69 = arith.addi %add3A_67, %add3A_68 : i32
    %dma_start3A_70 = tpu.memref_slice %arg3[%add3A_69] : memref<640000xi32, #tpu.memory_space<hbm>> -> memref<80xi32, #tpu.memory_space<hbm>>
    %dma_start3A_71 = tpu.memref_slice %arg3[%add3A_69] : memref<640000xi32, #tpu.memory_space<hbm>> -> memref<80xi32, #tpu.memory_space<hbm>>
    tpu.enqueue_dma source(%dma_start3A_71 : memref<80xi32, #tpu.memory_space<hbm>>) target(%arg19 : memref<80xi32, #tpu.memory_space<vmem>>) target_semaphore(%arg33 : memref<!tpu.dma_semaphore, #tpu.memory_space<semaphore_mem>>)
    %add3A_72 = arith.constant 560 : i32
    %add3A_73 = arith.addi %mul3A_2, %add3A_72 : i32
    %dma_start3A_74 = tpu.memref_slice %arg3[%add3A_73] : memref<640000xi32, #tpu.memory_space<hbm>> -> memref<80xi32, #tpu.memory_space<hbm>>
    %dma_start3A_75 = tpu.memref_slice %arg3[%add3A_73] : memref<640000xi32, #tpu.memory_space<hbm>> -> memref<80xi32, #tpu.memory_space<hbm>>
    tpu.enqueue_dma source(%dma_start3A_75 : memref<80xi32, #tpu.memory_space<hbm>>) target(%arg12 : memref<80xi32, #tpu.memory_space<vmem>>) target_semaphore(%arg34 : memref<!tpu.dma_semaphore, #tpu.memory_space<semaphore_mem>>)
    %add3A_76 = arith.constant 320000 : i32
    %add3A_77 = arith.addi %add3A_76, %mul3A_2 : i32
    %add3A_78 = arith.constant 560 : i32
    %add3A_79 = arith.addi %add3A_77, %add3A_78 : i32
    %dma_start3A_80 = tpu.memref_slice %arg3[%add3A_79] : memref<640000xi32, #tpu.memory_space<hbm>> -> memref<80xi32, #tpu.memory_space<hbm>>
    %dma_start3A_81 = tpu.memref_slice %arg3[%add3A_79] : memref<640000xi32, #tpu.memory_space<hbm>> -> memref<80xi32, #tpu.memory_space<hbm>>
    tpu.enqueue_dma source(%dma_start3A_81 : memref<80xi32, #tpu.memory_space<hbm>>) target(%arg20 : memref<80xi32, #tpu.memory_space<vmem>>) target_semaphore(%arg34 : memref<!tpu.dma_semaphore, #tpu.memory_space<semaphore_mem>>)
    %broadcast_in_dim3A = arith.constant 0.000000e+00 : f32
    %broadcast_in_dim3A_82 = vector.broadcast %broadcast_in_dim3A : f32 to vector<16xf32>
    %scan3A = arith.constant 0 : i32
    %scan3A_83 = arith.constant 48 : i32
    %scan3A_84 = arith.addi %scan3A, %scan3A_83 : i32
    %scan3A_85 = arith.constant 1 : i32
    scf.for %scan3A_494 = %scan3A to %scan3A_84 step %scan3A_85  : i32 {
      %scan3A_495 = arith.constant 0 : i32
      %scan3A_496 = arith.constant 8 : i32
      %scan3A_497 = arith.addi %scan3A_495, %scan3A_496 : i32
      %scan3A_498 = arith.constant 1 : i32
      scf.for %scan3A_500 = %scan3A_495 to %scan3A_497 step %scan3A_498  : i32 {
        %mul3A_501 = arith.constant 16 : i32
        %mul3A_502 = arith.muli %scan3A_500, %mul3A_501 : i32
        %swap3A = arith.index_cast %scan3A_494 : i32 to index
        %swap3A_503 = arith.index_cast %mul3A_502 : i32 to index
        %swap3A_504 = tpu.vector_load %arg25[%swap3A, %swap3A_503] {strides = array<i32>} : memref<48x128xf32, #tpu.memory_space<vmem>>, vector<1x16xf32>,
        %swap3A_505 = vector.shape_cast %swap3A_504 : vector<1x16xf32> to vector<16xf32>
        %swap3A_506 = vector.shape_cast %broadcast_in_dim3A_82 : vector<16xf32> to vector<1x16xf32>
        tpu.vector_store %arg25[%swap3A, %swap3A_503], %swap3A_506 {strides = array<i32>} : memref<48x128xf32, #tpu.memory_space<vmem>>, vector<1x16xf32>,
      }
      %scan3A_499 = arith.constant 8 : i32
    }
    %scan3A_86 = arith.constant 48 : i32
    %mul3A_87 = arith.constant 624 : i32
    %mul3A_88 = arith.muli %arg1, %mul3A_87 : i32
    %add3A_89 = arith.constant 0 : i32
    %add3A_90 = arith.addi %mul3A_88, %add3A_89 : i32
    "tpu.region"() ({
      %run_scoped3A = tpu.sem_alloc : memref<!tpu.dma_semaphore, #tpu.memory_space<semaphore_mem>>
      %dma_start3A_494 = arith.constant 0 : i32
      %dma_start3A_495 = tpu.memref_slice %arg26[%add3A_90, %dma_start3A_494] : memref<10000x128xf32, #tpu.memory_space<vmem_shared>> -> memref<48x128xf32, #tpu.memory_space<vmem_shared>>
      %dma_start3A_496 = arith.constant 0 : i32
      %dma_start3A_497 = tpu.memref_slice %arg26[%add3A_90, %dma_start3A_496] : memref<10000x128xf32, #tpu.memory_space<vmem_shared>> -> memref<48x128xf32, #tpu.memory_space<vmem_shared>>
      tpu.enqueue_dma source(%arg25 : memref<48x128xf32, #tpu.memory_space<vmem>>) target(%dma_start3A_497 : memref<48x128xf32, #tpu.memory_space<vmem_shared>>) target_semaphore(%run_scoped3A : memref<!tpu.dma_semaphore, #tpu.memory_space<semaphore_mem>>)
      %dma_wait3A_498 = arith.constant 0 : i32
      %dma_wait3A_499 = tpu.memref_slice %arg26[%add3A_90, %dma_wait3A_498] : memref<10000x128xf32, #tpu.memory_space<vmem_shared>> -> memref<48x128xf32, #tpu.memory_space<vmem_shared>>
      %dma_wait3A_500 = arith.constant 0 : i32
      %dma_wait3A_501 = tpu.memref_slice %arg26[%add3A_90, %dma_wait3A_500] : memref<10000x128xf32, #tpu.memory_space<vmem_shared>> -> memref<48x128xf32, #tpu.memory_space<vmem_shared>>
      tpu.wait_dma2 semaphore(%run_scoped3A : memref<!tpu.dma_semaphore, #tpu.memory_space<semaphore_mem>>) src(%arg25 : memref<48x128xf32, #tpu.memory_space<vmem>>) dst(%dma_wait3A_501 : memref<48x128xf32, #tpu.memory_space<vmem_shared>>)
      tpu.yield
    }) : () -> ()
    %mul3A_91 = arith.constant 624 : i32
    %mul3A_92 = arith.muli %arg1, %mul3A_91 : i32
    %add3A_93 = arith.constant 48 : i32
    %add3A_94 = arith.addi %mul3A_92, %add3A_93 : i32
    "tpu.region"() ({
      %run_scoped3A = tpu.sem_alloc : memref<!tpu.dma_semaphore, #tpu.memory_space<semaphore_mem>>
      %dma_start3A_494 = arith.constant 0 : i32
      %dma_start3A_495 = tpu.memref_slice %arg26[%add3A_94, %dma_start3A_494] : memref<10000x128xf32, #tpu.memory_space<vmem_shared>> -> memref<48x128xf32, #tpu.memory_space<vmem_shared>>
      %dma_start3A_496 = arith.constant 0 : i32
      %dma_start3A_497 = tpu.memref_slice %arg26[%add3A_94, %dma_start3A_496] : memref<10000x128xf32, #tpu.memory_space<vmem_shared>> -> memref<48x128xf32, #tpu.memory_space<vmem_shared>>
      tpu.enqueue_dma source(%arg25 : memref<48x128xf32, #tpu.memory_space<vmem>>) target(%dma_start3A_497 : memref<48x128xf32, #tpu.memory_space<vmem_shared>>) target_semaphore(%run_scoped3A : memref<!tpu.dma_semaphore, #tpu.memory_space<semaphore_mem>>)
      %dma_wait3A_498 = arith.constant 0 : i32
      %dma_wait3A_499 = tpu.memref_slice %arg26[%add3A_94, %dma_wait3A_498] : memref<10000x128xf32, #tpu.memory_space<vmem_shared>> -> memref<48x128xf32, #tpu.memory_space<vmem_shared>>
      %dma_wait3A_500 = arith.constant 0 : i32
      %dma_wait3A_501 = tpu.memref_slice %arg26[%add3A_94, %dma_wait3A_500] : memref<10000x128xf32, #tpu.memory_space<vmem_shared>> -> memref<48x128xf32, #tpu.memory_space<vmem_shared>>
      tpu.wait_dma2 semaphore(%run_scoped3A : memref<!tpu.dma_semaphore, #tpu.memory_space<semaphore_mem>>) src(%arg25 : memref<48x128xf32, #tpu.memory_space<vmem>>) dst(%dma_wait3A_501 : memref<48x128xf32, #tpu.memory_space<vmem_shared>>)
      tpu.yield
    }) : () -> ()
    %mul3A_95 = arith.constant 624 : i32
    %mul3A_96 = arith.muli %arg1, %mul3A_95 : i32
    %add3A_97 = arith.constant 96 : i32
    %add3A_98 = arith.addi %mul3A_96, %add3A_97 : i32
    "tpu.region"() ({
      %run_scoped3A = tpu.sem_alloc : memref<!tpu.dma_semaphore, #tpu.memory_space<semaphore_mem>>
      %dma_start3A_494 = arith.constant 0 : i32
      %dma_start3A_495 = tpu.memref_slice %arg26[%add3A_98, %dma_start3A_494] : memref<10000x128xf32, #tpu.memory_space<vmem_shared>> -> memref<48x128xf32, #tpu.memory_space<vmem_shared>>
      %dma_start3A_496 = arith.constant 0 : i32
      %dma_start3A_497 = tpu.memref_slice %arg26[%add3A_98, %dma_start3A_496] : memref<10000x128xf32, #tpu.memory_space<vmem_shared>> -> memref<48x128xf32, #tpu.memory_space<vmem_shared>>
      tpu.enqueue_dma source(%arg25 : memref<48x128xf32, #tpu.memory_space<vmem>>) target(%dma_start3A_497 : memref<48x128xf32, #tpu.memory_space<vmem_shared>>) target_semaphore(%run_scoped3A : memref<!tpu.dma_semaphore, #tpu.memory_space<semaphore_mem>>)
      %dma_wait3A_498 = arith.constant 0 : i32
      %dma_wait3A_499 = tpu.memref_slice %arg26[%add3A_98, %dma_wait3A_498] : memref<10000x128xf32, #tpu.memory_space<vmem_shared>> -> memref<48x128xf32, #tpu.memory_space<vmem_shared>>
      %dma_wait3A_500 = arith.constant 0 : i32
      %dma_wait3A_501 = tpu.memref_slice %arg26[%add3A_98, %dma_wait3A_500] : memref<10000x128xf32, #tpu.memory_space<vmem_shared>> -> memref<48x128xf32, #tpu.memory_space<vmem_shared>>
      tpu.wait_dma2 semaphore(%run_scoped3A : memref<!tpu.dma_semaphore, #tpu.memory_space<semaphore_mem>>) src(%arg25 : memref<48x128xf32, #tpu.memory_space<vmem>>) dst(%dma_wait3A_501 : memref<48x128xf32, #tpu.memory_space<vmem_shared>>)
      tpu.yield
    }) : () -> ()
    %mul3A_99 = arith.constant 624 : i32
    %mul3A_100 = arith.muli %arg1, %mul3A_99 : i32
    %add3A_101 = arith.constant 144 : i32
    %add3A_102 = arith.addi %mul3A_100, %add3A_101 : i32
    "tpu.region"() ({
      %run_scoped3A = tpu.sem_alloc : memref<!tpu.dma_semaphore, #tpu.memory_space<semaphore_mem>>
      %dma_start3A_494 = arith.constant 0 : i32
      %dma_start3A_495 = tpu.memref_slice %arg26[%add3A_102, %dma_start3A_494] : memref<10000x128xf32, #tpu.memory_space<vmem_shared>> -> memref<48x128xf32, #tpu.memory_space<vmem_shared>>
      %dma_start3A_496 = arith.constant 0 : i32
      %dma_start3A_497 = tpu.memref_slice %arg26[%add3A_102, %dma_start3A_496] : memref<10000x128xf32, #tpu.memory_space<vmem_shared>> -> memref<48x128xf32, #tpu.memory_space<vmem_shared>>
      tpu.enqueue_dma source(%arg25 : memref<48x128xf32, #tpu.memory_space<vmem>>) target(%dma_start3A_497 : memref<48x128xf32, #tpu.memory_space<vmem_shared>>) target_semaphore(%run_scoped3A : memref<!tpu.dma_semaphore, #tpu.memory_space<semaphore_mem>>)
      %dma_wait3A_498 = arith.constant 0 : i32
      %dma_wait3A_499 = tpu.memref_slice %arg26[%add3A_102, %dma_wait3A_498] : memref<10000x128xf32, #tpu.memory_space<vmem_shared>> -> memref<48x128xf32, #tpu.memory_space<vmem_shared>>
      %dma_wait3A_500 = arith.constant 0 : i32
      %dma_wait3A_501 = tpu.memref_slice %arg26[%add3A_102, %dma_wait3A_500] : memref<10000x128xf32, #tpu.memory_space<vmem_shared>> -> memref<48x128xf32, #tpu.memory_space<vmem_shared>>
      tpu.wait_dma2 semaphore(%run_scoped3A : memref<!tpu.dma_semaphore, #tpu.memory_space<semaphore_mem>>) src(%arg25 : memref<48x128xf32, #tpu.memory_space<vmem>>) dst(%dma_wait3A_501 : memref<48x128xf32, #tpu.memory_space<vmem_shared>>)
      tpu.yield
    }) : () -> ()
    %mul3A_103 = arith.constant 624 : i32
    %mul3A_104 = arith.muli %arg1, %mul3A_103 : i32
    %add3A_105 = arith.constant 192 : i32
    %add3A_106 = arith.addi %mul3A_104, %add3A_105 : i32
    "tpu.region"() ({
      %run_scoped3A = tpu.sem_alloc : memref<!tpu.dma_semaphore, #tpu.memory_space<semaphore_mem>>
      %dma_start3A_494 = arith.constant 0 : i32
      %dma_start3A_495 = tpu.memref_slice %arg26[%add3A_106, %dma_start3A_494] : memref<10000x128xf32, #tpu.memory_space<vmem_shared>> -> memref<48x128xf32, #tpu.memory_space<vmem_shared>>
      %dma_start3A_496 = arith.constant 0 : i32
      %dma_start3A_497 = tpu.memref_slice %arg26[%add3A_106, %dma_start3A_496] : memref<10000x128xf32, #tpu.memory_space<vmem_shared>> -> memref<48x128xf32, #tpu.memory_space<vmem_shared>>
      tpu.enqueue_dma source(%arg25 : memref<48x128xf32, #tpu.memory_space<vmem>>) target(%dma_start3A_497 : memref<48x128xf32, #tpu.memory_space<vmem_shared>>) target_semaphore(%run_scoped3A : memref<!tpu.dma_semaphore, #tpu.memory_space<semaphore_mem>>)
      %dma_wait3A_498 = arith.constant 0 : i32
      %dma_wait3A_499 = tpu.memref_slice %arg26[%add3A_106, %dma_wait3A_498] : memref<10000x128xf32, #tpu.memory_space<vmem_shared>> -> memref<48x128xf32, #tpu.memory_space<vmem_shared>>
      %dma_wait3A_500 = arith.constant 0 : i32
      %dma_wait3A_501 = tpu.memref_slice %arg26[%add3A_106, %dma_wait3A_500] : memref<10000x128xf32, #tpu.memory_space<vmem_shared>> -> memref<48x128xf32, #tpu.memory_space<vmem_shared>>
      tpu.wait_dma2 semaphore(%run_scoped3A : memref<!tpu.dma_semaphore, #tpu.memory_space<semaphore_mem>>) src(%arg25 : memref<48x128xf32, #tpu.memory_space<vmem>>) dst(%dma_wait3A_501 : memref<48x128xf32, #tpu.memory_space<vmem_shared>>)
      tpu.yield
    }) : () -> ()
    %mul3A_107 = arith.constant 624 : i32
    %mul3A_108 = arith.muli %arg1, %mul3A_107 : i32
    %add3A_109 = arith.constant 240 : i32
    %add3A_110 = arith.addi %mul3A_108, %add3A_109 : i32
    "tpu.region"() ({
      %run_scoped3A = tpu.sem_alloc : memref<!tpu.dma_semaphore, #tpu.memory_space<semaphore_mem>>
      %dma_start3A_494 = arith.constant 0 : i32
      %dma_start3A_495 = tpu.memref_slice %arg26[%add3A_110, %dma_start3A_494] : memref<10000x128xf32, #tpu.memory_space<vmem_shared>> -> memref<48x128xf32, #tpu.memory_space<vmem_shared>>
      %dma_start3A_496 = arith.constant 0 : i32
      %dma_start3A_497 = tpu.memref_slice %arg26[%add3A_110, %dma_start3A_496] : memref<10000x128xf32, #tpu.memory_space<vmem_shared>> -> memref<48x128xf32, #tpu.memory_space<vmem_shared>>
      tpu.enqueue_dma source(%arg25 : memref<48x128xf32, #tpu.memory_space<vmem>>) target(%dma_start3A_497 : memref<48x128xf32, #tpu.memory_space<vmem_shared>>) target_semaphore(%run_scoped3A : memref<!tpu.dma_semaphore, #tpu.memory_space<semaphore_mem>>)
      %dma_wait3A_498 = arith.constant 0 : i32
      %dma_wait3A_499 = tpu.memref_slice %arg26[%add3A_110, %dma_wait3A_498] : memref<10000x128xf32, #tpu.memory_space<vmem_shared>> -> memref<48x128xf32, #tpu.memory_space<vmem_shared>>
      %dma_wait3A_500 = arith.constant 0 : i32
      %dma_wait3A_501 = tpu.memref_slice %arg26[%add3A_110, %dma_wait3A_500] : memref<10000x128xf32, #tpu.memory_space<vmem_shared>> -> memref<48x128xf32, #tpu.memory_space<vmem_shared>>
      tpu.wait_dma2 semaphore(%run_scoped3A : memref<!tpu.dma_semaphore, #tpu.memory_space<semaphore_mem>>) src(%arg25 : memref<48x128xf32, #tpu.memory_space<vmem>>) dst(%dma_wait3A_501 : memref<48x128xf32, #tpu.memory_space<vmem_shared>>)
      tpu.yield
    }) : () -> ()
    %mul3A_111 = arith.constant 624 : i32
    %mul3A_112 = arith.muli %arg1, %mul3A_111 : i32
    %add3A_113 = arith.constant 288 : i32
    %add3A_114 = arith.addi %mul3A_112, %add3A_113 : i32
    "tpu.region"() ({
      %run_scoped3A = tpu.sem_alloc : memref<!tpu.dma_semaphore, #tpu.memory_space<semaphore_mem>>
      %dma_start3A_494 = arith.constant 0 : i32
      %dma_start3A_495 = tpu.memref_slice %arg26[%add3A_114, %dma_start3A_494] : memref<10000x128xf32, #tpu.memory_space<vmem_shared>> -> memref<48x128xf32, #tpu.memory_space<vmem_shared>>
      %dma_start3A_496 = arith.constant 0 : i32
      %dma_start3A_497 = tpu.memref_slice %arg26[%add3A_114, %dma_start3A_496] : memref<10000x128xf32, #tpu.memory_space<vmem_shared>> -> memref<48x128xf32, #tpu.memory_space<vmem_shared>>
      tpu.enqueue_dma source(%arg25 : memref<48x128xf32, #tpu.memory_space<vmem>>) target(%dma_start3A_497 : memref<48x128xf32, #tpu.memory_space<vmem_shared>>) target_semaphore(%run_scoped3A : memref<!tpu.dma_semaphore, #tpu.memory_space<semaphore_mem>>)
      %dma_wait3A_498 = arith.constant 0 : i32
      %dma_wait3A_499 = tpu.memref_slice %arg26[%add3A_114, %dma_wait3A_498] : memref<10000x128xf32, #tpu.memory_space<vmem_shared>> -> memref<48x128xf32, #tpu.memory_space<vmem_shared>>
      %dma_wait3A_500 = arith.constant 0 : i32
      %dma_wait3A_501 = tpu.memref_slice %arg26[%add3A_114, %dma_wait3A_500] : memref<10000x128xf32, #tpu.memory_space<vmem_shared>> -> memref<48x128xf32, #tpu.memory_space<vmem_shared>>
      tpu.wait_dma2 semaphore(%run_scoped3A : memref<!tpu.dma_semaphore, #tpu.memory_space<semaphore_mem>>) src(%arg25 : memref<48x128xf32, #tpu.memory_space<vmem>>) dst(%dma_wait3A_501 : memref<48x128xf32, #tpu.memory_space<vmem_shared>>)
      tpu.yield
    }) : () -> ()
    %mul3A_115 = arith.constant 624 : i32
    %mul3A_116 = arith.muli %arg1, %mul3A_115 : i32
    %add3A_117 = arith.constant 336 : i32
    %add3A_118 = arith.addi %mul3A_116, %add3A_117 : i32
    "tpu.region"() ({
      %run_scoped3A = tpu.sem_alloc : memref<!tpu.dma_semaphore, #tpu.memory_space<semaphore_mem>>
      %dma_start3A_494 = arith.constant 0 : i32
      %dma_start3A_495 = tpu.memref_slice %arg26[%add3A_118, %dma_start3A_494] : memref<10000x128xf32, #tpu.memory_space<vmem_shared>> -> memref<48x128xf32, #tpu.memory_space<vmem_shared>>
      %dma_start3A_496 = arith.constant 0 : i32
      %dma_start3A_497 = tpu.memref_slice %arg26[%add3A_118, %dma_start3A_496] : memref<10000x128xf32, #tpu.memory_space<vmem_shared>> -> memref<48x128xf32, #tpu.memory_space<vmem_shared>>
      tpu.enqueue_dma source(%arg25 : memref<48x128xf32, #tpu.memory_space<vmem>>) target(%dma_start3A_497 : memref<48x128xf32, #tpu.memory_space<vmem_shared>>) target_semaphore(%run_scoped3A : memref<!tpu.dma_semaphore, #tpu.memory_space<semaphore_mem>>)
      %dma_wait3A_498 = arith.constant 0 : i32
      %dma_wait3A_499 = tpu.memref_slice %arg26[%add3A_118, %dma_wait3A_498] : memref<10000x128xf32, #tpu.memory_space<vmem_shared>> -> memref<48x128xf32, #tpu.memory_space<vmem_shared>>
      %dma_wait3A_500 = arith.constant 0 : i32
      %dma_wait3A_501 = tpu.memref_slice %arg26[%add3A_118, %dma_wait3A_500] : memref<10000x128xf32, #tpu.memory_space<vmem_shared>> -> memref<48x128xf32, #tpu.memory_space<vmem_shared>>
      tpu.wait_dma2 semaphore(%run_scoped3A : memref<!tpu.dma_semaphore, #tpu.memory_space<semaphore_mem>>) src(%arg25 : memref<48x128xf32, #tpu.memory_space<vmem>>) dst(%dma_wait3A_501 : memref<48x128xf32, #tpu.memory_space<vmem_shared>>)
      tpu.yield
    }) : () -> ()
    %mul3A_119 = arith.constant 624 : i32
    %mul3A_120 = arith.muli %arg1, %mul3A_119 : i32
    %add3A_121 = arith.constant 384 : i32
    %add3A_122 = arith.addi %mul3A_120, %add3A_121 : i32
    "tpu.region"() ({
      %run_scoped3A = tpu.sem_alloc : memref<!tpu.dma_semaphore, #tpu.memory_space<semaphore_mem>>
      %dma_start3A_494 = arith.constant 0 : i32
      %dma_start3A_495 = tpu.memref_slice %arg26[%add3A_122, %dma_start3A_494] : memref<10000x128xf32, #tpu.memory_space<vmem_shared>> -> memref<48x128xf32, #tpu.memory_space<vmem_shared>>
      %dma_start3A_496 = arith.constant 0 : i32
      %dma_start3A_497 = tpu.memref_slice %arg26[%add3A_122, %dma_start3A_496] : memref<10000x128xf32, #tpu.memory_space<vmem_shared>> -> memref<48x128xf32, #tpu.memory_space<vmem_shared>>
      tpu.enqueue_dma source(%arg25 : memref<48x128xf32, #tpu.memory_space<vmem>>) target(%dma_start3A_497 : memref<48x128xf32, #tpu.memory_space<vmem_shared>>) target_semaphore(%run_scoped3A : memref<!tpu.dma_semaphore, #tpu.memory_space<semaphore_mem>>)
      %dma_wait3A_498 = arith.constant 0 : i32
      %dma_wait3A_499 = tpu.memref_slice %arg26[%add3A_122, %dma_wait3A_498] : memref<10000x128xf32, #tpu.memory_space<vmem_shared>> -> memref<48x128xf32, #tpu.memory_space<vmem_shared>>
      %dma_wait3A_500 = arith.constant 0 : i32
      %dma_wait3A_501 = tpu.memref_slice %arg26[%add3A_122, %dma_wait3A_500] : memref<10000x128xf32, #tpu.memory_space<vmem_shared>> -> memref<48x128xf32, #tpu.memory_space<vmem_shared>>
      tpu.wait_dma2 semaphore(%run_scoped3A : memref<!tpu.dma_semaphore, #tpu.memory_space<semaphore_mem>>) src(%arg25 : memref<48x128xf32, #tpu.memory_space<vmem>>) dst(%dma_wait3A_501 : memref<48x128xf32, #tpu.memory_space<vmem_shared>>)
      tpu.yield
    }) : () -> ()
    %mul3A_123 = arith.constant 624 : i32
    %mul3A_124 = arith.muli %arg1, %mul3A_123 : i32
    %add3A_125 = arith.constant 432 : i32
    %add3A_126 = arith.addi %mul3A_124, %add3A_125 : i32
    "tpu.region"() ({
      %run_scoped3A = tpu.sem_alloc : memref<!tpu.dma_semaphore, #tpu.memory_space<semaphore_mem>>
      %dma_start3A_494 = arith.constant 0 : i32
      %dma_start3A_495 = tpu.memref_slice %arg26[%add3A_126, %dma_start3A_494] : memref<10000x128xf32, #tpu.memory_space<vmem_shared>> -> memref<48x128xf32, #tpu.memory_space<vmem_shared>>
      %dma_start3A_496 = arith.constant 0 : i32
      %dma_start3A_497 = tpu.memref_slice %arg26[%add3A_126, %dma_start3A_496] : memref<10000x128xf32, #tpu.memory_space<vmem_shared>> -> memref<48x128xf32, #tpu.memory_space<vmem_shared>>
      tpu.enqueue_dma source(%arg25 : memref<48x128xf32, #tpu.memory_space<vmem>>) target(%dma_start3A_497 : memref<48x128xf32, #tpu.memory_space<vmem_shared>>) target_semaphore(%run_scoped3A : memref<!tpu.dma_semaphore, #tpu.memory_space<semaphore_mem>>)
      %dma_wait3A_498 = arith.constant 0 : i32
      %dma_wait3A_499 = tpu.memref_slice %arg26[%add3A_126, %dma_wait3A_498] : memref<10000x128xf32, #tpu.memory_space<vmem_shared>> -> memref<48x128xf32, #tpu.memory_space<vmem_shared>>
      %dma_wait3A_500 = arith.constant 0 : i32
      %dma_wait3A_501 = tpu.memref_slice %arg26[%add3A_126, %dma_wait3A_500] : memref<10000x128xf32, #tpu.memory_space<vmem_shared>> -> memref<48x128xf32, #tpu.memory_space<vmem_shared>>
      tpu.wait_dma2 semaphore(%run_scoped3A : memref<!tpu.dma_semaphore, #tpu.memory_space<semaphore_mem>>) src(%arg25 : memref<48x128xf32, #tpu.memory_space<vmem>>) dst(%dma_wait3A_501 : memref<48x128xf32, #tpu.memory_space<vmem_shared>>)
      tpu.yield
    }) : () -> ()
    %mul3A_127 = arith.constant 624 : i32
    %mul3A_128 = arith.muli %arg1, %mul3A_127 : i32
    %add3A_129 = arith.constant 480 : i32
    %add3A_130 = arith.addi %mul3A_128, %add3A_129 : i32
    "tpu.region"() ({
      %run_scoped3A = tpu.sem_alloc : memref<!tpu.dma_semaphore, #tpu.memory_space<semaphore_mem>>
      %dma_start3A_494 = arith.constant 0 : i32
      %dma_start3A_495 = tpu.memref_slice %arg26[%add3A_130, %dma_start3A_494] : memref<10000x128xf32, #tpu.memory_space<vmem_shared>> -> memref<48x128xf32, #tpu.memory_space<vmem_shared>>
      %dma_start3A_496 = arith.constant 0 : i32
      %dma_start3A_497 = tpu.memref_slice %arg26[%add3A_130, %dma_start3A_496] : memref<10000x128xf32, #tpu.memory_space<vmem_shared>> -> memref<48x128xf32, #tpu.memory_space<vmem_shared>>
      tpu.enqueue_dma source(%arg25 : memref<48x128xf32, #tpu.memory_space<vmem>>) target(%dma_start3A_497 : memref<48x128xf32, #tpu.memory_space<vmem_shared>>) target_semaphore(%run_scoped3A : memref<!tpu.dma_semaphore, #tpu.memory_space<semaphore_mem>>)
      %dma_wait3A_498 = arith.constant 0 : i32
      %dma_wait3A_499 = tpu.memref_slice %arg26[%add3A_130, %dma_wait3A_498] : memref<10000x128xf32, #tpu.memory_space<vmem_shared>> -> memref<48x128xf32, #tpu.memory_space<vmem_shared>>
      %dma_wait3A_500 = arith.constant 0 : i32
      %dma_wait3A_501 = tpu.memref_slice %arg26[%add3A_130, %dma_wait3A_500] : memref<10000x128xf32, #tpu.memory_space<vmem_shared>> -> memref<48x128xf32, #tpu.memory_space<vmem_shared>>
      tpu.wait_dma2 semaphore(%run_scoped3A : memref<!tpu.dma_semaphore, #tpu.memory_space<semaphore_mem>>) src(%arg25 : memref<48x128xf32, #tpu.memory_space<vmem>>) dst(%dma_wait3A_501 : memref<48x128xf32, #tpu.memory_space<vmem_shared>>)
      tpu.yield
    }) : () -> ()
    %mul3A_131 = arith.constant 624 : i32
    %mul3A_132 = arith.muli %arg1, %mul3A_131 : i32
    %add3A_133 = arith.constant 528 : i32
    %add3A_134 = arith.addi %mul3A_132, %add3A_133 : i32
    "tpu.region"() ({
      %run_scoped3A = tpu.sem_alloc : memref<!tpu.dma_semaphore, #tpu.memory_space<semaphore_mem>>
      %dma_start3A_494 = arith.constant 0 : i32
      %dma_start3A_495 = tpu.memref_slice %arg26[%add3A_134, %dma_start3A_494] : memref<10000x128xf32, #tpu.memory_space<vmem_shared>> -> memref<48x128xf32, #tpu.memory_space<vmem_shared>>
      %dma_start3A_496 = arith.constant 0 : i32
      %dma_start3A_497 = tpu.memref_slice %arg26[%add3A_134, %dma_start3A_496] : memref<10000x128xf32, #tpu.memory_space<vmem_shared>> -> memref<48x128xf32, #tpu.memory_space<vmem_shared>>
      tpu.enqueue_dma source(%arg25 : memref<48x128xf32, #tpu.memory_space<vmem>>) target(%dma_start3A_497 : memref<48x128xf32, #tpu.memory_space<vmem_shared>>) target_semaphore(%run_scoped3A : memref<!tpu.dma_semaphore, #tpu.memory_space<semaphore_mem>>)
      %dma_wait3A_498 = arith.constant 0 : i32
      %dma_wait3A_499 = tpu.memref_slice %arg26[%add3A_134, %dma_wait3A_498] : memref<10000x128xf32, #tpu.memory_space<vmem_shared>> -> memref<48x128xf32, #tpu.memory_space<vmem_shared>>
      %dma_wait3A_500 = arith.constant 0 : i32
      %dma_wait3A_501 = tpu.memref_slice %arg26[%add3A_134, %dma_wait3A_500] : memref<10000x128xf32, #tpu.memory_space<vmem_shared>> -> memref<48x128xf32, #tpu.memory_space<vmem_shared>>
      tpu.wait_dma2 semaphore(%run_scoped3A : memref<!tpu.dma_semaphore, #tpu.memory_space<semaphore_mem>>) src(%arg25 : memref<48x128xf32, #tpu.memory_space<vmem>>) dst(%dma_wait3A_501 : memref<48x128xf32, #tpu.memory_space<vmem_shared>>)
      tpu.yield
    }) : () -> ()
    %mul3A_135 = arith.constant 624 : i32
    %mul3A_136 = arith.muli %arg1, %mul3A_135 : i32
    %add3A_137 = arith.constant 576 : i32
    %add3A_138 = arith.addi %mul3A_136, %add3A_137 : i32
    "tpu.region"() ({
      %run_scoped3A = tpu.sem_alloc : memref<!tpu.dma_semaphore, #tpu.memory_space<semaphore_mem>>
      %dma_start3A_494 = arith.constant 0 : i32
      %dma_start3A_495 = tpu.memref_slice %arg26[%add3A_138, %dma_start3A_494] : memref<10000x128xf32, #tpu.memory_space<vmem_shared>> -> memref<48x128xf32, #tpu.memory_space<vmem_shared>>
      %dma_start3A_496 = arith.constant 0 : i32
      %dma_start3A_497 = tpu.memref_slice %arg26[%add3A_138, %dma_start3A_496] : memref<10000x128xf32, #tpu.memory_space<vmem_shared>> -> memref<48x128xf32, #tpu.memory_space<vmem_shared>>
      tpu.enqueue_dma source(%arg25 : memref<48x128xf32, #tpu.memory_space<vmem>>) target(%dma_start3A_497 : memref<48x128xf32, #tpu.memory_space<vmem_shared>>) target_semaphore(%run_scoped3A : memref<!tpu.dma_semaphore, #tpu.memory_space<semaphore_mem>>)
      %dma_wait3A_498 = arith.constant 0 : i32
      %dma_wait3A_499 = tpu.memref_slice %arg26[%add3A_138, %dma_wait3A_498] : memref<10000x128xf32, #tpu.memory_space<vmem_shared>> -> memref<48x128xf32, #tpu.memory_space<vmem_shared>>
      %dma_wait3A_500 = arith.constant 0 : i32
      %dma_wait3A_501 = tpu.memref_slice %arg26[%add3A_138, %dma_wait3A_500] : memref<10000x128xf32, #tpu.memory_space<vmem_shared>> -> memref<48x128xf32, #tpu.memory_space<vmem_shared>>
      tpu.wait_dma2 semaphore(%run_scoped3A : memref<!tpu.dma_semaphore, #tpu.memory_space<semaphore_mem>>) src(%arg25 : memref<48x128xf32, #tpu.memory_space<vmem>>) dst(%dma_wait3A_501 : memref<48x128xf32, #tpu.memory_space<vmem_shared>>)
      tpu.yield
    }) : () -> ()
    %eq3A = arith.constant 15 : i32
    %eq3A_139 = arith.cmpi eq, %arg1, %eq3A : i32
    %convert_element_type3A = arith.extui %eq3A_139 : i1 to i32
    %cond3A = arith.constant 0 : i32
    %cond3A_140 = arith.cmpi ne, %convert_element_type3A, %cond3A : i32
    scf.if %cond3A_140 {
      "tpu.region"() ({
        %run_scoped3A = tpu.sem_alloc : memref<!tpu.dma_semaphore, #tpu.memory_space<semaphore_mem>>
        %dma_start3A_494 = arith.constant 0 : i32
        %dma_start3A_495 = arith.constant 0 : i32
        %dma_start3A_496 = tpu.memref_slice %arg25[%dma_start3A_494, %dma_start3A_495] : memref<48x128xf32, #tpu.memory_space<vmem>> -> memref<16x128xf32, #tpu.memory_space<vmem>>
        %dma_start3A_497 = arith.constant 9984 : i32
        %dma_start3A_498 = arith.constant 0 : i32
        %dma_start3A_499 = tpu.memref_slice %arg26[%dma_start3A_497, %dma_start3A_498] : memref<10000x128xf32, #tpu.memory_space<vmem_shared>> -> memref<16x128xf32, #tpu.memory_space<vmem_shared>>
        %dma_start3A_500 = arith.constant 9984 : i32
        %dma_start3A_501 = arith.constant 0 : i32
        %dma_start3A_502 = tpu.memref_slice %arg26[%dma_start3A_500, %dma_start3A_501] : memref<10000x128xf32, #tpu.memory_space<vmem_shared>> -> memref<16x128xf32, #tpu.memory_space<vmem_shared>>
        %dma_start3A_503 = arith.constant 0 : i32
        %dma_start3A_504 = arith.constant 0 : i32
        %dma_start3A_505 = tpu.memref_slice %arg25[%dma_start3A_503, %dma_start3A_504] : memref<48x128xf32, #tpu.memory_space<vmem>> -> memref<16x128xf32, #tpu.memory_space<vmem>>
        tpu.enqueue_dma source(%dma_start3A_505 : memref<16x128xf32, #tpu.memory_space<vmem>>) target(%dma_start3A_502 : memref<16x128xf32, #tpu.memory_space<vmem_shared>>) target_semaphore(%run_scoped3A : memref<!tpu.dma_semaphore, #tpu.memory_space<semaphore_mem>>)
        %dma_wait3A_506 = arith.constant 0 : i32
        %dma_wait3A_507 = arith.constant 0 : i32
        %dma_wait3A_508 = tpu.memref_slice %arg25[%dma_wait3A_506, %dma_wait3A_507] : memref<48x128xf32, #tpu.memory_space<vmem>> -> memref<16x128xf32, #tpu.memory_space<vmem>>
        %dma_wait3A_509 = arith.constant 9984 : i32
        %dma_wait3A_510 = arith.constant 0 : i32
        %dma_wait3A_511 = tpu.memref_slice %arg26[%dma_wait3A_509, %dma_wait3A_510] : memref<10000x128xf32, #tpu.memory_space<vmem_shared>> -> memref<16x128xf32, #tpu.memory_space<vmem_shared>>
        %dma_wait3A_512 = arith.constant 9984 : i32
        %dma_wait3A_513 = arith.constant 0 : i32
        %dma_wait3A_514 = tpu.memref_slice %arg26[%dma_wait3A_512, %dma_wait3A_513] : memref<10000x128xf32, #tpu.memory_space<vmem_shared>> -> memref<16x128xf32, #tpu.memory_space<vmem_shared>>
        %dma_wait3A_515 = arith.constant 0 : i32
        %dma_wait3A_516 = arith.constant 0 : i32
        %dma_wait3A_517 = tpu.memref_slice %arg25[%dma_wait3A_515, %dma_wait3A_516] : memref<48x128xf32, #tpu.memory_space<vmem>> -> memref<16x128xf32, #tpu.memory_space<vmem>>
        tpu.wait_dma2 semaphore(%run_scoped3A : memref<!tpu.dma_semaphore, #tpu.memory_space<semaphore_mem>>) src(%dma_wait3A_517 : memref<16x128xf32, #tpu.memory_space<vmem>>) dst(%dma_wait3A_514 : memref<16x128xf32, #tpu.memory_space<vmem_shared>>)
        tpu.yield
      }) : () -> ()
    } else {
    }
    %add3A_141 = arith.constant 0 : i32
    %add3A_142 = arith.addi %mul3A_2, %add3A_141 : i32
    %dma_wait3A = tpu.memref_slice %arg3[%add3A_142] : memref<640000xi32, #tpu.memory_space<hbm>> -> memref<80xi32, #tpu.memory_space<hbm>>
    %dma_wait3A_143 = tpu.memref_slice %arg3[%add3A_142] : memref<640000xi32, #tpu.memory_space<hbm>> -> memref<80xi32, #tpu.memory_space<hbm>>
    tpu.wait_dma2 semaphore(%arg27 : memref<!tpu.dma_semaphore, #tpu.memory_space<semaphore_mem>>) src(%dma_wait3A_143 : memref<80xi32, #tpu.memory_space<hbm>>) dst(%arg5 : memref<80xi32, #tpu.memory_space<vmem>>)
    %add3A_144 = arith.constant 320000 : i32
    %add3A_145 = arith.addi %add3A_144, %mul3A_2 : i32
    %add3A_146 = arith.constant 0 : i32
    %add3A_147 = arith.addi %add3A_145, %add3A_146 : i32
    %dma_wait3A_148 = tpu.memref_slice %arg3[%add3A_147] : memref<640000xi32, #tpu.memory_space<hbm>> -> memref<80xi32, #tpu.memory_space<hbm>>
    %dma_wait3A_149 = tpu.memref_slice %arg3[%add3A_147] : memref<640000xi32, #tpu.memory_space<hbm>> -> memref<80xi32, #tpu.memory_space<hbm>>
    tpu.wait_dma2 semaphore(%arg27 : memref<!tpu.dma_semaphore, #tpu.memory_space<semaphore_mem>>) src(%dma_wait3A_149 : memref<80xi32, #tpu.memory_space<hbm>>) dst(%arg13 : memref<80xi32, #tpu.memory_space<vmem>>)
    %dma_start3A_150 = arith.constant 0 : i32
    %dma_start3A_151 = arith.constant 0 : i32
    %dma_start3A_152 = tpu.memref_slice %arg2[%dma_start3A_150, %dma_start3A_151] : memref<10000x128xf32, #tpu.memory_space<hbm>> -> memref<10000x128xf32, #tpu.memory_space<hbm>>
    tpu.enqueue_indirect_dma source(%dma_start3A_152 : memref<10000x128xf32, #tpu.memory_space<hbm>>) target(%arg21 : memref<80x128xf32, #tpu.memory_space<vmem>>) offsets(%arg5 : memref<80xi32, #tpu.memory_space<vmem>>) semaphore(%arg35 : memref<!tpu.dma_semaphore, #tpu.memory_space<semaphore_mem>>)
    %add3A_153 = arith.constant 80 : i32
    %add3A_154 = arith.addi %mul3A_2, %add3A_153 : i32
    %dma_wait3A_155 = tpu.memref_slice %arg3[%add3A_154] : memref<640000xi32, #tpu.memory_space<hbm>> -> memref<80xi32, #tpu.memory_space<hbm>>
    %dma_wait3A_156 = tpu.memref_slice %arg3[%add3A_154] : memref<640000xi32, #tpu.memory_space<hbm>> -> memref<80xi32, #tpu.memory_space<hbm>>
    tpu.wait_dma2 semaphore(%arg28 : memref<!tpu.dma_semaphore, #tpu.memory_space<semaphore_mem>>) src(%dma_wait3A_156 : memref<80xi32, #tpu.memory_space<hbm>>) dst(%arg6 : memref<80xi32, #tpu.memory_space<vmem>>)
    %add3A_157 = arith.constant 320000 : i32
    %add3A_158 = arith.addi %add3A_157, %mul3A_2 : i32
    %add3A_159 = arith.constant 80 : i32
    %add3A_160 = arith.addi %add3A_158, %add3A_159 : i32
    %dma_wait3A_161 = tpu.memref_slice %arg3[%add3A_160] : memref<640000xi32, #tpu.memory_space<hbm>> -> memref<80xi32, #tpu.memory_space<hbm>>
    %dma_wait3A_162 = tpu.memref_slice %arg3[%add3A_160] : memref<640000xi32, #tpu.memory_space<hbm>> -> memref<80xi32, #tpu.memory_space<hbm>>
    tpu.wait_dma2 semaphore(%arg28 : memref<!tpu.dma_semaphore, #tpu.memory_space<semaphore_mem>>) src(%dma_wait3A_162 : memref<80xi32, #tpu.memory_space<hbm>>) dst(%arg14 : memref<80xi32, #tpu.memory_space<vmem>>)
    %dma_start3A_163 = arith.constant 0 : i32
    %dma_start3A_164 = arith.constant 0 : i32
    %dma_start3A_165 = tpu.memref_slice %arg2[%dma_start3A_163, %dma_start3A_164] : memref<10000x128xf32, #tpu.memory_space<hbm>> -> memref<10000x128xf32, #tpu.memory_space<hbm>>
    tpu.enqueue_indirect_dma source(%dma_start3A_165 : memref<10000x128xf32, #tpu.memory_space<hbm>>) target(%arg22 : memref<80x128xf32, #tpu.memory_space<vmem>>) offsets(%arg6 : memref<80xi32, #tpu.memory_space<vmem>>) semaphore(%arg36 : memref<!tpu.dma_semaphore, #tpu.memory_space<semaphore_mem>>)
    %barrier3A = arith.constant 0 : index
    tpu.barrier barrier_id(%barrier3A)
    %dma_wait3A_166 = arith.constant 0 : i32
    %dma_wait3A_167 = arith.constant 0 : i32
    %dma_wait3A_168 = tpu.memref_slice %arg2[%dma_wait3A_166, %dma_wait3A_167] : memref<10000x128xf32, #tpu.memory_space<hbm>> -> memref<10000x128xf32, #tpu.memory_space<hbm>>
    tpu.wait_indirect_dma semaphore(%arg35 : memref<!tpu.dma_semaphore, #tpu.memory_space<semaphore_mem>>) src(%dma_wait3A_168 : memref<10000x128xf32, #tpu.memory_space<hbm>>) dst(%arg21 : memref<80x128xf32, #tpu.memory_space<vmem>>)
    %dma_start3A_169 = arith.constant 0 : i32
    %dma_start3A_170 = arith.constant 0 : i32
    %dma_start3A_171 = tpu.memref_slice %arg26[%dma_start3A_169, %dma_start3A_170] : memref<10000x128xf32, #tpu.memory_space<vmem_shared>> -> memref<10000x128xf32, #tpu.memory_space<vmem_shared>>
    tpu.enqueue_indirect_dma source(%arg21 : memref<80x128xf32, #tpu.memory_space<vmem>>) target(%dma_start3A_171 : memref<10000x128xf32, #tpu.memory_space<vmem_shared>>) offsets(%arg13 : memref<80xi32, #tpu.memory_space<vmem>>) semaphore(%arg39 : memref<!tpu.dma_semaphore, #tpu.memory_space<semaphore_mem>>) {add = true}
    %add3A_172 = arith.constant 160 : i32
    %add3A_173 = arith.addi %mul3A_2, %add3A_172 : i32
    %dma_wait3A_174 = tpu.memref_slice %arg3[%add3A_173] : memref<640000xi32, #tpu.memory_space<hbm>> -> memref<80xi32, #tpu.memory_space<hbm>>
    %dma_wait3A_175 = tpu.memref_slice %arg3[%add3A_173] : memref<640000xi32, #tpu.memory_space<hbm>> -> memref<80xi32, #tpu.memory_space<hbm>>
    tpu.wait_dma2 semaphore(%arg29 : memref<!tpu.dma_semaphore, #tpu.memory_space<semaphore_mem>>) src(%dma_wait3A_175 : memref<80xi32, #tpu.memory_space<hbm>>) dst(%arg7 : memref<80xi32, #tpu.memory_space<vmem>>)
    %add3A_176 = arith.constant 320000 : i32
    %add3A_177 = arith.addi %add3A_176, %mul3A_2 : i32
    %add3A_178 = arith.constant 160 : i32
    %add3A_179 = arith.addi %add3A_177, %add3A_178 : i32
    %dma_wait3A_180 = tpu.memref_slice %arg3[%add3A_179] : memref<640000xi32, #tpu.memory_space<hbm>> -> memref<80xi32, #tpu.memory_space<hbm>>
    %dma_wait3A_181 = tpu.memref_slice %arg3[%add3A_179] : memref<640000xi32, #tpu.memory_space<hbm>> -> memref<80xi32, #tpu.memory_space<hbm>>
    tpu.wait_dma2 semaphore(%arg29 : memref<!tpu.dma_semaphore, #tpu.memory_space<semaphore_mem>>) src(%dma_wait3A_181 : memref<80xi32, #tpu.memory_space<hbm>>) dst(%arg15 : memref<80xi32, #tpu.memory_space<vmem>>)
    %dma_start3A_182 = arith.constant 0 : i32
    %dma_start3A_183 = arith.constant 0 : i32
    %dma_start3A_184 = tpu.memref_slice %arg2[%dma_start3A_182, %dma_start3A_183] : memref<10000x128xf32, #tpu.memory_space<hbm>> -> memref<10000x128xf32, #tpu.memory_space<hbm>>
    tpu.enqueue_indirect_dma source(%dma_start3A_184 : memref<10000x128xf32, #tpu.memory_space<hbm>>) target(%arg23 : memref<80x128xf32, #tpu.memory_space<vmem>>) offsets(%arg7 : memref<80xi32, #tpu.memory_space<vmem>>) semaphore(%arg37 : memref<!tpu.dma_semaphore, #tpu.memory_space<semaphore_mem>>)
    %dma_wait3A_185 = arith.constant 0 : i32
    %dma_wait3A_186 = arith.constant 0 : i32
    %dma_wait3A_187 = tpu.memref_slice %arg2[%dma_wait3A_185, %dma_wait3A_186] : memref<10000x128xf32, #tpu.memory_space<hbm>> -> memref<10000x128xf32, #tpu.memory_space<hbm>>
    tpu.wait_indirect_dma semaphore(%arg36 : memref<!tpu.dma_semaphore, #tpu.memory_space<semaphore_mem>>) src(%dma_wait3A_187 : memref<10000x128xf32, #tpu.memory_space<hbm>>) dst(%arg22 : memref<80x128xf32, #tpu.memory_space<vmem>>)
    %dma_start3A_188 = arith.constant 0 : i32
    %dma_start3A_189 = arith.constant 0 : i32
    %dma_start3A_190 = tpu.memref_slice %arg26[%dma_start3A_188, %dma_start3A_189] : memref<10000x128xf32, #tpu.memory_space<vmem_shared>> -> memref<10000x128xf32, #tpu.memory_space<vmem_shared>>
    tpu.enqueue_indirect_dma source(%arg22 : memref<80x128xf32, #tpu.memory_space<vmem>>) target(%dma_start3A_190 : memref<10000x128xf32, #tpu.memory_space<vmem_shared>>) offsets(%arg14 : memref<80xi32, #tpu.memory_space<vmem>>) semaphore(%arg40 : memref<!tpu.dma_semaphore, #tpu.memory_space<semaphore_mem>>) {add = true}
    %add3A_191 = arith.constant 240 : i32
    %add3A_192 = arith.addi %mul3A_2, %add3A_191 : i32
    %dma_wait3A_193 = tpu.memref_slice %arg3[%add3A_192] : memref<640000xi32, #tpu.memory_space<hbm>> -> memref<80xi32, #tpu.memory_space<hbm>>
    %dma_wait3A_194 = tpu.memref_slice %arg3[%add3A_192] : memref<640000xi32, #tpu.memory_space<hbm>> -> memref<80xi32, #tpu.memory_space<hbm>>
    tpu.wait_dma2 semaphore(%arg30 : memref<!tpu.dma_semaphore, #tpu.memory_space<semaphore_mem>>) src(%dma_wait3A_194 : memref<80xi32, #tpu.memory_space<hbm>>) dst(%arg8 : memref<80xi32, #tpu.memory_space<vmem>>)
    %add3A_195 = arith.constant 320000 : i32
    %add3A_196 = arith.addi %add3A_195, %mul3A_2 : i32
    %add3A_197 = arith.constant 240 : i32
    %add3A_198 = arith.addi %add3A_196, %add3A_197 : i32
    %dma_wait3A_199 = tpu.memref_slice %arg3[%add3A_198] : memref<640000xi32, #tpu.memory_space<hbm>> -> memref<80xi32, #tpu.memory_space<hbm>>
    %dma_wait3A_200 = tpu.memref_slice %arg3[%add3A_198] : memref<640000xi32, #tpu.memory_space<hbm>> -> memref<80xi32, #tpu.memory_space<hbm>>
    tpu.wait_dma2 semaphore(%arg30 : memref<!tpu.dma_semaphore, #tpu.memory_space<semaphore_mem>>) src(%dma_wait3A_200 : memref<80xi32, #tpu.memory_space<hbm>>) dst(%arg16 : memref<80xi32, #tpu.memory_space<vmem>>)
    %dma_start3A_201 = arith.constant 0 : i32
    %dma_start3A_202 = arith.constant 0 : i32
    %dma_start3A_203 = tpu.memref_slice %arg2[%dma_start3A_201, %dma_start3A_202] : memref<10000x128xf32, #tpu.memory_space<hbm>> -> memref<10000x128xf32, #tpu.memory_space<hbm>>
    tpu.enqueue_indirect_dma source(%dma_start3A_203 : memref<10000x128xf32, #tpu.memory_space<hbm>>) target(%arg24 : memref<80x128xf32, #tpu.memory_space<vmem>>) offsets(%arg8 : memref<80xi32, #tpu.memory_space<vmem>>) semaphore(%arg38 : memref<!tpu.dma_semaphore, #tpu.memory_space<semaphore_mem>>)
    %dma_wait3A_204 = arith.constant 0 : i32
    %dma_wait3A_205 = arith.constant 0 : i32
    %dma_wait3A_206 = tpu.memref_slice %arg2[%dma_wait3A_204, %dma_wait3A_205] : memref<10000x128xf32, #tpu.memory_space<hbm>> -> memref<10000x128xf32, #tpu.memory_space<hbm>>
    tpu.wait_indirect_dma semaphore(%arg37 : memref<!tpu.dma_semaphore, #tpu.memory_space<semaphore_mem>>) src(%dma_wait3A_206 : memref<10000x128xf32, #tpu.memory_space<hbm>>) dst(%arg23 : memref<80x128xf32, #tpu.memory_space<vmem>>)
    %dma_start3A_207 = arith.constant 0 : i32
    %dma_start3A_208 = arith.constant 0 : i32
    %dma_start3A_209 = tpu.memref_slice %arg26[%dma_start3A_207, %dma_start3A_208] : memref<10000x128xf32, #tpu.memory_space<vmem_shared>> -> memref<10000x128xf32, #tpu.memory_space<vmem_shared>>
    tpu.enqueue_indirect_dma source(%arg23 : memref<80x128xf32, #tpu.memory_space<vmem>>) target(%dma_start3A_209 : memref<10000x128xf32, #tpu.memory_space<vmem_shared>>) offsets(%arg15 : memref<80xi32, #tpu.memory_space<vmem>>) semaphore(%arg41 : memref<!tpu.dma_semaphore, #tpu.memory_space<semaphore_mem>>) {add = true}
    %dma_wait3A_210 = arith.constant 0 : i32
    %dma_wait3A_211 = arith.constant 0 : i32
    %dma_wait3A_212 = tpu.memref_slice %arg26[%dma_wait3A_210, %dma_wait3A_211] : memref<10000x128xf32, #tpu.memory_space<vmem_shared>> -> memref<10000x128xf32, #tpu.memory_space<vmem_shared>>
    tpu.wait_indirect_dma semaphore(%arg39 : memref<!tpu.dma_semaphore, #tpu.memory_space<semaphore_mem>>) src(%arg21 : memref<80x128xf32, #tpu.memory_space<vmem>>) dst(%dma_wait3A_212 : memref<10000x128xf32, #tpu.memory_space<vmem_shared>>)
    %add3A_213 = arith.constant 320 : i32
    %add3A_214 = arith.addi %mul3A_2, %add3A_213 : i32
    %dma_wait3A_215 = tpu.memref_slice %arg3[%add3A_214] : memref<640000xi32, #tpu.memory_space<hbm>> -> memref<80xi32, #tpu.memory_space<hbm>>
    %dma_wait3A_216 = tpu.memref_slice %arg3[%add3A_214] : memref<640000xi32, #tpu.memory_space<hbm>> -> memref<80xi32, #tpu.memory_space<hbm>>
    tpu.wait_dma2 semaphore(%arg31 : memref<!tpu.dma_semaphore, #tpu.memory_space<semaphore_mem>>) src(%dma_wait3A_216 : memref<80xi32, #tpu.memory_space<hbm>>) dst(%arg9 : memref<80xi32, #tpu.memory_space<vmem>>)
    %add3A_217 = arith.constant 320000 : i32
    %add3A_218 = arith.addi %add3A_217, %mul3A_2 : i32
    %add3A_219 = arith.constant 320 : i32
    %add3A_220 = arith.addi %add3A_218, %add3A_219 : i32
    %dma_wait3A_221 = tpu.memref_slice %arg3[%add3A_220] : memref<640000xi32, #tpu.memory_space<hbm>> -> memref<80xi32, #tpu.memory_space<hbm>>
    %dma_wait3A_222 = tpu.memref_slice %arg3[%add3A_220] : memref<640000xi32, #tpu.memory_space<hbm>> -> memref<80xi32, #tpu.memory_space<hbm>>
    tpu.wait_dma2 semaphore(%arg31 : memref<!tpu.dma_semaphore, #tpu.memory_space<semaphore_mem>>) src(%dma_wait3A_222 : memref<80xi32, #tpu.memory_space<hbm>>) dst(%arg17 : memref<80xi32, #tpu.memory_space<vmem>>)
    %dma_start3A_223 = arith.constant 0 : i32
    %dma_start3A_224 = arith.constant 0 : i32
    %dma_start3A_225 = tpu.memref_slice %arg2[%dma_start3A_223, %dma_start3A_224] : memref<10000x128xf32, #tpu.memory_space<hbm>> -> memref<10000x128xf32, #tpu.memory_space<hbm>>
    tpu.enqueue_indirect_dma source(%dma_start3A_225 : memref<10000x128xf32, #tpu.memory_space<hbm>>) target(%arg21 : memref<80x128xf32, #tpu.memory_space<vmem>>) offsets(%arg9 : memref<80xi32, #tpu.memory_space<vmem>>) semaphore(%arg35 : memref<!tpu.dma_semaphore, #tpu.memory_space<semaphore_mem>>)
    %dma_wait3A_226 = arith.constant 0 : i32
    %dma_wait3A_227 = arith.constant 0 : i32
    %dma_wait3A_228 = tpu.memref_slice %arg2[%dma_wait3A_226, %dma_wait3A_227] : memref<10000x128xf32, #tpu.memory_space<hbm>> -> memref<10000x128xf32, #tpu.memory_space<hbm>>
    tpu.wait_indirect_dma semaphore(%arg38 : memref<!tpu.dma_semaphore, #tpu.memory_space<semaphore_mem>>) src(%dma_wait3A_228 : memref<10000x128xf32, #tpu.memory_space<hbm>>) dst(%arg24 : memref<80x128xf32, #tpu.memory_space<vmem>>)
    %dma_start3A_229 = arith.constant 0 : i32
    %dma_start3A_230 = arith.constant 0 : i32
    %dma_start3A_231 = tpu.memref_slice %arg26[%dma_start3A_229, %dma_start3A_230] : memref<10000x128xf32, #tpu.memory_space<vmem_shared>> -> memref<10000x128xf32, #tpu.memory_space<vmem_shared>>
    tpu.enqueue_indirect_dma source(%arg24 : memref<80x128xf32, #tpu.memory_space<vmem>>) target(%dma_start3A_231 : memref<10000x128xf32, #tpu.memory_space<vmem_shared>>) offsets(%arg16 : memref<80xi32, #tpu.memory_space<vmem>>) semaphore(%arg42 : memref<!tpu.dma_semaphore, #tpu.memory_space<semaphore_mem>>) {add = true}
    %dma_wait3A_232 = arith.constant 0 : i32
    %dma_wait3A_233 = arith.constant 0 : i32
    %dma_wait3A_234 = tpu.memref_slice %arg26[%dma_wait3A_232, %dma_wait3A_233] : memref<10000x128xf32, #tpu.memory_space<vmem_shared>> -> memref<10000x128xf32, #tpu.memory_space<vmem_shared>>
    tpu.wait_indirect_dma semaphore(%arg40 : memref<!tpu.dma_semaphore, #tpu.memory_space<semaphore_mem>>) src(%arg22 : memref<80x128xf32, #tpu.memory_space<vmem>>) dst(%dma_wait3A_234 : memref<10000x128xf32, #tpu.memory_space<vmem_shared>>)
    %add3A_235 = arith.constant 400 : i32
    %add3A_236 = arith.addi %mul3A_2, %add3A_235 : i32
    %dma_wait3A_237 = tpu.memref_slice %arg3[%add3A_236] : memref<640000xi32, #tpu.memory_space<hbm>> -> memref<80xi32, #tpu.memory_space<hbm>>
    %dma_wait3A_238 = tpu.memref_slice %arg3[%add3A_236] : memref<640000xi32, #tpu.memory_space<hbm>> -> memref<80xi32, #tpu.memory_space<hbm>>
    tpu.wait_dma2 semaphore(%arg32 : memref<!tpu.dma_semaphore, #tpu.memory_space<semaphore_mem>>) src(%dma_wait3A_238 : memref<80xi32, #tpu.memory_space<hbm>>) dst(%arg10 : memref<80xi32, #tpu.memory_space<vmem>>)
    %add3A_239 = arith.constant 320000 : i32
    %add3A_240 = arith.addi %add3A_239, %mul3A_2 : i32
    %add3A_241 = arith.constant 400 : i32
    %add3A_242 = arith.addi %add3A_240, %add3A_241 : i32
    %dma_wait3A_243 = tpu.memref_slice %arg3[%add3A_242] : memref<640000xi32, #tpu.memory_space<hbm>> -> memref<80xi32, #tpu.memory_space<hbm>>
    %dma_wait3A_244 = tpu.memref_slice %arg3[%add3A_242] : memref<640000xi32, #tpu.memory_space<hbm>> -> memref<80xi32, #tpu.memory_space<hbm>>
    tpu.wait_dma2 semaphore(%arg32 : memref<!tpu.dma_semaphore, #tpu.memory_space<semaphore_mem>>) src(%dma_wait3A_244 : memref<80xi32, #tpu.memory_space<hbm>>) dst(%arg18 : memref<80xi32, #tpu.memory_space<vmem>>)
    %dma_start3A_245 = arith.constant 0 : i32
    %dma_start3A_246 = arith.constant 0 : i32
    %dma_start3A_247 = tpu.memref_slice %arg2[%dma_start3A_245, %dma_start3A_246] : memref<10000x128xf32, #tpu.memory_space<hbm>> -> memref<10000x128xf32, #tpu.memory_space<hbm>>
    tpu.enqueue_indirect_dma source(%dma_start3A_247 : memref<10000x128xf32, #tpu.memory_space<hbm>>) target(%arg22 : memref<80x128xf32, #tpu.memory_space<vmem>>) offsets(%arg10 : memref<80xi32, #tpu.memory_space<vmem>>) semaphore(%arg36 : memref<!tpu.dma_semaphore, #tpu.memory_space<semaphore_mem>>)
    %dma_wait3A_248 = arith.constant 0 : i32
    %dma_wait3A_249 = arith.constant 0 : i32
    %dma_wait3A_250 = tpu.memref_slice %arg2[%dma_wait3A_248, %dma_wait3A_249] : memref<10000x128xf32, #tpu.memory_space<hbm>> -> memref<10000x128xf32, #tpu.memory_space<hbm>>
    tpu.wait_indirect_dma semaphore(%arg35 : memref<!tpu.dma_semaphore, #tpu.memory_space<semaphore_mem>>) src(%dma_wait3A_250 : memref<10000x128xf32, #tpu.memory_space<hbm>>) dst(%arg21 : memref<80x128xf32, #tpu.memory_space<vmem>>)
    %dma_start3A_251 = arith.constant 0 : i32
    %dma_start3A_252 = arith.constant 0 : i32
    %dma_start3A_253 = tpu.memref_slice %arg26[%dma_start3A_251, %dma_start3A_252] : memref<10000x128xf32, #tpu.memory_space<vmem_shared>> -> memref<10000x128xf32, #tpu.memory_space<vmem_shared>>
    tpu.enqueue_indirect_dma source(%arg21 : memref<80x128xf32, #tpu.memory_space<vmem>>) target(%dma_start3A_253 : memref<10000x128xf32, #tpu.memory_space<vmem_shared>>) offsets(%arg17 : memref<80xi32, #tpu.memory_space<vmem>>) semaphore(%arg39 : memref<!tpu.dma_semaphore, #tpu.memory_space<semaphore_mem>>) {add = true}
    %dma_wait3A_254 = arith.constant 0 : i32
    %dma_wait3A_255 = arith.constant 0 : i32
    %dma_wait3A_256 = tpu.memref_slice %arg26[%dma_wait3A_254, %dma_wait3A_255] : memref<10000x128xf32, #tpu.memory_space<vmem_shared>> -> memref<10000x128xf32, #tpu.memory_space<vmem_shared>>
    tpu.wait_indirect_dma semaphore(%arg41 : memref<!tpu.dma_semaphore, #tpu.memory_space<semaphore_mem>>) src(%arg23 : memref<80x128xf32, #tpu.memory_space<vmem>>) dst(%dma_wait3A_256 : memref<10000x128xf32, #tpu.memory_space<vmem_shared>>)
    %add3A_257 = arith.constant 640 : i32
    %add3A_258 = arith.addi %mul3A_2, %add3A_257 : i32
    %dma_start3A_259 = tpu.memref_slice %arg3[%add3A_258] : memref<640000xi32, #tpu.memory_space<hbm>> -> memref<80xi32, #tpu.memory_space<hbm>>
    %dma_start3A_260 = tpu.memref_slice %arg3[%add3A_258] : memref<640000xi32, #tpu.memory_space<hbm>> -> memref<80xi32, #tpu.memory_space<hbm>>
    tpu.enqueue_dma source(%dma_start3A_260 : memref<80xi32, #tpu.memory_space<hbm>>) target(%arg5 : memref<80xi32, #tpu.memory_space<vmem>>) target_semaphore(%arg27 : memref<!tpu.dma_semaphore, #tpu.memory_space<semaphore_mem>>)
    %add3A_261 = arith.constant 320000 : i32
    %add3A_262 = arith.addi %add3A_261, %mul3A_2 : i32
    %add3A_263 = arith.constant 640 : i32
    %add3A_264 = arith.addi %add3A_262, %add3A_263 : i32
    %dma_start3A_265 = tpu.memref_slice %arg3[%add3A_264] : memref<640000xi32, #tpu.memory_space<hbm>> -> memref<80xi32, #tpu.memory_space<hbm>>
    %dma_start3A_266 = tpu.memref_slice %arg3[%add3A_264] : memref<640000xi32, #tpu.memory_space<hbm>> -> memref<80xi32, #tpu.memory_space<hbm>>
    tpu.enqueue_dma source(%dma_start3A_266 : memref<80xi32, #tpu.memory_space<hbm>>) target(%arg13 : memref<80xi32, #tpu.memory_space<vmem>>) target_semaphore(%arg27 : memref<!tpu.dma_semaphore, #tpu.memory_space<semaphore_mem>>)
    %add3A_267 = arith.constant 480 : i32
    %add3A_268 = arith.addi %mul3A_2, %add3A_267 : i32
    %dma_wait3A_269 = tpu.memref_slice %arg3[%add3A_268] : memref<640000xi32, #tpu.memory_space<hbm>> -> memref<80xi32, #tpu.memory_space<hbm>>
    %dma_wait3A_270 = tpu.memref_slice %arg3[%add3A_268] : memref<640000xi32, #tpu.memory_space<hbm>> -> memref<80xi32, #tpu.memory_space<hbm>>
    tpu.wait_dma2 semaphore(%arg33 : memref<!tpu.dma_semaphore, #tpu.memory_space<semaphore_mem>>) src(%dma_wait3A_270 : memref<80xi32, #tpu.memory_space<hbm>>) dst(%arg11 : memref<80xi32, #tpu.memory_space<vmem>>)
    %add3A_271 = arith.constant 320000 : i32
    %add3A_272 = arith.addi %add3A_271, %mul3A_2 : i32
    %add3A_273 = arith.constant 480 : i32
    %add3A_274 = arith.addi %add3A_272, %add3A_273 : i32
    %dma_wait3A_275 = tpu.memref_slice %arg3[%add3A_274] : memref<640000xi32, #tpu.memory_space<hbm>> -> memref<80xi32, #tpu.memory_space<hbm>>
    %dma_wait3A_276 = tpu.memref_slice %arg3[%add3A_274] : memref<640000xi32, #tpu.memory_space<hbm>> -> memref<80xi32, #tpu.memory_space<hbm>>
    tpu.wait_dma2 semaphore(%arg33 : memref<!tpu.dma_semaphore, #tpu.memory_space<semaphore_mem>>) src(%dma_wait3A_276 : memref<80xi32, #tpu.memory_space<hbm>>) dst(%arg19 : memref<80xi32, #tpu.memory_space<vmem>>)
    %dma_start3A_277 = arith.constant 0 : i32
    %dma_start3A_278 = arith.constant 0 : i32
    %dma_start3A_279 = tpu.memref_slice %arg2[%dma_start3A_277, %dma_start3A_278] : memref<10000x128xf32, #tpu.memory_space<hbm>> -> memref<10000x128xf32, #tpu.memory_space<hbm>>
    tpu.enqueue_indirect_dma source(%dma_start3A_279 : memref<10000x128xf32, #tpu.memory_space<hbm>>) target(%arg23 : memref<80x128xf32, #tpu.memory_space<vmem>>) offsets(%arg11 : memref<80xi32, #tpu.memory_space<vmem>>) semaphore(%arg37 : memref<!tpu.dma_semaphore, #tpu.memory_space<semaphore_mem>>)
    %dma_wait3A_280 = arith.constant 0 : i32
    %dma_wait3A_281 = arith.constant 0 : i32
    %dma_wait3A_282 = tpu.memref_slice %arg2[%dma_wait3A_280, %dma_wait3A_281] : memref<10000x128xf32, #tpu.memory_space<hbm>> -> memref<10000x128xf32, #tpu.memory_space<hbm>>
    tpu.wait_indirect_dma semaphore(%arg36 : memref<!tpu.dma_semaphore, #tpu.memory_space<semaphore_mem>>) src(%dma_wait3A_282 : memref<10000x128xf32, #tpu.memory_space<hbm>>) dst(%arg22 : memref<80x128xf32, #tpu.memory_space<vmem>>)
    %dma_start3A_283 = arith.constant 0 : i32
    %dma_start3A_284 = arith.constant 0 : i32
    %dma_start3A_285 = tpu.memref_slice %arg26[%dma_start3A_283, %dma_start3A_284] : memref<10000x128xf32, #tpu.memory_space<vmem_shared>> -> memref<10000x128xf32, #tpu.memory_space<vmem_shared>>
    tpu.enqueue_indirect_dma source(%arg22 : memref<80x128xf32, #tpu.memory_space<vmem>>) target(%dma_start3A_285 : memref<10000x128xf32, #tpu.memory_space<vmem_shared>>) offsets(%arg18 : memref<80xi32, #tpu.memory_space<vmem>>) semaphore(%arg40 : memref<!tpu.dma_semaphore, #tpu.memory_space<semaphore_mem>>) {add = true}
    %dma_wait3A_286 = arith.constant 0 : i32
    %dma_wait3A_287 = arith.constant 0 : i32
    %dma_wait3A_288 = tpu.memref_slice %arg26[%dma_wait3A_286, %dma_wait3A_287] : memref<10000x128xf32, #tpu.memory_space<vmem_shared>> -> memref<10000x128xf32, #tpu.memory_space<vmem_shared>>
    tpu.wait_indirect_dma semaphore(%arg42 : memref<!tpu.dma_semaphore, #tpu.memory_space<semaphore_mem>>) src(%arg24 : memref<80x128xf32, #tpu.memory_space<vmem>>) dst(%dma_wait3A_288 : memref<10000x128xf32, #tpu.memory_space<vmem_shared>>)
    %add3A_289 = arith.constant 720 : i32
    %add3A_290 = arith.addi %mul3A_2, %add3A_289 : i32
    %dma_start3A_291 = tpu.memref_slice %arg3[%add3A_290] : memref<640000xi32, #tpu.memory_space<hbm>> -> memref<80xi32, #tpu.memory_space<hbm>>
    %dma_start3A_292 = tpu.memref_slice %arg3[%add3A_290] : memref<640000xi32, #tpu.memory_space<hbm>> -> memref<80xi32, #tpu.memory_space<hbm>>
    tpu.enqueue_dma source(%dma_start3A_292 : memref<80xi32, #tpu.memory_space<hbm>>) target(%arg6 : memref<80xi32, #tpu.memory_space<vmem>>) target_semaphore(%arg28 : memref<!tpu.dma_semaphore, #tpu.memory_space<semaphore_mem>>)
    %add3A_293 = arith.constant 320000 : i32
    %add3A_294 = arith.addi %add3A_293, %mul3A_2 : i32
    %add3A_295 = arith.constant 720 : i32
    %add3A_296 = arith.addi %add3A_294, %add3A_295 : i32
    %dma_start3A_297 = tpu.memref_slice %arg3[%add3A_296] : memref<640000xi32, #tpu.memory_space<hbm>> -> memref<80xi32, #tpu.memory_space<hbm>>
    %dma_start3A_298 = tpu.memref_slice %arg3[%add3A_296] : memref<640000xi32, #tpu.memory_space<hbm>> -> memref<80xi32, #tpu.memory_space<hbm>>
    tpu.enqueue_dma source(%dma_start3A_298 : memref<80xi32, #tpu.memory_space<hbm>>) target(%arg14 : memref<80xi32, #tpu.memory_space<vmem>>) target_semaphore(%arg28 : memref<!tpu.dma_semaphore, #tpu.memory_space<semaphore_mem>>)
    %add3A_299 = arith.constant 560 : i32
    %add3A_300 = arith.addi %mul3A_2, %add3A_299 : i32
    %dma_wait3A_301 = tpu.memref_slice %arg3[%add3A_300] : memref<640000xi32, #tpu.memory_space<hbm>> -> memref<80xi32, #tpu.memory_space<hbm>>
    %dma_wait3A_302 = tpu.memref_slice %arg3[%add3A_300] : memref<640000xi32, #tpu.memory_space<hbm>> -> memref<80xi32, #tpu.memory_space<hbm>>
    tpu.wait_dma2 semaphore(%arg34 : memref<!tpu.dma_semaphore, #tpu.memory_space<semaphore_mem>>) src(%dma_wait3A_302 : memref<80xi32, #tpu.memory_space<hbm>>) dst(%arg12 : memref<80xi32, #tpu.memory_space<vmem>>)
    %add3A_303 = arith.constant 320000 : i32
    %add3A_304 = arith.addi %add3A_303, %mul3A_2 : i32
    %add3A_305 = arith.constant 560 : i32
    %add3A_306 = arith.addi %add3A_304, %add3A_305 : i32
    %dma_wait3A_307 = tpu.memref_slice %arg3[%add3A_306] : memref<640000xi32, #tpu.memory_space<hbm>> -> memref<80xi32, #tpu.memory_space<hbm>>
    %dma_wait3A_308 = tpu.memref_slice %arg3[%add3A_306] : memref<640000xi32, #tpu.memory_space<hbm>> -> memref<80xi32, #tpu.memory_space<hbm>>
    tpu.wait_dma2 semaphore(%arg34 : memref<!tpu.dma_semaphore, #tpu.memory_space<semaphore_mem>>) src(%dma_wait3A_308 : memref<80xi32, #tpu.memory_space<hbm>>) dst(%arg20 : memref<80xi32, #tpu.memory_space<vmem>>)
    %dma_start3A_309 = arith.constant 0 : i32
    %dma_start3A_310 = arith.constant 0 : i32
    %dma_start3A_311 = tpu.memref_slice %arg2[%dma_start3A_309, %dma_start3A_310] : memref<10000x128xf32, #tpu.memory_space<hbm>> -> memref<10000x128xf32, #tpu.memory_space<hbm>>
    tpu.enqueue_indirect_dma source(%dma_start3A_311 : memref<10000x128xf32, #tpu.memory_space<hbm>>) target(%arg24 : memref<80x128xf32, #tpu.memory_space<vmem>>) offsets(%arg12 : memref<80xi32, #tpu.memory_space<vmem>>) semaphore(%arg38 : memref<!tpu.dma_semaphore, #tpu.memory_space<semaphore_mem>>)
    %dma_wait3A_312 = arith.constant 0 : i32
    %dma_wait3A_313 = arith.constant 0 : i32
    %dma_wait3A_314 = tpu.memref_slice %arg2[%dma_wait3A_312, %dma_wait3A_313] : memref<10000x128xf32, #tpu.memory_space<hbm>> -> memref<10000x128xf32, #tpu.memory_space<hbm>>
    tpu.wait_indirect_dma semaphore(%arg37 : memref<!tpu.dma_semaphore, #tpu.memory_space<semaphore_mem>>) src(%dma_wait3A_314 : memref<10000x128xf32, #tpu.memory_space<hbm>>) dst(%arg23 : memref<80x128xf32, #tpu.memory_space<vmem>>)
    %dma_start3A_315 = arith.constant 0 : i32
    %dma_start3A_316 = arith.constant 0 : i32
    %dma_start3A_317 = tpu.memref_slice %arg26[%dma_start3A_315, %dma_start3A_316] : memref<10000x128xf32, #tpu.memory_space<vmem_shared>> -> memref<10000x128xf32, #tpu.memory_space<vmem_shared>>
    tpu.enqueue_indirect_dma source(%arg23 : memref<80x128xf32, #tpu.memory_space<vmem>>) target(%dma_start3A_317 : memref<10000x128xf32, #tpu.memory_space<vmem_shared>>) offsets(%arg19 : memref<80xi32, #tpu.memory_space<vmem>>) semaphore(%arg41 : memref<!tpu.dma_semaphore, #tpu.memory_space<semaphore_mem>>) {add = true}
    %dma_wait3A_318 = arith.constant 0 : i32
    %dma_wait3A_319 = arith.constant 0 : i32
    %dma_wait3A_320 = tpu.memref_slice %arg26[%dma_wait3A_318, %dma_wait3A_319] : memref<10000x128xf32, #tpu.memory_space<vmem_shared>> -> memref<10000x128xf32, #tpu.memory_space<vmem_shared>>
    tpu.wait_indirect_dma semaphore(%arg39 : memref<!tpu.dma_semaphore, #tpu.memory_space<semaphore_mem>>) src(%arg21 : memref<80x128xf32, #tpu.memory_space<vmem>>) dst(%dma_wait3A_320 : memref<10000x128xf32, #tpu.memory_space<vmem_shared>>)
    %add3A_321 = arith.constant 800 : i32
    %add3A_322 = arith.addi %mul3A_2, %add3A_321 : i32
    %dma_start3A_323 = tpu.memref_slice %arg3[%add3A_322] : memref<640000xi32, #tpu.memory_space<hbm>> -> memref<80xi32, #tpu.memory_space<hbm>>
    %dma_start3A_324 = tpu.memref_slice %arg3[%add3A_322] : memref<640000xi32, #tpu.memory_space<hbm>> -> memref<80xi32, #tpu.memory_space<hbm>>
    tpu.enqueue_dma source(%dma_start3A_324 : memref<80xi32, #tpu.memory_space<hbm>>) target(%arg7 : memref<80xi32, #tpu.memory_space<vmem>>) target_semaphore(%arg29 : memref<!tpu.dma_semaphore, #tpu.memory_space<semaphore_mem>>)
    %add3A_325 = arith.constant 320000 : i32
    %add3A_326 = arith.addi %add3A_325, %mul3A_2 : i32
    %add3A_327 = arith.constant 800 : i32
    %add3A_328 = arith.addi %add3A_326, %add3A_327 : i32
    %dma_start3A_329 = tpu.memref_slice %arg3[%add3A_328] : memref<640000xi32, #tpu.memory_space<hbm>> -> memref<80xi32, #tpu.memory_space<hbm>>
    %dma_start3A_330 = tpu.memref_slice %arg3[%add3A_328] : memref<640000xi32, #tpu.memory_space<hbm>> -> memref<80xi32, #tpu.memory_space<hbm>>
    tpu.enqueue_dma source(%dma_start3A_330 : memref<80xi32, #tpu.memory_space<hbm>>) target(%arg15 : memref<80xi32, #tpu.memory_space<vmem>>) target_semaphore(%arg29 : memref<!tpu.dma_semaphore, #tpu.memory_space<semaphore_mem>>)
    %add3A_331 = arith.constant 640 : i32
    %add3A_332 = arith.addi %mul3A_2, %add3A_331 : i32
    %dma_wait3A_333 = tpu.memref_slice %arg3[%add3A_332] : memref<640000xi32, #tpu.memory_space<hbm>> -> memref<80xi32, #tpu.memory_space<hbm>>
    %dma_wait3A_334 = tpu.memref_slice %arg3[%add3A_332] : memref<640000xi32, #tpu.memory_space<hbm>> -> memref<80xi32, #tpu.memory_space<hbm>>
    tpu.wait_dma2 semaphore(%arg27 : memref<!tpu.dma_semaphore, #tpu.memory_space<semaphore_mem>>) src(%dma_wait3A_334 : memref<80xi32, #tpu.memory_space<hbm>>) dst(%arg5 : memref<80xi32, #tpu.memory_space<vmem>>)
    %add3A_335 = arith.constant 320000 : i32
    %add3A_336 = arith.addi %add3A_335, %mul3A_2 : i32
    %add3A_337 = arith.constant 640 : i32
    %add3A_338 = arith.addi %add3A_336, %add3A_337 : i32
    %dma_wait3A_339 = tpu.memref_slice %arg3[%add3A_338] : memref<640000xi32, #tpu.memory_space<hbm>> -> memref<80xi32, #tpu.memory_space<hbm>>
    %dma_wait3A_340 = tpu.memref_slice %arg3[%add3A_338] : memref<640000xi32, #tpu.memory_space<hbm>> -> memref<80xi32, #tpu.memory_space<hbm>>
    tpu.wait_dma2 semaphore(%arg27 : memref<!tpu.dma_semaphore, #tpu.memory_space<semaphore_mem>>) src(%dma_wait3A_340 : memref<80xi32, #tpu.memory_space<hbm>>) dst(%arg13 : memref<80xi32, #tpu.memory_space<vmem>>)
    %dma_start3A_341 = arith.constant 0 : i32
    %dma_start3A_342 = arith.constant 0 : i32
    %dma_start3A_343 = tpu.memref_slice %arg2[%dma_start3A_341, %dma_start3A_342] : memref<10000x128xf32, #tpu.memory_space<hbm>> -> memref<10000x128xf32, #tpu.memory_space<hbm>>
    tpu.enqueue_indirect_dma source(%dma_start3A_343 : memref<10000x128xf32, #tpu.memory_space<hbm>>) target(%arg21 : memref<80x128xf32, #tpu.memory_space<vmem>>) offsets(%arg5 : memref<80xi32, #tpu.memory_space<vmem>>) semaphore(%arg35 : memref<!tpu.dma_semaphore, #tpu.memory_space<semaphore_mem>>)
    %dma_wait3A_344 = arith.constant 0 : i32
    %dma_wait3A_345 = arith.constant 0 : i32
    %dma_wait3A_346 = tpu.memref_slice %arg2[%dma_wait3A_344, %dma_wait3A_345] : memref<10000x128xf32, #tpu.memory_space<hbm>> -> memref<10000x128xf32, #tpu.memory_space<hbm>>
    tpu.wait_indirect_dma semaphore(%arg38 : memref<!tpu.dma_semaphore, #tpu.memory_space<semaphore_mem>>) src(%dma_wait3A_346 : memref<10000x128xf32, #tpu.memory_space<hbm>>) dst(%arg24 : memref<80x128xf32, #tpu.memory_space<vmem>>)
    %dma_start3A_347 = arith.constant 0 : i32
    %dma_start3A_348 = arith.constant 0 : i32
    %dma_start3A_349 = tpu.memref_slice %arg26[%dma_start3A_347, %dma_start3A_348] : memref<10000x128xf32, #tpu.memory_space<vmem_shared>> -> memref<10000x128xf32, #tpu.memory_space<vmem_shared>>
    tpu.enqueue_indirect_dma source(%arg24 : memref<80x128xf32, #tpu.memory_space<vmem>>) target(%dma_start3A_349 : memref<10000x128xf32, #tpu.memory_space<vmem_shared>>) offsets(%arg20 : memref<80xi32, #tpu.memory_space<vmem>>) semaphore(%arg42 : memref<!tpu.dma_semaphore, #tpu.memory_space<semaphore_mem>>) {add = true}
    %dma_wait3A_350 = arith.constant 0 : i32
    %dma_wait3A_351 = arith.constant 0 : i32
    %dma_wait3A_352 = tpu.memref_slice %arg26[%dma_wait3A_350, %dma_wait3A_351] : memref<10000x128xf32, #tpu.memory_space<vmem_shared>> -> memref<10000x128xf32, #tpu.memory_space<vmem_shared>>
    tpu.wait_indirect_dma semaphore(%arg40 : memref<!tpu.dma_semaphore, #tpu.memory_space<semaphore_mem>>) src(%arg22 : memref<80x128xf32, #tpu.memory_space<vmem>>) dst(%dma_wait3A_352 : memref<10000x128xf32, #tpu.memory_space<vmem_shared>>)
    %add3A_353 = arith.constant 880 : i32
    %add3A_354 = arith.addi %mul3A_2, %add3A_353 : i32
    %dma_start3A_355 = tpu.memref_slice %arg3[%add3A_354] : memref<640000xi32, #tpu.memory_space<hbm>> -> memref<80xi32, #tpu.memory_space<hbm>>
    %dma_start3A_356 = tpu.memref_slice %arg3[%add3A_354] : memref<640000xi32, #tpu.memory_space<hbm>> -> memref<80xi32, #tpu.memory_space<hbm>>
    tpu.enqueue_dma source(%dma_start3A_356 : memref<80xi32, #tpu.memory_space<hbm>>) target(%arg8 : memref<80xi32, #tpu.memory_space<vmem>>) target_semaphore(%arg30 : memref<!tpu.dma_semaphore, #tpu.memory_space<semaphore_mem>>)
    %add3A_357 = arith.constant 320000 : i32
    %add3A_358 = arith.addi %add3A_357, %mul3A_2 : i32
    %add3A_359 = arith.constant 880 : i32
    %add3A_360 = arith.addi %add3A_358, %add3A_359 : i32
    %dma_start3A_361 = tpu.memref_slice %arg3[%add3A_360] : memref<640000xi32, #tpu.memory_space<hbm>> -> memref<80xi32, #tpu.memory_space<hbm>>
    %dma_start3A_362 = tpu.memref_slice %arg3[%add3A_360] : memref<640000xi32, #tpu.memory_space<hbm>> -> memref<80xi32, #tpu.memory_space<hbm>>
    tpu.enqueue_dma source(%dma_start3A_362 : memref<80xi32, #tpu.memory_space<hbm>>) target(%arg16 : memref<80xi32, #tpu.memory_space<vmem>>) target_semaphore(%arg30 : memref<!tpu.dma_semaphore, #tpu.memory_space<semaphore_mem>>)
    %add3A_363 = arith.constant 720 : i32
    %add3A_364 = arith.addi %mul3A_2, %add3A_363 : i32
    %dma_wait3A_365 = tpu.memref_slice %arg3[%add3A_364] : memref<640000xi32, #tpu.memory_space<hbm>> -> memref<80xi32, #tpu.memory_space<hbm>>
    %dma_wait3A_366 = tpu.memref_slice %arg3[%add3A_364] : memref<640000xi32, #tpu.memory_space<hbm>> -> memref<80xi32, #tpu.memory_space<hbm>>
    tpu.wait_dma2 semaphore(%arg28 : memref<!tpu.dma_semaphore, #tpu.memory_space<semaphore_mem>>) src(%dma_wait3A_366 : memref<80xi32, #tpu.memory_space<hbm>>) dst(%arg6 : memref<80xi32, #tpu.memory_space<vmem>>)
    %add3A_367 = arith.constant 320000 : i32
    %add3A_368 = arith.addi %add3A_367, %mul3A_2 : i32
    %add3A_369 = arith.constant 720 : i32
    %add3A_370 = arith.addi %add3A_368, %add3A_369 : i32
    %dma_wait3A_371 = tpu.memref_slice %arg3[%add3A_370] : memref<640000xi32, #tpu.memory_space<hbm>> -> memref<80xi32, #tpu.memory_space<hbm>>
    %dma_wait3A_372 = tpu.memref_slice %arg3[%add3A_370] : memref<640000xi32, #tpu.memory_space<hbm>> -> memref<80xi32, #tpu.memory_space<hbm>>
    tpu.wait_dma2 semaphore(%arg28 : memref<!tpu.dma_semaphore, #tpu.memory_space<semaphore_mem>>) src(%dma_wait3A_372 : memref<80xi32, #tpu.memory_space<hbm>>) dst(%arg14 : memref<80xi32, #tpu.memory_space<vmem>>)
    %dma_start3A_373 = arith.constant 0 : i32
    %dma_start3A_374 = arith.constant 0 : i32
    %dma_start3A_375 = tpu.memref_slice %arg2[%dma_start3A_373, %dma_start3A_374] : memref<10000x128xf32, #tpu.memory_space<hbm>> -> memref<10000x128xf32, #tpu.memory_space<hbm>>
    tpu.enqueue_indirect_dma source(%dma_start3A_375 : memref<10000x128xf32, #tpu.memory_space<hbm>>) target(%arg22 : memref<80x128xf32, #tpu.memory_space<vmem>>) offsets(%arg6 : memref<80xi32, #tpu.memory_space<vmem>>) semaphore(%arg36 : memref<!tpu.dma_semaphore, #tpu.memory_space<semaphore_mem>>)
    %scan3A_376 = arith.constant 1 : i32
    %scan3A_377 = arith.constant 14 : i32
    %scan3A_378 = arith.addi %scan3A_376, %scan3A_377 : i32
    %scan3A_379 = arith.constant 1 : i32
    scf.for %scan3A_494 = %scan3A_376 to %scan3A_378 step %scan3A_379  : i32 {
      %mul3A_495 = arith.constant 8 : i32
      %mul3A_496 = arith.muli %scan3A_494, %mul3A_495 : i32
      %add3A_497 = arith.constant 0 : i32
      %add3A_498 = arith.addi %mul3A_496, %add3A_497 : i32
      %dma_wait3A_499 = arith.constant 0 : i32
      %dma_wait3A_500 = arith.constant 0 : i32
      %dma_wait3A_501 = tpu.memref_slice %arg2[%dma_wait3A_499, %dma_wait3A_500] : memref<10000x128xf32, #tpu.memory_space<hbm>> -> memref<10000x128xf32, #tpu.memory_space<hbm>>
      tpu.wait_indirect_dma semaphore(%arg35 : memref<!tpu.dma_semaphore, #tpu.memory_space<semaphore_mem>>) src(%dma_wait3A_501 : memref<10000x128xf32, #tpu.memory_space<hbm>>) dst(%arg21 : memref<80x128xf32, #tpu.memory_space<vmem>>)
      %dma_start3A_502 = arith.constant 0 : i32
      %dma_start3A_503 = arith.constant 0 : i32
      %dma_start3A_504 = tpu.memref_slice %arg26[%dma_start3A_502, %dma_start3A_503] : memref<10000x128xf32, #tpu.memory_space<vmem_shared>> -> memref<10000x128xf32, #tpu.memory_space<vmem_shared>>
      tpu.enqueue_indirect_dma source(%arg21 : memref<80x128xf32, #tpu.memory_space<vmem>>) target(%dma_start3A_504 : memref<10000x128xf32, #tpu.memory_space<vmem_shared>>) offsets(%arg13 : memref<80xi32, #tpu.memory_space<vmem>>) semaphore(%arg39 : memref<!tpu.dma_semaphore, #tpu.memory_space<semaphore_mem>>) {add = true}
      %dma_wait3A_505 = arith.constant 0 : i32
      %dma_wait3A_506 = arith.constant 0 : i32
      %dma_wait3A_507 = tpu.memref_slice %arg26[%dma_wait3A_505, %dma_wait3A_506] : memref<10000x128xf32, #tpu.memory_space<vmem_shared>> -> memref<10000x128xf32, #tpu.memory_space<vmem_shared>>
      tpu.wait_indirect_dma semaphore(%arg41 : memref<!tpu.dma_semaphore, #tpu.memory_space<semaphore_mem>>) src(%arg23 : memref<80x128xf32, #tpu.memory_space<vmem>>) dst(%dma_wait3A_507 : memref<10000x128xf32, #tpu.memory_space<vmem_shared>>)
      %add3A_508 = arith.constant 4 : i32
      %add3A_509 = arith.addi %add3A_498, %add3A_508 : i32
      %mul3A_510 = arith.constant 80 : i32
      %mul3A_511 = arith.muli %add3A_509, %mul3A_510 : i32
      %add3A_512 = arith.addi %mul3A_2, %mul3A_511 : i32
      %dma_start3A_513 = tpu.memref_slice %arg3[%add3A_512] : memref<640000xi32, #tpu.memory_space<hbm>> -> memref<80xi32, #tpu.memory_space<hbm>>
      %dma_start3A_514 = tpu.memref_slice %arg3[%add3A_512] : memref<640000xi32, #tpu.memory_space<hbm>> -> memref<80xi32, #tpu.memory_space<hbm>>
      tpu.enqueue_dma source(%dma_start3A_514 : memref<80xi32, #tpu.memory_space<hbm>>) target(%arg9 : memref<80xi32, #tpu.memory_space<vmem>>) target_semaphore(%arg31 : memref<!tpu.dma_semaphore, #tpu.memory_space<semaphore_mem>>)
      %add3A_515 = arith.constant 320000 : i32
      %add3A_516 = arith.addi %add3A_515, %mul3A_2 : i32
      %mul3A_517 = arith.constant 80 : i32
      %mul3A_518 = arith.muli %add3A_509, %mul3A_517 : i32
      %add3A_519 = arith.addi %add3A_516, %mul3A_518 : i32
      %dma_start3A_520 = tpu.memref_slice %arg3[%add3A_519] : memref<640000xi32, #tpu.memory_space<hbm>> -> memref<80xi32, #tpu.memory_space<hbm>>
      %dma_start3A_521 = tpu.memref_slice %arg3[%add3A_519] : memref<640000xi32, #tpu.memory_space<hbm>> -> memref<80xi32, #tpu.memory_space<hbm>>
      tpu.enqueue_dma source(%dma_start3A_521 : memref<80xi32, #tpu.memory_space<hbm>>) target(%arg17 : memref<80xi32, #tpu.memory_space<vmem>>) target_semaphore(%arg31 : memref<!tpu.dma_semaphore, #tpu.memory_space<semaphore_mem>>)
      %add3A_522 = arith.constant 2 : i32
      %add3A_523 = arith.addi %add3A_498, %add3A_522 : i32
      %mul3A_524 = arith.constant 80 : i32
      %mul3A_525 = arith.muli %add3A_523, %mul3A_524 : i32
      %add3A_526 = arith.addi %mul3A_2, %mul3A_525 : i32
      %dma_wait3A_527 = tpu.memref_slice %arg3[%add3A_526] : memref<640000xi32, #tpu.memory_space<hbm>> -> memref<80xi32, #tpu.memory_space<hbm>>
      %dma_wait3A_528 = tpu.memref_slice %arg3[%add3A_526] : memref<640000xi32, #tpu.memory_space<hbm>> -> memref<80xi32, #tpu.memory_space<hbm>>
      tpu.wait_dma2 semaphore(%arg29 : memref<!tpu.dma_semaphore, #tpu.memory_space<semaphore_mem>>) src(%dma_wait3A_528 : memref<80xi32, #tpu.memory_space<hbm>>) dst(%arg7 : memref<80xi32, #tpu.memory_space<vmem>>)
      %add3A_529 = arith.constant 320000 : i32
      %add3A_530 = arith.addi %add3A_529, %mul3A_2 : i32
      %mul3A_531 = arith.constant 80 : i32
      %mul3A_532 = arith.muli %add3A_523, %mul3A_531 : i32
      %add3A_533 = arith.addi %add3A_530, %mul3A_532 : i32
      %dma_wait3A_534 = tpu.memref_slice %arg3[%add3A_533] : memref<640000xi32, #tpu.memory_space<hbm>> -> memref<80xi32, #tpu.memory_space<hbm>>
      %dma_wait3A_535 = tpu.memref_slice %arg3[%add3A_533] : memref<640000xi32, #tpu.memory_space<hbm>> -> memref<80xi32, #tpu.memory_space<hbm>>
      tpu.wait_dma2 semaphore(%arg29 : memref<!tpu.dma_semaphore, #tpu.memory_space<semaphore_mem>>) src(%dma_wait3A_535 : memref<80xi32, #tpu.memory_space<hbm>>) dst(%arg15 : memref<80xi32, #tpu.memory_space<vmem>>)
      %dma_start3A_536 = arith.constant 0 : i32
      %dma_start3A_537 = arith.constant 0 : i32
      %dma_start3A_538 = tpu.memref_slice %arg2[%dma_start3A_536, %dma_start3A_537] : memref<10000x128xf32, #tpu.memory_space<hbm>> -> memref<10000x128xf32, #tpu.memory_space<hbm>>
      tpu.enqueue_indirect_dma source(%dma_start3A_538 : memref<10000x128xf32, #tpu.memory_space<hbm>>) target(%arg23 : memref<80x128xf32, #tpu.memory_space<vmem>>) offsets(%arg7 : memref<80xi32, #tpu.memory_space<vmem>>) semaphore(%arg37 : memref<!tpu.dma_semaphore, #tpu.memory_space<semaphore_mem>>)
      %add3A_539 = arith.constant 1 : i32
      %add3A_540 = arith.addi %mul3A_496, %add3A_539 : i32
      %dma_wait3A_541 = arith.constant 0 : i32
      %dma_wait3A_542 = arith.constant 0 : i32
      %dma_wait3A_543 = tpu.memref_slice %arg2[%dma_wait3A_541, %dma_wait3A_542] : memref<10000x128xf32, #tpu.memory_space<hbm>> -> memref<10000x128xf32, #tpu.memory_space<hbm>>
      tpu.wait_indirect_dma semaphore(%arg36 : memref<!tpu.dma_semaphore, #tpu.memory_space<semaphore_mem>>) src(%dma_wait3A_543 : memref<10000x128xf32, #tpu.memory_space<hbm>>) dst(%arg22 : memref<80x128xf32, #tpu.memory_space<vmem>>)
      %dma_start3A_544 = arith.constant 0 : i32
      %dma_start3A_545 = arith.constant 0 : i32
      %dma_start3A_546 = tpu.memref_slice %arg26[%dma_start3A_544, %dma_start3A_545] : memref<10000x128xf32, #tpu.memory_space<vmem_shared>> -> memref<10000x128xf32, #tpu.memory_space<vmem_shared>>
      tpu.enqueue_indirect_dma source(%arg22 : memref<80x128xf32, #tpu.memory_space<vmem>>) target(%dma_start3A_546 : memref<10000x128xf32, #tpu.memory_space<vmem_shared>>) offsets(%arg14 : memref<80xi32, #tpu.memory_space<vmem>>) semaphore(%arg40 : memref<!tpu.dma_semaphore, #tpu.memory_space<semaphore_mem>>) {add = true}
      %dma_wait3A_547 = arith.constant 0 : i32
      %dma_wait3A_548 = arith.constant 0 : i32
      %dma_wait3A_549 = tpu.memref_slice %arg26[%dma_wait3A_547, %dma_wait3A_548] : memref<10000x128xf32, #tpu.memory_space<vmem_shared>> -> memref<10000x128xf32, #tpu.memory_space<vmem_shared>>
      tpu.wait_indirect_dma semaphore(%arg42 : memref<!tpu.dma_semaphore, #tpu.memory_space<semaphore_mem>>) src(%arg24 : memref<80x128xf32, #tpu.memory_space<vmem>>) dst(%dma_wait3A_549 : memref<10000x128xf32, #tpu.memory_space<vmem_shared>>)
      %add3A_550 = arith.constant 4 : i32
      %add3A_551 = arith.addi %add3A_540, %add3A_550 : i32
      %mul3A_552 = arith.constant 80 : i32
      %mul3A_553 = arith.muli %add3A_551, %mul3A_552 : i32
      %add3A_554 = arith.addi %mul3A_2, %mul3A_553 : i32
      %dma_start3A_555 = tpu.memref_slice %arg3[%add3A_554] : memref<640000xi32, #tpu.memory_space<hbm>> -> memref<80xi32, #tpu.memory_space<hbm>>
      %dma_start3A_556 = tpu.memref_slice %arg3[%add3A_554] : memref<640000xi32, #tpu.memory_space<hbm>> -> memref<80xi32, #tpu.memory_space<hbm>>
      tpu.enqueue_dma source(%dma_start3A_556 : memref<80xi32, #tpu.memory_space<hbm>>) target(%arg10 : memref<80xi32, #tpu.memory_space<vmem>>) target_semaphore(%arg32 : memref<!tpu.dma_semaphore, #tpu.memory_space<semaphore_mem>>)
      %add3A_557 = arith.constant 320000 : i32
      %add3A_558 = arith.addi %add3A_557, %mul3A_2 : i32
      %mul3A_559 = arith.constant 80 : i32
      %mul3A_560 = arith.muli %add3A_551, %mul3A_559 : i32
      %add3A_561 = arith.addi %add3A_558, %mul3A_560 : i32
      %dma_start3A_562 = tpu.memref_slice %arg3[%add3A_561] : memref<640000xi32, #tpu.memory_space<hbm>> -> memref<80xi32, #tpu.memory_space<hbm>>
      %dma_start3A_563 = tpu.memref_slice %arg3[%add3A_561] : memref<640000xi32, #tpu.memory_space<hbm>> -> memref<80xi32, #tpu.memory_space<hbm>>
      tpu.enqueue_dma source(%dma_start3A_563 : memref<80xi32, #tpu.memory_space<hbm>>) target(%arg18 : memref<80xi32, #tpu.memory_space<vmem>>) target_semaphore(%arg32 : memref<!tpu.dma_semaphore, #tpu.memory_space<semaphore_mem>>)
      %add3A_564 = arith.constant 2 : i32
      %add3A_565 = arith.addi %add3A_540, %add3A_564 : i32
      %mul3A_566 = arith.constant 80 : i32
      %mul3A_567 = arith.muli %add3A_565, %mul3A_566 : i32
      %add3A_568 = arith.addi %mul3A_2, %mul3A_567 : i32
      %dma_wait3A_569 = tpu.memref_slice %arg3[%add3A_568] : memref<640000xi32, #tpu.memory_space<hbm>> -> memref<80xi32, #tpu.memory_space<hbm>>
      %dma_wait3A_570 = tpu.memref_slice %arg3[%add3A_568] : memref<640000xi32, #tpu.memory_space<hbm>> -> memref<80xi32, #tpu.memory_space<hbm>>
      tpu.wait_dma2 semaphore(%arg30 : memref<!tpu.dma_semaphore, #tpu.memory_space<semaphore_mem>>) src(%dma_wait3A_570 : memref<80xi32, #tpu.memory_space<hbm>>) dst(%arg8 : memref<80xi32, #tpu.memory_space<vmem>>)
      %add3A_571 = arith.constant 320000 : i32
      %add3A_572 = arith.addi %add3A_571, %mul3A_2 : i32
      %mul3A_573 = arith.constant 80 : i32
      %mul3A_574 = arith.muli %add3A_565, %mul3A_573 : i32
      %add3A_575 = arith.addi %add3A_572, %mul3A_574 : i32
      %dma_wait3A_576 = tpu.memref_slice %arg3[%add3A_575] : memref<640000xi32, #tpu.memory_space<hbm>> -> memref<80xi32, #tpu.memory_space<hbm>>
      %dma_wait3A_577 = tpu.memref_slice %arg3[%add3A_575] : memref<640000xi32, #tpu.memory_space<hbm>> -> memref<80xi32, #tpu.memory_space<hbm>>
      tpu.wait_dma2 semaphore(%arg30 : memref<!tpu.dma_semaphore, #tpu.memory_space<semaphore_mem>>) src(%dma_wait3A_577 : memref<80xi32, #tpu.memory_space<hbm>>) dst(%arg16 : memref<80xi32, #tpu.memory_space<vmem>>)
      %dma_start3A_578 = arith.constant 0 : i32
      %dma_start3A_579 = arith.constant 0 : i32
      %dma_start3A_580 = tpu.memref_slice %arg2[%dma_start3A_578, %dma_start3A_579] : memref<10000x128xf32, #tpu.memory_space<hbm>> -> memref<10000x128xf32, #tpu.memory_space<hbm>>
      tpu.enqueue_indirect_dma source(%dma_start3A_580 : memref<10000x128xf32, #tpu.memory_space<hbm>>) target(%arg24 : memref<80x128xf32, #tpu.memory_space<vmem>>) offsets(%arg8 : memref<80xi32, #tpu.memory_space<vmem>>) semaphore(%arg38 : memref<!tpu.dma_semaphore, #tpu.memory_space<semaphore_mem>>)
      %add3A_581 = arith.constant 2 : i32
      %add3A_582 = arith.addi %mul3A_496, %add3A_581 : i32
      %dma_wait3A_583 = arith.constant 0 : i32
      %dma_wait3A_584 = arith.constant 0 : i32
      %dma_wait3A_585 = tpu.memref_slice %arg2[%dma_wait3A_583, %dma_wait3A_584] : memref<10000x128xf32, #tpu.memory_space<hbm>> -> memref<10000x128xf32, #tpu.memory_space<hbm>>
      tpu.wait_indirect_dma semaphore(%arg37 : memref<!tpu.dma_semaphore, #tpu.memory_space<semaphore_mem>>) src(%dma_wait3A_585 : memref<10000x128xf32, #tpu.memory_space<hbm>>) dst(%arg23 : memref<80x128xf32, #tpu.memory_space<vmem>>)
      %dma_start3A_586 = arith.constant 0 : i32
      %dma_start3A_587 = arith.constant 0 : i32
      %dma_start3A_588 = tpu.memref_slice %arg26[%dma_start3A_586, %dma_start3A_587] : memref<10000x128xf32, #tpu.memory_space<vmem_shared>> -> memref<10000x128xf32, #tpu.memory_space<vmem_shared>>
      tpu.enqueue_indirect_dma source(%arg23 : memref<80x128xf32, #tpu.memory_space<vmem>>) target(%dma_start3A_588 : memref<10000x128xf32, #tpu.memory_space<vmem_shared>>) offsets(%arg15 : memref<80xi32, #tpu.memory_space<vmem>>) semaphore(%arg41 : memref<!tpu.dma_semaphore, #tpu.memory_space<semaphore_mem>>) {add = true}
      %dma_wait3A_589 = arith.constant 0 : i32
      %dma_wait3A_590 = arith.constant 0 : i32
      %dma_wait3A_591 = tpu.memref_slice %arg26[%dma_wait3A_589, %dma_wait3A_590] : memref<10000x128xf32, #tpu.memory_space<vmem_shared>> -> memref<10000x128xf32, #tpu.memory_space<vmem_shared>>
      tpu.wait_indirect_dma semaphore(%arg39 : memref<!tpu.dma_semaphore, #tpu.memory_space<semaphore_mem>>) src(%arg21 : memref<80x128xf32, #tpu.memory_space<vmem>>) dst(%dma_wait3A_591 : memref<10000x128xf32, #tpu.memory_space<vmem_shared>>)
      %add3A_592 = arith.constant 4 : i32
      %add3A_593 = arith.addi %add3A_582, %add3A_592 : i32
      %mul3A_594 = arith.constant 80 : i32
      %mul3A_595 = arith.muli %add3A_593, %mul3A_594 : i32
      %add3A_596 = arith.addi %mul3A_2, %mul3A_595 : i32
      %dma_start3A_597 = tpu.memref_slice %arg3[%add3A_596] : memref<640000xi32, #tpu.memory_space<hbm>> -> memref<80xi32, #tpu.memory_space<hbm>>
      %dma_start3A_598 = tpu.memref_slice %arg3[%add3A_596] : memref<640000xi32, #tpu.memory_space<hbm>> -> memref<80xi32, #tpu.memory_space<hbm>>
      tpu.enqueue_dma source(%dma_start3A_598 : memref<80xi32, #tpu.memory_space<hbm>>) target(%arg11 : memref<80xi32, #tpu.memory_space<vmem>>) target_semaphore(%arg33 : memref<!tpu.dma_semaphore, #tpu.memory_space<semaphore_mem>>)
      %add3A_599 = arith.constant 320000 : i32
      %add3A_600 = arith.addi %add3A_599, %mul3A_2 : i32
      %mul3A_601 = arith.constant 80 : i32
      %mul3A_602 = arith.muli %add3A_593, %mul3A_601 : i32
      %add3A_603 = arith.addi %add3A_600, %mul3A_602 : i32
      %dma_start3A_604 = tpu.memref_slice %arg3[%add3A_603] : memref<640000xi32, #tpu.memory_space<hbm>> -> memref<80xi32, #tpu.memory_space<hbm>>
      %dma_start3A_605 = tpu.memref_slice %arg3[%add3A_603] : memref<640000xi32, #tpu.memory_space<hbm>> -> memref<80xi32, #tpu.memory_space<hbm>>
      tpu.enqueue_dma source(%dma_start3A_605 : memref<80xi32, #tpu.memory_space<hbm>>) target(%arg19 : memref<80xi32, #tpu.memory_space<vmem>>) target_semaphore(%arg33 : memref<!tpu.dma_semaphore, #tpu.memory_space<semaphore_mem>>)
      %add3A_606 = arith.constant 2 : i32
      %add3A_607 = arith.addi %add3A_582, %add3A_606 : i32
      %mul3A_608 = arith.constant 80 : i32
      %mul3A_609 = arith.muli %add3A_607, %mul3A_608 : i32
      %add3A_610 = arith.addi %mul3A_2, %mul3A_609 : i32
      %dma_wait3A_611 = tpu.memref_slice %arg3[%add3A_610] : memref<640000xi32, #tpu.memory_space<hbm>> -> memref<80xi32, #tpu.memory_space<hbm>>
      %dma_wait3A_612 = tpu.memref_slice %arg3[%add3A_610] : memref<640000xi32, #tpu.memory_space<hbm>> -> memref<80xi32, #tpu.memory_space<hbm>>
      tpu.wait_dma2 semaphore(%arg31 : memref<!tpu.dma_semaphore, #tpu.memory_space<semaphore_mem>>) src(%dma_wait3A_612 : memref<80xi32, #tpu.memory_space<hbm>>) dst(%arg9 : memref<80xi32, #tpu.memory_space<vmem>>)
      %add3A_613 = arith.constant 320000 : i32
      %add3A_614 = arith.addi %add3A_613, %mul3A_2 : i32
      %mul3A_615 = arith.constant 80 : i32
      %mul3A_616 = arith.muli %add3A_607, %mul3A_615 : i32
      %add3A_617 = arith.addi %add3A_614, %mul3A_616 : i32
      %dma_wait3A_618 = tpu.memref_slice %arg3[%add3A_617] : memref<640000xi32, #tpu.memory_space<hbm>> -> memref<80xi32, #tpu.memory_space<hbm>>
      %dma_wait3A_619 = tpu.memref_slice %arg3[%add3A_617] : memref<640000xi32, #tpu.memory_space<hbm>> -> memref<80xi32, #tpu.memory_space<hbm>>
      tpu.wait_dma2 semaphore(%arg31 : memref<!tpu.dma_semaphore, #tpu.memory_space<semaphore_mem>>) src(%dma_wait3A_619 : memref<80xi32, #tpu.memory_space<hbm>>) dst(%arg17 : memref<80xi32, #tpu.memory_space<vmem>>)
      %dma_start3A_620 = arith.constant 0 : i32
      %dma_start3A_621 = arith.constant 0 : i32
      %dma_start3A_622 = tpu.memref_slice %arg2[%dma_start3A_620, %dma_start3A_621] : memref<10000x128xf32, #tpu.memory_space<hbm>> -> memref<10000x128xf32, #tpu.memory_space<hbm>>
      tpu.enqueue_indirect_dma source(%dma_start3A_622 : memref<10000x128xf32, #tpu.memory_space<hbm>>) target(%arg21 : memref<80x128xf32, #tpu.memory_space<vmem>>) offsets(%arg9 : memref<80xi32, #tpu.memory_space<vmem>>) semaphore(%arg35 : memref<!tpu.dma_semaphore, #tpu.memory_space<semaphore_mem>>)
      %add3A_623 = arith.constant 3 : i32
      %add3A_624 = arith.addi %mul3A_496, %add3A_623 : i32
      %dma_wait3A_625 = arith.constant 0 : i32
      %dma_wait3A_626 = arith.constant 0 : i32
      %dma_wait3A_627 = tpu.memref_slice %arg2[%dma_wait3A_625, %dma_wait3A_626] : memref<10000x128xf32, #tpu.memory_space<hbm>> -> memref<10000x128xf32, #tpu.memory_space<hbm>>
      tpu.wait_indirect_dma semaphore(%arg38 : memref<!tpu.dma_semaphore, #tpu.memory_space<semaphore_mem>>) src(%dma_wait3A_627 : memref<10000x128xf32, #tpu.memory_space<hbm>>) dst(%arg24 : memref<80x128xf32, #tpu.memory_space<vmem>>)
      %dma_start3A_628 = arith.constant 0 : i32
      %dma_start3A_629 = arith.constant 0 : i32
      %dma_start3A_630 = tpu.memref_slice %arg26[%dma_start3A_628, %dma_start3A_629] : memref<10000x128xf32, #tpu.memory_space<vmem_shared>> -> memref<10000x128xf32, #tpu.memory_space<vmem_shared>>
      tpu.enqueue_indirect_dma source(%arg24 : memref<80x128xf32, #tpu.memory_space<vmem>>) target(%dma_start3A_630 : memref<10000x128xf32, #tpu.memory_space<vmem_shared>>) offsets(%arg16 : memref<80xi32, #tpu.memory_space<vmem>>) semaphore(%arg42 : memref<!tpu.dma_semaphore, #tpu.memory_space<semaphore_mem>>) {add = true}
      %dma_wait3A_631 = arith.constant 0 : i32
      %dma_wait3A_632 = arith.constant 0 : i32
      %dma_wait3A_633 = tpu.memref_slice %arg26[%dma_wait3A_631, %dma_wait3A_632] : memref<10000x128xf32, #tpu.memory_space<vmem_shared>> -> memref<10000x128xf32, #tpu.memory_space<vmem_shared>>
      tpu.wait_indirect_dma semaphore(%arg40 : memref<!tpu.dma_semaphore, #tpu.memory_space<semaphore_mem>>) src(%arg22 : memref<80x128xf32, #tpu.memory_space<vmem>>) dst(%dma_wait3A_633 : memref<10000x128xf32, #tpu.memory_space<vmem_shared>>)
      %add3A_634 = arith.constant 4 : i32
      %add3A_635 = arith.addi %add3A_624, %add3A_634 : i32
      %mul3A_636 = arith.constant 80 : i32
      %mul3A_637 = arith.muli %add3A_635, %mul3A_636 : i32
      %add3A_638 = arith.addi %mul3A_2, %mul3A_637 : i32
      %dma_start3A_639 = tpu.memref_slice %arg3[%add3A_638] : memref<640000xi32, #tpu.memory_space<hbm>> -> memref<80xi32, #tpu.memory_space<hbm>>
      %dma_start3A_640 = tpu.memref_slice %arg3[%add3A_638] : memref<640000xi32, #tpu.memory_space<hbm>> -> memref<80xi32, #tpu.memory_space<hbm>>
      tpu.enqueue_dma source(%dma_start3A_640 : memref<80xi32, #tpu.memory_space<hbm>>) target(%arg12 : memref<80xi32, #tpu.memory_space<vmem>>) target_semaphore(%arg34 : memref<!tpu.dma_semaphore, #tpu.memory_space<semaphore_mem>>)
      %add3A_641 = arith.constant 320000 : i32
      %add3A_642 = arith.addi %add3A_641, %mul3A_2 : i32
      %mul3A_643 = arith.constant 80 : i32
      %mul3A_644 = arith.muli %add3A_635, %mul3A_643 : i32
      %add3A_645 = arith.addi %add3A_642, %mul3A_644 : i32
      %dma_start3A_646 = tpu.memref_slice %arg3[%add3A_645] : memref<640000xi32, #tpu.memory_space<hbm>> -> memref<80xi32, #tpu.memory_space<hbm>>
      %dma_start3A_647 = tpu.memref_slice %arg3[%add3A_645] : memref<640000xi32, #tpu.memory_space<hbm>> -> memref<80xi32, #tpu.memory_space<hbm>>
      tpu.enqueue_dma source(%dma_start3A_647 : memref<80xi32, #tpu.memory_space<hbm>>) target(%arg20 : memref<80xi32, #tpu.memory_space<vmem>>) target_semaphore(%arg34 : memref<!tpu.dma_semaphore, #tpu.memory_space<semaphore_mem>>)
      %add3A_648 = arith.constant 2 : i32
      %add3A_649 = arith.addi %add3A_624, %add3A_648 : i32
      %mul3A_650 = arith.constant 80 : i32
      %mul3A_651 = arith.muli %add3A_649, %mul3A_650 : i32
      %add3A_652 = arith.addi %mul3A_2, %mul3A_651 : i32
      %dma_wait3A_653 = tpu.memref_slice %arg3[%add3A_652] : memref<640000xi32, #tpu.memory_space<hbm>> -> memref<80xi32, #tpu.memory_space<hbm>>
      %dma_wait3A_654 = tpu.memref_slice %arg3[%add3A_652] : memref<640000xi32, #tpu.memory_space<hbm>> -> memref<80xi32, #tpu.memory_space<hbm>>
      tpu.wait_dma2 semaphore(%arg32 : memref<!tpu.dma_semaphore, #tpu.memory_space<semaphore_mem>>) src(%dma_wait3A_654 : memref<80xi32, #tpu.memory_space<hbm>>) dst(%arg10 : memref<80xi32, #tpu.memory_space<vmem>>)
      %add3A_655 = arith.constant 320000 : i32
      %add3A_656 = arith.addi %add3A_655, %mul3A_2 : i32
      %mul3A_657 = arith.constant 80 : i32
      %mul3A_658 = arith.muli %add3A_649, %mul3A_657 : i32
      %add3A_659 = arith.addi %add3A_656, %mul3A_658 : i32
      %dma_wait3A_660 = tpu.memref_slice %arg3[%add3A_659] : memref<640000xi32, #tpu.memory_space<hbm>> -> memref<80xi32, #tpu.memory_space<hbm>>
      %dma_wait3A_661 = tpu.memref_slice %arg3[%add3A_659] : memref<640000xi32, #tpu.memory_space<hbm>> -> memref<80xi32, #tpu.memory_space<hbm>>
      tpu.wait_dma2 semaphore(%arg32 : memref<!tpu.dma_semaphore, #tpu.memory_space<semaphore_mem>>) src(%dma_wait3A_661 : memref<80xi32, #tpu.memory_space<hbm>>) dst(%arg18 : memref<80xi32, #tpu.memory_space<vmem>>)
      %dma_start3A_662 = arith.constant 0 : i32
      %dma_start3A_663 = arith.constant 0 : i32
      %dma_start3A_664 = tpu.memref_slice %arg2[%dma_start3A_662, %dma_start3A_663] : memref<10000x128xf32, #tpu.memory_space<hbm>> -> memref<10000x128xf32, #tpu.memory_space<hbm>>
      tpu.enqueue_indirect_dma source(%dma_start3A_664 : memref<10000x128xf32, #tpu.memory_space<hbm>>) target(%arg22 : memref<80x128xf32, #tpu.memory_space<vmem>>) offsets(%arg10 : memref<80xi32, #tpu.memory_space<vmem>>) semaphore(%arg36 : memref<!tpu.dma_semaphore, #tpu.memory_space<semaphore_mem>>)
      %add3A_665 = arith.constant 4 : i32
      %add3A_666 = arith.addi %mul3A_496, %add3A_665 : i32
      %dma_wait3A_667 = arith.constant 0 : i32
      %dma_wait3A_668 = arith.constant 0 : i32
      %dma_wait3A_669 = tpu.memref_slice %arg2[%dma_wait3A_667, %dma_wait3A_668] : memref<10000x128xf32, #tpu.memory_space<hbm>> -> memref<10000x128xf32, #tpu.memory_space<hbm>>
      tpu.wait_indirect_dma semaphore(%arg35 : memref<!tpu.dma_semaphore, #tpu.memory_space<semaphore_mem>>) src(%dma_wait3A_669 : memref<10000x128xf32, #tpu.memory_space<hbm>>) dst(%arg21 : memref<80x128xf32, #tpu.memory_space<vmem>>)
      %dma_start3A_670 = arith.constant 0 : i32
      %dma_start3A_671 = arith.constant 0 : i32
      %dma_start3A_672 = tpu.memref_slice %arg26[%dma_start3A_670, %dma_start3A_671] : memref<10000x128xf32, #tpu.memory_space<vmem_shared>> -> memref<10000x128xf32, #tpu.memory_space<vmem_shared>>
      tpu.enqueue_indirect_dma source(%arg21 : memref<80x128xf32, #tpu.memory_space<vmem>>) target(%dma_start3A_672 : memref<10000x128xf32, #tpu.memory_space<vmem_shared>>) offsets(%arg17 : memref<80xi32, #tpu.memory_space<vmem>>) semaphore(%arg39 : memref<!tpu.dma_semaphore, #tpu.memory_space<semaphore_mem>>) {add = true}
      %dma_wait3A_673 = arith.constant 0 : i32
      %dma_wait3A_674 = arith.constant 0 : i32
      %dma_wait3A_675 = tpu.memref_slice %arg26[%dma_wait3A_673, %dma_wait3A_674] : memref<10000x128xf32, #tpu.memory_space<vmem_shared>> -> memref<10000x128xf32, #tpu.memory_space<vmem_shared>>
      tpu.wait_indirect_dma semaphore(%arg41 : memref<!tpu.dma_semaphore, #tpu.memory_space<semaphore_mem>>) src(%arg23 : memref<80x128xf32, #tpu.memory_space<vmem>>) dst(%dma_wait3A_675 : memref<10000x128xf32, #tpu.memory_space<vmem_shared>>)
      %add3A_676 = arith.constant 4 : i32
      %add3A_677 = arith.addi %add3A_666, %add3A_676 : i32
      %mul3A_678 = arith.constant 80 : i32
      %mul3A_679 = arith.muli %add3A_677, %mul3A_678 : i32
      %add3A_680 = arith.addi %mul3A_2, %mul3A_679 : i32
      %dma_start3A_681 = tpu.memref_slice %arg3[%add3A_680] : memref<640000xi32, #tpu.memory_space<hbm>> -> memref<80xi32, #tpu.memory_space<hbm>>
      %dma_start3A_682 = tpu.memref_slice %arg3[%add3A_680] : memref<640000xi32, #tpu.memory_space<hbm>> -> memref<80xi32, #tpu.memory_space<hbm>>
      tpu.enqueue_dma source(%dma_start3A_682 : memref<80xi32, #tpu.memory_space<hbm>>) target(%arg5 : memref<80xi32, #tpu.memory_space<vmem>>) target_semaphore(%arg27 : memref<!tpu.dma_semaphore, #tpu.memory_space<semaphore_mem>>)
      %add3A_683 = arith.constant 320000 : i32
      %add3A_684 = arith.addi %add3A_683, %mul3A_2 : i32
      %mul3A_685 = arith.constant 80 : i32
      %mul3A_686 = arith.muli %add3A_677, %mul3A_685 : i32
      %add3A_687 = arith.addi %add3A_684, %mul3A_686 : i32
      %dma_start3A_688 = tpu.memref_slice %arg3[%add3A_687] : memref<640000xi32, #tpu.memory_space<hbm>> -> memref<80xi32, #tpu.memory_space<hbm>>
      %dma_start3A_689 = tpu.memref_slice %arg3[%add3A_687] : memref<640000xi32, #tpu.memory_space<hbm>> -> memref<80xi32, #tpu.memory_space<hbm>>
      tpu.enqueue_dma source(%dma_start3A_689 : memref<80xi32, #tpu.memory_space<hbm>>) target(%arg13 : memref<80xi32, #tpu.memory_space<vmem>>) target_semaphore(%arg27 : memref<!tpu.dma_semaphore, #tpu.memory_space<semaphore_mem>>)
      %add3A_690 = arith.constant 2 : i32
      %add3A_691 = arith.addi %add3A_666, %add3A_690 : i32
      %mul3A_692 = arith.constant 80 : i32
      %mul3A_693 = arith.muli %add3A_691, %mul3A_692 : i32
      %add3A_694 = arith.addi %mul3A_2, %mul3A_693 : i32
      %dma_wait3A_695 = tpu.memref_slice %arg3[%add3A_694] : memref<640000xi32, #tpu.memory_space<hbm>> -> memref<80xi32, #tpu.memory_space<hbm>>
      %dma_wait3A_696 = tpu.memref_slice %arg3[%add3A_694] : memref<640000xi32, #tpu.memory_space<hbm>> -> memref<80xi32, #tpu.memory_space<hbm>>
      tpu.wait_dma2 semaphore(%arg33 : memref<!tpu.dma_semaphore, #tpu.memory_space<semaphore_mem>>) src(%dma_wait3A_696 : memref<80xi32, #tpu.memory_space<hbm>>) dst(%arg11 : memref<80xi32, #tpu.memory_space<vmem>>)
      %add3A_697 = arith.constant 320000 : i32
      %add3A_698 = arith.addi %add3A_697, %mul3A_2 : i32
      %mul3A_699 = arith.constant 80 : i32
      %mul3A_700 = arith.muli %add3A_691, %mul3A_699 : i32
      %add3A_701 = arith.addi %add3A_698, %mul3A_700 : i32
      %dma_wait3A_702 = tpu.memref_slice %arg3[%add3A_701] : memref<640000xi32, #tpu.memory_space<hbm>> -> memref<80xi32, #tpu.memory_space<hbm>>
      %dma_wait3A_703 = tpu.memref_slice %arg3[%add3A_701] : memref<640000xi32, #tpu.memory_space<hbm>> -> memref<80xi32, #tpu.memory_space<hbm>>
      tpu.wait_dma2 semaphore(%arg33 : memref<!tpu.dma_semaphore, #tpu.memory_space<semaphore_mem>>) src(%dma_wait3A_703 : memref<80xi32, #tpu.memory_space<hbm>>) dst(%arg19 : memref<80xi32, #tpu.memory_space<vmem>>)
      %dma_start3A_704 = arith.constant 0 : i32
      %dma_start3A_705 = arith.constant 0 : i32
      %dma_start3A_706 = tpu.memref_slice %arg2[%dma_start3A_704, %dma_start3A_705] : memref<10000x128xf32, #tpu.memory_space<hbm>> -> memref<10000x128xf32, #tpu.memory_space<hbm>>
      tpu.enqueue_indirect_dma source(%dma_start3A_706 : memref<10000x128xf32, #tpu.memory_space<hbm>>) target(%arg23 : memref<80x128xf32, #tpu.memory_space<vmem>>) offsets(%arg11 : memref<80xi32, #tpu.memory_space<vmem>>) semaphore(%arg37 : memref<!tpu.dma_semaphore, #tpu.memory_space<semaphore_mem>>)
      %add3A_707 = arith.constant 5 : i32
      %add3A_708 = arith.addi %mul3A_496, %add3A_707 : i32
      %dma_wait3A_709 = arith.constant 0 : i32
      %dma_wait3A_710 = arith.constant 0 : i32
      %dma_wait3A_711 = tpu.memref_slice %arg2[%dma_wait3A_709, %dma_wait3A_710] : memref<10000x128xf32, #tpu.memory_space<hbm>> -> memref<10000x128xf32, #tpu.memory_space<hbm>>
      tpu.wait_indirect_dma semaphore(%arg36 : memref<!tpu.dma_semaphore, #tpu.memory_space<semaphore_mem>>) src(%dma_wait3A_711 : memref<10000x128xf32, #tpu.memory_space<hbm>>) dst(%arg22 : memref<80x128xf32, #tpu.memory_space<vmem>>)
      %dma_start3A_712 = arith.constant 0 : i32
      %dma_start3A_713 = arith.constant 0 : i32
      %dma_start3A_714 = tpu.memref_slice %arg26[%dma_start3A_712, %dma_start3A_713] : memref<10000x128xf32, #tpu.memory_space<vmem_shared>> -> memref<10000x128xf32, #tpu.memory_space<vmem_shared>>
      tpu.enqueue_indirect_dma source(%arg22 : memref<80x128xf32, #tpu.memory_space<vmem>>) target(%dma_start3A_714 : memref<10000x128xf32, #tpu.memory_space<vmem_shared>>) offsets(%arg18 : memref<80xi32, #tpu.memory_space<vmem>>) semaphore(%arg40 : memref<!tpu.dma_semaphore, #tpu.memory_space<semaphore_mem>>) {add = true}
      %dma_wait3A_715 = arith.constant 0 : i32
      %dma_wait3A_716 = arith.constant 0 : i32
      %dma_wait3A_717 = tpu.memref_slice %arg26[%dma_wait3A_715, %dma_wait3A_716] : memref<10000x128xf32, #tpu.memory_space<vmem_shared>> -> memref<10000x128xf32, #tpu.memory_space<vmem_shared>>
      tpu.wait_indirect_dma semaphore(%arg42 : memref<!tpu.dma_semaphore, #tpu.memory_space<semaphore_mem>>) src(%arg24 : memref<80x128xf32, #tpu.memory_space<vmem>>) dst(%dma_wait3A_717 : memref<10000x128xf32, #tpu.memory_space<vmem_shared>>)
      %add3A_718 = arith.constant 4 : i32
      %add3A_719 = arith.addi %add3A_708, %add3A_718 : i32
      %mul3A_720 = arith.constant 80 : i32
      %mul3A_721 = arith.muli %add3A_719, %mul3A_720 : i32
      %add3A_722 = arith.addi %mul3A_2, %mul3A_721 : i32
      %dma_start3A_723 = tpu.memref_slice %arg3[%add3A_722] : memref<640000xi32, #tpu.memory_space<hbm>> -> memref<80xi32, #tpu.memory_space<hbm>>
      %dma_start3A_724 = tpu.memref_slice %arg3[%add3A_722] : memref<640000xi32, #tpu.memory_space<hbm>> -> memref<80xi32, #tpu.memory_space<hbm>>
      tpu.enqueue_dma source(%dma_start3A_724 : memref<80xi32, #tpu.memory_space<hbm>>) target(%arg6 : memref<80xi32, #tpu.memory_space<vmem>>) target_semaphore(%arg28 : memref<!tpu.dma_semaphore, #tpu.memory_space<semaphore_mem>>)
      %add3A_725 = arith.constant 320000 : i32
      %add3A_726 = arith.addi %add3A_725, %mul3A_2 : i32
      %mul3A_727 = arith.constant 80 : i32
      %mul3A_728 = arith.muli %add3A_719, %mul3A_727 : i32
      %add3A_729 = arith.addi %add3A_726, %mul3A_728 : i32
      %dma_start3A_730 = tpu.memref_slice %arg3[%add3A_729] : memref<640000xi32, #tpu.memory_space<hbm>> -> memref<80xi32, #tpu.memory_space<hbm>>
      %dma_start3A_731 = tpu.memref_slice %arg3[%add3A_729] : memref<640000xi32, #tpu.memory_space<hbm>> -> memref<80xi32, #tpu.memory_space<hbm>>
      tpu.enqueue_dma source(%dma_start3A_731 : memref<80xi32, #tpu.memory_space<hbm>>) target(%arg14 : memref<80xi32, #tpu.memory_space<vmem>>) target_semaphore(%arg28 : memref<!tpu.dma_semaphore, #tpu.memory_space<semaphore_mem>>)
      %add3A_732 = arith.constant 2 : i32
      %add3A_733 = arith.addi %add3A_708, %add3A_732 : i32
      %mul3A_734 = arith.constant 80 : i32
      %mul3A_735 = arith.muli %add3A_733, %mul3A_734 : i32
      %add3A_736 = arith.addi %mul3A_2, %mul3A_735 : i32
      %dma_wait3A_737 = tpu.memref_slice %arg3[%add3A_736] : memref<640000xi32, #tpu.memory_space<hbm>> -> memref<80xi32, #tpu.memory_space<hbm>>
      %dma_wait3A_738 = tpu.memref_slice %arg3[%add3A_736] : memref<640000xi32, #tpu.memory_space<hbm>> -> memref<80xi32, #tpu.memory_space<hbm>>
      tpu.wait_dma2 semaphore(%arg34 : memref<!tpu.dma_semaphore, #tpu.memory_space<semaphore_mem>>) src(%dma_wait3A_738 : memref<80xi32, #tpu.memory_space<hbm>>) dst(%arg12 : memref<80xi32, #tpu.memory_space<vmem>>)
      %add3A_739 = arith.constant 320000 : i32
      %add3A_740 = arith.addi %add3A_739, %mul3A_2 : i32
      %mul3A_741 = arith.constant 80 : i32
      %mul3A_742 = arith.muli %add3A_733, %mul3A_741 : i32
      %add3A_743 = arith.addi %add3A_740, %mul3A_742 : i32
      %dma_wait3A_744 = tpu.memref_slice %arg3[%add3A_743] : memref<640000xi32, #tpu.memory_space<hbm>> -> memref<80xi32, #tpu.memory_space<hbm>>
      %dma_wait3A_745 = tpu.memref_slice %arg3[%add3A_743] : memref<640000xi32, #tpu.memory_space<hbm>> -> memref<80xi32, #tpu.memory_space<hbm>>
      tpu.wait_dma2 semaphore(%arg34 : memref<!tpu.dma_semaphore, #tpu.memory_space<semaphore_mem>>) src(%dma_wait3A_745 : memref<80xi32, #tpu.memory_space<hbm>>) dst(%arg20 : memref<80xi32, #tpu.memory_space<vmem>>)
      %dma_start3A_746 = arith.constant 0 : i32
      %dma_start3A_747 = arith.constant 0 : i32
      %dma_start3A_748 = tpu.memref_slice %arg2[%dma_start3A_746, %dma_start3A_747] : memref<10000x128xf32, #tpu.memory_space<hbm>> -> memref<10000x128xf32, #tpu.memory_space<hbm>>
      tpu.enqueue_indirect_dma source(%dma_start3A_748 : memref<10000x128xf32, #tpu.memory_space<hbm>>) target(%arg24 : memref<80x128xf32, #tpu.memory_space<vmem>>) offsets(%arg12 : memref<80xi32, #tpu.memory_space<vmem>>) semaphore(%arg38 : memref<!tpu.dma_semaphore, #tpu.memory_space<semaphore_mem>>)
      %add3A_749 = arith.constant 6 : i32
      %add3A_750 = arith.addi %mul3A_496, %add3A_749 : i32
      %dma_wait3A_751 = arith.constant 0 : i32
      %dma_wait3A_752 = arith.constant 0 : i32
      %dma_wait3A_753 = tpu.memref_slice %arg2[%dma_wait3A_751, %dma_wait3A_752] : memref<10000x128xf32, #tpu.memory_space<hbm>> -> memref<10000x128xf32, #tpu.memory_space<hbm>>
      tpu.wait_indirect_dma semaphore(%arg37 : memref<!tpu.dma_semaphore, #tpu.memory_space<semaphore_mem>>) src(%dma_wait3A_753 : memref<10000x128xf32, #tpu.memory_space<hbm>>) dst(%arg23 : memref<80x128xf32, #tpu.memory_space<vmem>>)
      %dma_start3A_754 = arith.constant 0 : i32
      %dma_start3A_755 = arith.constant 0 : i32
      %dma_start3A_756 = tpu.memref_slice %arg26[%dma_start3A_754, %dma_start3A_755] : memref<10000x128xf32, #tpu.memory_space<vmem_shared>> -> memref<10000x128xf32, #tpu.memory_space<vmem_shared>>
      tpu.enqueue_indirect_dma source(%arg23 : memref<80x128xf32, #tpu.memory_space<vmem>>) target(%dma_start3A_756 : memref<10000x128xf32, #tpu.memory_space<vmem_shared>>) offsets(%arg19 : memref<80xi32, #tpu.memory_space<vmem>>) semaphore(%arg41 : memref<!tpu.dma_semaphore, #tpu.memory_space<semaphore_mem>>) {add = true}
      %dma_wait3A_757 = arith.constant 0 : i32
      %dma_wait3A_758 = arith.constant 0 : i32
      %dma_wait3A_759 = tpu.memref_slice %arg26[%dma_wait3A_757, %dma_wait3A_758] : memref<10000x128xf32, #tpu.memory_space<vmem_shared>> -> memref<10000x128xf32, #tpu.memory_space<vmem_shared>>
      tpu.wait_indirect_dma semaphore(%arg39 : memref<!tpu.dma_semaphore, #tpu.memory_space<semaphore_mem>>) src(%arg21 : memref<80x128xf32, #tpu.memory_space<vmem>>) dst(%dma_wait3A_759 : memref<10000x128xf32, #tpu.memory_space<vmem_shared>>)
      %add3A_760 = arith.constant 4 : i32
      %add3A_761 = arith.addi %add3A_750, %add3A_760 : i32
      %mul3A_762 = arith.constant 80 : i32
      %mul3A_763 = arith.muli %add3A_761, %mul3A_762 : i32
      %add3A_764 = arith.addi %mul3A_2, %mul3A_763 : i32
      %dma_start3A_765 = tpu.memref_slice %arg3[%add3A_764] : memref<640000xi32, #tpu.memory_space<hbm>> -> memref<80xi32, #tpu.memory_space<hbm>>
      %dma_start3A_766 = tpu.memref_slice %arg3[%add3A_764] : memref<640000xi32, #tpu.memory_space<hbm>> -> memref<80xi32, #tpu.memory_space<hbm>>
      tpu.enqueue_dma source(%dma_start3A_766 : memref<80xi32, #tpu.memory_space<hbm>>) target(%arg7 : memref<80xi32, #tpu.memory_space<vmem>>) target_semaphore(%arg29 : memref<!tpu.dma_semaphore, #tpu.memory_space<semaphore_mem>>)
      %add3A_767 = arith.constant 320000 : i32
      %add3A_768 = arith.addi %add3A_767, %mul3A_2 : i32
      %mul3A_769 = arith.constant 80 : i32
      %mul3A_770 = arith.muli %add3A_761, %mul3A_769 : i32
      %add3A_771 = arith.addi %add3A_768, %mul3A_770 : i32
      %dma_start3A_772 = tpu.memref_slice %arg3[%add3A_771] : memref<640000xi32, #tpu.memory_space<hbm>> -> memref<80xi32, #tpu.memory_space<hbm>>
      %dma_start3A_773 = tpu.memref_slice %arg3[%add3A_771] : memref<640000xi32, #tpu.memory_space<hbm>> -> memref<80xi32, #tpu.memory_space<hbm>>
      tpu.enqueue_dma source(%dma_start3A_773 : memref<80xi32, #tpu.memory_space<hbm>>) target(%arg15 : memref<80xi32, #tpu.memory_space<vmem>>) target_semaphore(%arg29 : memref<!tpu.dma_semaphore, #tpu.memory_space<semaphore_mem>>)
      %add3A_774 = arith.constant 2 : i32
      %add3A_775 = arith.addi %add3A_750, %add3A_774 : i32
      %mul3A_776 = arith.constant 80 : i32
      %mul3A_777 = arith.muli %add3A_775, %mul3A_776 : i32
      %add3A_778 = arith.addi %mul3A_2, %mul3A_777 : i32
      %dma_wait3A_779 = tpu.memref_slice %arg3[%add3A_778] : memref<640000xi32, #tpu.memory_space<hbm>> -> memref<80xi32, #tpu.memory_space<hbm>>
      %dma_wait3A_780 = tpu.memref_slice %arg3[%add3A_778] : memref<640000xi32, #tpu.memory_space<hbm>> -> memref<80xi32, #tpu.memory_space<hbm>>
      tpu.wait_dma2 semaphore(%arg27 : memref<!tpu.dma_semaphore, #tpu.memory_space<semaphore_mem>>) src(%dma_wait3A_780 : memref<80xi32, #tpu.memory_space<hbm>>) dst(%arg5 : memref<80xi32, #tpu.memory_space<vmem>>)
      %add3A_781 = arith.constant 320000 : i32
      %add3A_782 = arith.addi %add3A_781, %mul3A_2 : i32
      %mul3A_783 = arith.constant 80 : i32
      %mul3A_784 = arith.muli %add3A_775, %mul3A_783 : i32
      %add3A_785 = arith.addi %add3A_782, %mul3A_784 : i32
      %dma_wait3A_786 = tpu.memref_slice %arg3[%add3A_785] : memref<640000xi32, #tpu.memory_space<hbm>> -> memref<80xi32, #tpu.memory_space<hbm>>
      %dma_wait3A_787 = tpu.memref_slice %arg3[%add3A_785] : memref<640000xi32, #tpu.memory_space<hbm>> -> memref<80xi32, #tpu.memory_space<hbm>>
      tpu.wait_dma2 semaphore(%arg27 : memref<!tpu.dma_semaphore, #tpu.memory_space<semaphore_mem>>) src(%dma_wait3A_787 : memref<80xi32, #tpu.memory_space<hbm>>) dst(%arg13 : memref<80xi32, #tpu.memory_space<vmem>>)
      %dma_start3A_788 = arith.constant 0 : i32
      %dma_start3A_789 = arith.constant 0 : i32
      %dma_start3A_790 = tpu.memref_slice %arg2[%dma_start3A_788, %dma_start3A_789] : memref<10000x128xf32, #tpu.memory_space<hbm>> -> memref<10000x128xf32, #tpu.memory_space<hbm>>
      tpu.enqueue_indirect_dma source(%dma_start3A_790 : memref<10000x128xf32, #tpu.memory_space<hbm>>) target(%arg21 : memref<80x128xf32, #tpu.memory_space<vmem>>) offsets(%arg5 : memref<80xi32, #tpu.memory_space<vmem>>) semaphore(%arg35 : memref<!tpu.dma_semaphore, #tpu.memory_space<semaphore_mem>>)
      %add3A_791 = arith.constant 7 : i32
      %add3A_792 = arith.addi %mul3A_496, %add3A_791 : i32
      %dma_wait3A_793 = arith.constant 0 : i32
      %dma_wait3A_794 = arith.constant 0 : i32
      %dma_wait3A_795 = tpu.memref_slice %arg2[%dma_wait3A_793, %dma_wait3A_794] : memref<10000x128xf32, #tpu.memory_space<hbm>> -> memref<10000x128xf32, #tpu.memory_space<hbm>>
      tpu.wait_indirect_dma semaphore(%arg38 : memref<!tpu.dma_semaphore, #tpu.memory_space<semaphore_mem>>) src(%dma_wait3A_795 : memref<10000x128xf32, #tpu.memory_space<hbm>>) dst(%arg24 : memref<80x128xf32, #tpu.memory_space<vmem>>)
      %dma_start3A_796 = arith.constant 0 : i32
      %dma_start3A_797 = arith.constant 0 : i32
      %dma_start3A_798 = tpu.memref_slice %arg26[%dma_start3A_796, %dma_start3A_797] : memref<10000x128xf32, #tpu.memory_space<vmem_shared>> -> memref<10000x128xf32, #tpu.memory_space<vmem_shared>>
      tpu.enqueue_indirect_dma source(%arg24 : memref<80x128xf32, #tpu.memory_space<vmem>>) target(%dma_start3A_798 : memref<10000x128xf32, #tpu.memory_space<vmem_shared>>) offsets(%arg20 : memref<80xi32, #tpu.memory_space<vmem>>) semaphore(%arg42 : memref<!tpu.dma_semaphore, #tpu.memory_space<semaphore_mem>>) {add = true}
      %dma_wait3A_799 = arith.constant 0 : i32
      %dma_wait3A_800 = arith.constant 0 : i32
      %dma_wait3A_801 = tpu.memref_slice %arg26[%dma_wait3A_799, %dma_wait3A_800] : memref<10000x128xf32, #tpu.memory_space<vmem_shared>> -> memref<10000x128xf32, #tpu.memory_space<vmem_shared>>
      tpu.wait_indirect_dma semaphore(%arg40 : memref<!tpu.dma_semaphore, #tpu.memory_space<semaphore_mem>>) src(%arg22 : memref<80x128xf32, #tpu.memory_space<vmem>>) dst(%dma_wait3A_801 : memref<10000x128xf32, #tpu.memory_space<vmem_shared>>)
      %add3A_802 = arith.constant 4 : i32
      %add3A_803 = arith.addi %add3A_792, %add3A_802 : i32
      %mul3A_804 = arith.constant 80 : i32
      %mul3A_805 = arith.muli %add3A_803, %mul3A_804 : i32
      %add3A_806 = arith.addi %mul3A_2, %mul3A_805 : i32
      %dma_start3A_807 = tpu.memref_slice %arg3[%add3A_806] : memref<640000xi32, #tpu.memory_space<hbm>> -> memref<80xi32, #tpu.memory_space<hbm>>
      %dma_start3A_808 = tpu.memref_slice %arg3[%add3A_806] : memref<640000xi32, #tpu.memory_space<hbm>> -> memref<80xi32, #tpu.memory_space<hbm>>
      tpu.enqueue_dma source(%dma_start3A_808 : memref<80xi32, #tpu.memory_space<hbm>>) target(%arg8 : memref<80xi32, #tpu.memory_space<vmem>>) target_semaphore(%arg30 : memref<!tpu.dma_semaphore, #tpu.memory_space<semaphore_mem>>)
      %add3A_809 = arith.constant 320000 : i32
      %add3A_810 = arith.addi %add3A_809, %mul3A_2 : i32
      %mul3A_811 = arith.constant 80 : i32
      %mul3A_812 = arith.muli %add3A_803, %mul3A_811 : i32
      %add3A_813 = arith.addi %add3A_810, %mul3A_812 : i32
      %dma_start3A_814 = tpu.memref_slice %arg3[%add3A_813] : memref<640000xi32, #tpu.memory_space<hbm>> -> memref<80xi32, #tpu.memory_space<hbm>>
      %dma_start3A_815 = tpu.memref_slice %arg3[%add3A_813] : memref<640000xi32, #tpu.memory_space<hbm>> -> memref<80xi32, #tpu.memory_space<hbm>>
      tpu.enqueue_dma source(%dma_start3A_815 : memref<80xi32, #tpu.memory_space<hbm>>) target(%arg16 : memref<80xi32, #tpu.memory_space<vmem>>) target_semaphore(%arg30 : memref<!tpu.dma_semaphore, #tpu.memory_space<semaphore_mem>>)
      %add3A_816 = arith.constant 2 : i32
      %add3A_817 = arith.addi %add3A_792, %add3A_816 : i32
      %mul3A_818 = arith.constant 80 : i32
      %mul3A_819 = arith.muli %add3A_817, %mul3A_818 : i32
      %add3A_820 = arith.addi %mul3A_2, %mul3A_819 : i32
      %dma_wait3A_821 = tpu.memref_slice %arg3[%add3A_820] : memref<640000xi32, #tpu.memory_space<hbm>> -> memref<80xi32, #tpu.memory_space<hbm>>
      %dma_wait3A_822 = tpu.memref_slice %arg3[%add3A_820] : memref<640000xi32, #tpu.memory_space<hbm>> -> memref<80xi32, #tpu.memory_space<hbm>>
      tpu.wait_dma2 semaphore(%arg28 : memref<!tpu.dma_semaphore, #tpu.memory_space<semaphore_mem>>) src(%dma_wait3A_822 : memref<80xi32, #tpu.memory_space<hbm>>) dst(%arg6 : memref<80xi32, #tpu.memory_space<vmem>>)
      %add3A_823 = arith.constant 320000 : i32
      %add3A_824 = arith.addi %add3A_823, %mul3A_2 : i32
      %mul3A_825 = arith.constant 80 : i32
      %mul3A_826 = arith.muli %add3A_817, %mul3A_825 : i32
      %add3A_827 = arith.addi %add3A_824, %mul3A_826 : i32
      %dma_wait3A_828 = tpu.memref_slice %arg3[%add3A_827] : memref<640000xi32, #tpu.memory_space<hbm>> -> memref<80xi32, #tpu.memory_space<hbm>>
      %dma_wait3A_829 = tpu.memref_slice %arg3[%add3A_827] : memref<640000xi32, #tpu.memory_space<hbm>> -> memref<80xi32, #tpu.memory_space<hbm>>
      tpu.wait_dma2 semaphore(%arg28 : memref<!tpu.dma_semaphore, #tpu.memory_space<semaphore_mem>>) src(%dma_wait3A_829 : memref<80xi32, #tpu.memory_space<hbm>>) dst(%arg14 : memref<80xi32, #tpu.memory_space<vmem>>)
      %dma_start3A_830 = arith.constant 0 : i32
      %dma_start3A_831 = arith.constant 0 : i32
      %dma_start3A_832 = tpu.memref_slice %arg2[%dma_start3A_830, %dma_start3A_831] : memref<10000x128xf32, #tpu.memory_space<hbm>> -> memref<10000x128xf32, #tpu.memory_space<hbm>>
      tpu.enqueue_indirect_dma source(%dma_start3A_832 : memref<10000x128xf32, #tpu.memory_space<hbm>>) target(%arg22 : memref<80x128xf32, #tpu.memory_space<vmem>>) offsets(%arg6 : memref<80xi32, #tpu.memory_space<vmem>>) semaphore(%arg36 : memref<!tpu.dma_semaphore, #tpu.memory_space<semaphore_mem>>)
    }
    %scan3A_380 = arith.constant 14 : i32
    %dma_wait3A_381 = arith.constant 0 : i32
    %dma_wait3A_382 = arith.constant 0 : i32
    %dma_wait3A_383 = tpu.memref_slice %arg2[%dma_wait3A_381, %dma_wait3A_382] : memref<10000x128xf32, #tpu.memory_space<hbm>> -> memref<10000x128xf32, #tpu.memory_space<hbm>>
    tpu.wait_indirect_dma semaphore(%arg35 : memref<!tpu.dma_semaphore, #tpu.memory_space<semaphore_mem>>) src(%dma_wait3A_383 : memref<10000x128xf32, #tpu.memory_space<hbm>>) dst(%arg21 : memref<80x128xf32, #tpu.memory_space<vmem>>)
    %dma_start3A_384 = arith.constant 0 : i32
    %dma_start3A_385 = arith.constant 0 : i32
    %dma_start3A_386 = tpu.memref_slice %arg26[%dma_start3A_384, %dma_start3A_385] : memref<10000x128xf32, #tpu.memory_space<vmem_shared>> -> memref<10000x128xf32, #tpu.memory_space<vmem_shared>>
    tpu.enqueue_indirect_dma source(%arg21 : memref<80x128xf32, #tpu.memory_space<vmem>>) target(%dma_start3A_386 : memref<10000x128xf32, #tpu.memory_space<vmem_shared>>) offsets(%arg13 : memref<80xi32, #tpu.memory_space<vmem>>) semaphore(%arg39 : memref<!tpu.dma_semaphore, #tpu.memory_space<semaphore_mem>>) {add = true}
    %dma_wait3A_387 = arith.constant 0 : i32
    %dma_wait3A_388 = arith.constant 0 : i32
    %dma_wait3A_389 = tpu.memref_slice %arg26[%dma_wait3A_387, %dma_wait3A_388] : memref<10000x128xf32, #tpu.memory_space<vmem_shared>> -> memref<10000x128xf32, #tpu.memory_space<vmem_shared>>
    tpu.wait_indirect_dma semaphore(%arg41 : memref<!tpu.dma_semaphore, #tpu.memory_space<semaphore_mem>>) src(%arg23 : memref<80x128xf32, #tpu.memory_space<vmem>>) dst(%dma_wait3A_389 : memref<10000x128xf32, #tpu.memory_space<vmem_shared>>)
    %add3A_390 = arith.constant 9920 : i32
    %add3A_391 = arith.addi %mul3A_2, %add3A_390 : i32
    %dma_start3A_392 = tpu.memref_slice %arg3[%add3A_391] : memref<640000xi32, #tpu.memory_space<hbm>> -> memref<80xi32, #tpu.memory_space<hbm>>
    %dma_start3A_393 = tpu.memref_slice %arg3[%add3A_391] : memref<640000xi32, #tpu.memory_space<hbm>> -> memref<80xi32, #tpu.memory_space<hbm>>
    tpu.enqueue_dma source(%dma_start3A_393 : memref<80xi32, #tpu.memory_space<hbm>>) target(%arg9 : memref<80xi32, #tpu.memory_space<vmem>>) target_semaphore(%arg31 : memref<!tpu.dma_semaphore, #tpu.memory_space<semaphore_mem>>)
    %add3A_394 = arith.constant 320000 : i32
    %add3A_395 = arith.addi %add3A_394, %mul3A_2 : i32
    %add3A_396 = arith.constant 9920 : i32
    %add3A_397 = arith.addi %add3A_395, %add3A_396 : i32
    %dma_start3A_398 = tpu.memref_slice %arg3[%add3A_397] : memref<640000xi32, #tpu.memory_space<hbm>> -> memref<80xi32, #tpu.memory_space<hbm>>
    %dma_start3A_399 = tpu.memref_slice %arg3[%add3A_397] : memref<640000xi32, #tpu.memory_space<hbm>> -> memref<80xi32, #tpu.memory_space<hbm>>
    tpu.enqueue_dma source(%dma_start3A_399 : memref<80xi32, #tpu.memory_space<hbm>>) target(%arg17 : memref<80xi32, #tpu.memory_space<vmem>>) target_semaphore(%arg31 : memref<!tpu.dma_semaphore, #tpu.memory_space<semaphore_mem>>)
    %add3A_400 = arith.constant 9760 : i32
    %add3A_401 = arith.addi %mul3A_2, %add3A_400 : i32
    %dma_wait3A_402 = tpu.memref_slice %arg3[%add3A_401] : memref<640000xi32, #tpu.memory_space<hbm>> -> memref<80xi32, #tpu.memory_space<hbm>>
    %dma_wait3A_403 = tpu.memref_slice %arg3[%add3A_401] : memref<640000xi32, #tpu.memory_space<hbm>> -> memref<80xi32, #tpu.memory_space<hbm>>
    tpu.wait_dma2 semaphore(%arg29 : memref<!tpu.dma_semaphore, #tpu.memory_space<semaphore_mem>>) src(%dma_wait3A_403 : memref<80xi32, #tpu.memory_space<hbm>>) dst(%arg7 : memref<80xi32, #tpu.memory_space<vmem>>)
    %add3A_404 = arith.constant 320000 : i32
    %add3A_405 = arith.addi %add3A_404, %mul3A_2 : i32
    %add3A_406 = arith.constant 9760 : i32
    %add3A_407 = arith.addi %add3A_405, %add3A_406 : i32
    %dma_wait3A_408 = tpu.memref_slice %arg3[%add3A_407] : memref<640000xi32, #tpu.memory_space<hbm>> -> memref<80xi32, #tpu.memory_space<hbm>>
    %dma_wait3A_409 = tpu.memref_slice %arg3[%add3A_407] : memref<640000xi32, #tpu.memory_space<hbm>> -> memref<80xi32, #tpu.memory_space<hbm>>
    tpu.wait_dma2 semaphore(%arg29 : memref<!tpu.dma_semaphore, #tpu.memory_space<semaphore_mem>>) src(%dma_wait3A_409 : memref<80xi32, #tpu.memory_space<hbm>>) dst(%arg15 : memref<80xi32, #tpu.memory_space<vmem>>)
    %dma_start3A_410 = arith.constant 0 : i32
    %dma_start3A_411 = arith.constant 0 : i32
    %dma_start3A_412 = tpu.memref_slice %arg2[%dma_start3A_410, %dma_start3A_411] : memref<10000x128xf32, #tpu.memory_space<hbm>> -> memref<10000x128xf32, #tpu.memory_space<hbm>>
    tpu.enqueue_indirect_dma source(%dma_start3A_412 : memref<10000x128xf32, #tpu.memory_space<hbm>>) target(%arg23 : memref<80x128xf32, #tpu.memory_space<vmem>>) offsets(%arg7 : memref<80xi32, #tpu.memory_space<vmem>>) semaphore(%arg37 : memref<!tpu.dma_semaphore, #tpu.memory_space<semaphore_mem>>)
    %dma_wait3A_413 = arith.constant 0 : i32
    %dma_wait3A_414 = arith.constant 0 : i32
    %dma_wait3A_415 = tpu.memref_slice %arg2[%dma_wait3A_413, %dma_wait3A_414] : memref<10000x128xf32, #tpu.memory_space<hbm>> -> memref<10000x128xf32, #tpu.memory_space<hbm>>
    tpu.wait_indirect_dma semaphore(%arg36 : memref<!tpu.dma_semaphore, #tpu.memory_space<semaphore_mem>>) src(%dma_wait3A_415 : memref<10000x128xf32, #tpu.memory_space<hbm>>) dst(%arg22 : memref<80x128xf32, #tpu.memory_space<vmem>>)
    %dma_start3A_416 = arith.constant 0 : i32
    %dma_start3A_417 = arith.constant 0 : i32
    %dma_start3A_418 = tpu.memref_slice %arg26[%dma_start3A_416, %dma_start3A_417] : memref<10000x128xf32, #tpu.memory_space<vmem_shared>> -> memref<10000x128xf32, #tpu.memory_space<vmem_shared>>
    tpu.enqueue_indirect_dma source(%arg22 : memref<80x128xf32, #tpu.memory_space<vmem>>) target(%dma_start3A_418 : memref<10000x128xf32, #tpu.memory_space<vmem_shared>>) offsets(%arg14 : memref<80xi32, #tpu.memory_space<vmem>>) semaphore(%arg40 : memref<!tpu.dma_semaphore, #tpu.memory_space<semaphore_mem>>) {add = true}
    %dma_wait3A_419 = arith.constant 0 : i32
    %dma_wait3A_420 = arith.constant 0 : i32
    %dma_wait3A_421 = tpu.memref_slice %arg26[%dma_wait3A_419, %dma_wait3A_420] : memref<10000x128xf32, #tpu.memory_space<vmem_shared>> -> memref<10000x128xf32, #tpu.memory_space<vmem_shared>>
    tpu.wait_indirect_dma semaphore(%arg42 : memref<!tpu.dma_semaphore, #tpu.memory_space<semaphore_mem>>) src(%arg24 : memref<80x128xf32, #tpu.memory_space<vmem>>) dst(%dma_wait3A_421 : memref<10000x128xf32, #tpu.memory_space<vmem_shared>>)
    %add3A_422 = arith.constant 9840 : i32
    %add3A_423 = arith.addi %mul3A_2, %add3A_422 : i32
    %dma_wait3A_424 = tpu.memref_slice %arg3[%add3A_423] : memref<640000xi32, #tpu.memory_space<hbm>> -> memref<80xi32, #tpu.memory_space<hbm>>
    %dma_wait3A_425 = tpu.memref_slice %arg3[%add3A_423] : memref<640000xi32, #tpu.memory_space<hbm>> -> memref<80xi32, #tpu.memory_space<hbm>>
    tpu.wait_dma2 semaphore(%arg30 : memref<!tpu.dma_semaphore, #tpu.memory_space<semaphore_mem>>) src(%dma_wait3A_425 : memref<80xi32, #tpu.memory_space<hbm>>) dst(%arg8 : memref<80xi32, #tpu.memory_space<vmem>>)
    %add3A_426 = arith.constant 320000 : i32
    %add3A_427 = arith.addi %add3A_426, %mul3A_2 : i32
    %add3A_428 = arith.constant 9840 : i32
    %add3A_429 = arith.addi %add3A_427, %add3A_428 : i32
    %dma_wait3A_430 = tpu.memref_slice %arg3[%add3A_429] : memref<640000xi32, #tpu.memory_space<hbm>> -> memref<80xi32, #tpu.memory_space<hbm>>
    %dma_wait3A_431 = tpu.memref_slice %arg3[%add3A_429] : memref<640000xi32, #tpu.memory_space<hbm>> -> memref<80xi32, #tpu.memory_space<hbm>>
    tpu.wait_dma2 semaphore(%arg30 : memref<!tpu.dma_semaphore, #tpu.memory_space<semaphore_mem>>) src(%dma_wait3A_431 : memref<80xi32, #tpu.memory_space<hbm>>) dst(%arg16 : memref<80xi32, #tpu.memory_space<vmem>>)
    %dma_start3A_432 = arith.constant 0 : i32
    %dma_start3A_433 = arith.constant 0 : i32
    %dma_start3A_434 = tpu.memref_slice %arg2[%dma_start3A_432, %dma_start3A_433] : memref<10000x128xf32, #tpu.memory_space<hbm>> -> memref<10000x128xf32, #tpu.memory_space<hbm>>
    tpu.enqueue_indirect_dma source(%dma_start3A_434 : memref<10000x128xf32, #tpu.memory_space<hbm>>) target(%arg24 : memref<80x128xf32, #tpu.memory_space<vmem>>) offsets(%arg8 : memref<80xi32, #tpu.memory_space<vmem>>) semaphore(%arg38 : memref<!tpu.dma_semaphore, #tpu.memory_space<semaphore_mem>>)
    %dma_wait3A_435 = arith.constant 0 : i32
    %dma_wait3A_436 = arith.constant 0 : i32
    %dma_wait3A_437 = tpu.memref_slice %arg2[%dma_wait3A_435, %dma_wait3A_436] : memref<10000x128xf32, #tpu.memory_space<hbm>> -> memref<10000x128xf32, #tpu.memory_space<hbm>>
    tpu.wait_indirect_dma semaphore(%arg37 : memref<!tpu.dma_semaphore, #tpu.memory_space<semaphore_mem>>) src(%dma_wait3A_437 : memref<10000x128xf32, #tpu.memory_space<hbm>>) dst(%arg23 : memref<80x128xf32, #tpu.memory_space<vmem>>)
    %dma_start3A_438 = arith.constant 0 : i32
    %dma_start3A_439 = arith.constant 0 : i32
    %dma_start3A_440 = tpu.memref_slice %arg26[%dma_start3A_438, %dma_start3A_439] : memref<10000x128xf32, #tpu.memory_space<vmem_shared>> -> memref<10000x128xf32, #tpu.memory_space<vmem_shared>>
    tpu.enqueue_indirect_dma source(%arg23 : memref<80x128xf32, #tpu.memory_space<vmem>>) target(%dma_start3A_440 : memref<10000x128xf32, #tpu.memory_space<vmem_shared>>) offsets(%arg15 : memref<80xi32, #tpu.memory_space<vmem>>) semaphore(%arg41 : memref<!tpu.dma_semaphore, #tpu.memory_space<semaphore_mem>>) {add = true}
    %dma_wait3A_441 = arith.constant 0 : i32
    %dma_wait3A_442 = arith.constant 0 : i32
    %dma_wait3A_443 = tpu.memref_slice %arg26[%dma_wait3A_441, %dma_wait3A_442] : memref<10000x128xf32, #tpu.memory_space<vmem_shared>> -> memref<10000x128xf32, #tpu.memory_space<vmem_shared>>
    tpu.wait_indirect_dma semaphore(%arg39 : memref<!tpu.dma_semaphore, #tpu.memory_space<semaphore_mem>>) src(%arg21 : memref<80x128xf32, #tpu.memory_space<vmem>>) dst(%dma_wait3A_443 : memref<10000x128xf32, #tpu.memory_space<vmem_shared>>)
    %add3A_444 = arith.constant 9920 : i32
    %add3A_445 = arith.addi %mul3A_2, %add3A_444 : i32
    %dma_wait3A_446 = tpu.memref_slice %arg3[%add3A_445] : memref<640000xi32, #tpu.memory_space<hbm>> -> memref<80xi32, #tpu.memory_space<hbm>>
    %dma_wait3A_447 = tpu.memref_slice %arg3[%add3A_445] : memref<640000xi32, #tpu.memory_space<hbm>> -> memref<80xi32, #tpu.memory_space<hbm>>
    tpu.wait_dma2 semaphore(%arg31 : memref<!tpu.dma_semaphore, #tpu.memory_space<semaphore_mem>>) src(%dma_wait3A_447 : memref<80xi32, #tpu.memory_space<hbm>>) dst(%arg9 : memref<80xi32, #tpu.memory_space<vmem>>)
    %add3A_448 = arith.constant 320000 : i32
    %add3A_449 = arith.addi %add3A_448, %mul3A_2 : i32
    %add3A_450 = arith.constant 9920 : i32
    %add3A_451 = arith.addi %add3A_449, %add3A_450 : i32
    %dma_wait3A_452 = tpu.memref_slice %arg3[%add3A_451] : memref<640000xi32, #tpu.memory_space<hbm>> -> memref<80xi32, #tpu.memory_space<hbm>>
    %dma_wait3A_453 = tpu.memref_slice %arg3[%add3A_451] : memref<640000xi32, #tpu.memory_space<hbm>> -> memref<80xi32, #tpu.memory_space<hbm>>
    tpu.wait_dma2 semaphore(%arg31 : memref<!tpu.dma_semaphore, #tpu.memory_space<semaphore_mem>>) src(%dma_wait3A_453 : memref<80xi32, #tpu.memory_space<hbm>>) dst(%arg17 : memref<80xi32, #tpu.memory_space<vmem>>)
    %dma_start3A_454 = arith.constant 0 : i32
    %dma_start3A_455 = arith.constant 0 : i32
    %dma_start3A_456 = tpu.memref_slice %arg2[%dma_start3A_454, %dma_start3A_455] : memref<10000x128xf32, #tpu.memory_space<hbm>> -> memref<10000x128xf32, #tpu.memory_space<hbm>>
    tpu.enqueue_indirect_dma source(%dma_start3A_456 : memref<10000x128xf32, #tpu.memory_space<hbm>>) target(%arg21 : memref<80x128xf32, #tpu.memory_space<vmem>>) offsets(%arg9 : memref<80xi32, #tpu.memory_space<vmem>>) semaphore(%arg35 : memref<!tpu.dma_semaphore, #tpu.memory_space<semaphore_mem>>)
    %dma_wait3A_457 = arith.constant 0 : i32
    %dma_wait3A_458 = arith.constant 0 : i32
    %dma_wait3A_459 = tpu.memref_slice %arg2[%dma_wait3A_457, %dma_wait3A_458] : memref<10000x128xf32, #tpu.memory_space<hbm>> -> memref<10000x128xf32, #tpu.memory_space<hbm>>
    tpu.wait_indirect_dma semaphore(%arg38 : memref<!tpu.dma_semaphore, #tpu.memory_space<semaphore_mem>>) src(%dma_wait3A_459 : memref<10000x128xf32, #tpu.memory_space<hbm>>) dst(%arg24 : memref<80x128xf32, #tpu.memory_space<vmem>>)
    %dma_start3A_460 = arith.constant 0 : i32
    %dma_start3A_461 = arith.constant 0 : i32
    %dma_start3A_462 = tpu.memref_slice %arg26[%dma_start3A_460, %dma_start3A_461] : memref<10000x128xf32, #tpu.memory_space<vmem_shared>> -> memref<10000x128xf32, #tpu.memory_space<vmem_shared>>
    tpu.enqueue_indirect_dma source(%arg24 : memref<80x128xf32, #tpu.memory_space<vmem>>) target(%dma_start3A_462 : memref<10000x128xf32, #tpu.memory_space<vmem_shared>>) offsets(%arg16 : memref<80xi32, #tpu.memory_space<vmem>>) semaphore(%arg42 : memref<!tpu.dma_semaphore, #tpu.memory_space<semaphore_mem>>) {add = true}
    %dma_wait3A_463 = arith.constant 0 : i32
    %dma_wait3A_464 = arith.constant 0 : i32
    %dma_wait3A_465 = tpu.memref_slice %arg26[%dma_wait3A_463, %dma_wait3A_464] : memref<10000x128xf32, #tpu.memory_space<vmem_shared>> -> memref<10000x128xf32, #tpu.memory_space<vmem_shared>>
    tpu.wait_indirect_dma semaphore(%arg40 : memref<!tpu.dma_semaphore, #tpu.memory_space<semaphore_mem>>) src(%arg22 : memref<80x128xf32, #tpu.memory_space<vmem>>) dst(%dma_wait3A_465 : memref<10000x128xf32, #tpu.memory_space<vmem_shared>>)
    %dma_wait3A_466 = arith.constant 0 : i32
    %dma_wait3A_467 = arith.constant 0 : i32
    %dma_wait3A_468 = tpu.memref_slice %arg2[%dma_wait3A_466, %dma_wait3A_467] : memref<10000x128xf32, #tpu.memory_space<hbm>> -> memref<10000x128xf32, #tpu.memory_space<hbm>>
    tpu.wait_indirect_dma semaphore(%arg35 : memref<!tpu.dma_semaphore, #tpu.memory_space<semaphore_mem>>) src(%dma_wait3A_468 : memref<10000x128xf32, #tpu.memory_space<hbm>>) dst(%arg21 : memref<80x128xf32, #tpu.memory_space<vmem>>)
    %dma_start3A_469 = arith.constant 0 : i32
    %dma_start3A_470 = arith.constant 0 : i32
    %dma_start3A_471 = tpu.memref_slice %arg26[%dma_start3A_469, %dma_start3A_470] : memref<10000x128xf32, #tpu.memory_space<vmem_shared>> -> memref<10000x128xf32, #tpu.memory_space<vmem_shared>>
    tpu.enqueue_indirect_dma source(%arg21 : memref<80x128xf32, #tpu.memory_space<vmem>>) target(%dma_start3A_471 : memref<10000x128xf32, #tpu.memory_space<vmem_shared>>) offsets(%arg17 : memref<80xi32, #tpu.memory_space<vmem>>) semaphore(%arg39 : memref<!tpu.dma_semaphore, #tpu.memory_space<semaphore_mem>>) {add = true}
    %dma_wait3A_472 = arith.constant 0 : i32
    %dma_wait3A_473 = arith.constant 0 : i32
    %dma_wait3A_474 = tpu.memref_slice %arg26[%dma_wait3A_472, %dma_wait3A_473] : memref<10000x128xf32, #tpu.memory_space<vmem_shared>> -> memref<10000x128xf32, #tpu.memory_space<vmem_shared>>
    tpu.wait_indirect_dma semaphore(%arg41 : memref<!tpu.dma_semaphore, #tpu.memory_space<semaphore_mem>>) src(%arg23 : memref<80x128xf32, #tpu.memory_space<vmem>>) dst(%dma_wait3A_474 : memref<10000x128xf32, #tpu.memory_space<vmem_shared>>)
    %dma_wait3A_475 = arith.constant 0 : i32
    %dma_wait3A_476 = arith.constant 0 : i32
    %dma_wait3A_477 = tpu.memref_slice %arg26[%dma_wait3A_475, %dma_wait3A_476] : memref<10000x128xf32, #tpu.memory_space<vmem_shared>> -> memref<10000x128xf32, #tpu.memory_space<vmem_shared>>
    tpu.wait_indirect_dma semaphore(%arg42 : memref<!tpu.dma_semaphore, #tpu.memory_space<semaphore_mem>>) src(%arg24 : memref<80x128xf32, #tpu.memory_space<vmem>>) dst(%dma_wait3A_477 : memref<10000x128xf32, #tpu.memory_space<vmem_shared>>)
    %dma_wait3A_478 = arith.constant 0 : i32
    %dma_wait3A_479 = arith.constant 0 : i32
    %dma_wait3A_480 = tpu.memref_slice %arg26[%dma_wait3A_478, %dma_wait3A_479] : memref<10000x128xf32, #tpu.memory_space<vmem_shared>> -> memref<10000x128xf32, #tpu.memory_space<vmem_shared>>
    tpu.wait_indirect_dma semaphore(%arg39 : memref<!tpu.dma_semaphore, #tpu.memory_space<semaphore_mem>>) src(%arg21 : memref<80x128xf32, #tpu.memory_space<vmem>>) dst(%dma_wait3A_480 : memref<10000x128xf32, #tpu.memory_space<vmem_shared>>)
    %barrier3A_481 = arith.constant 0 : index
    tpu.barrier barrier_id(%barrier3A_481)
    %mul3A_482 = arith.constant 624 : i32
    %mul3A_483 = arith.muli %arg1, %mul3A_482 : i32
    %mul3A_484 = arith.constant 10000 : i32
    %mul3A_485 = arith.muli %arg0, %mul3A_484 : i32
    %mul3A_486 = arith.constant 624 : i32
    %mul3A_487 = arith.muli %arg1, %mul3A_486 : i32
    %add3A_488 = arith.addi %mul3A_485, %mul3A_487 : i32
    "tpu.region"() ({
      %run_scoped3A = tpu.sem_alloc : memref<!tpu.dma_semaphore, #tpu.memory_space<semaphore_mem>>
      %dma_start3A_494 = arith.constant 0 : i32
      %dma_start3A_495 = tpu.memref_slice %arg4[%add3A_488, %dma_start3A_494] : memref<20000x128xf32, #tpu.memory_space<hbm>> -> memref<624x128xf32, #tpu.memory_space<hbm>>
      %dma_start3A_496 = arith.constant 0 : i32
      %dma_start3A_497 = tpu.memref_slice %arg26[%mul3A_483, %dma_start3A_496] : memref<10000x128xf32, #tpu.memory_space<vmem_shared>> -> memref<624x128xf32, #tpu.memory_space<vmem_shared>>
      tpu.enqueue_dma source(%dma_start3A_497 : memref<624x128xf32, #tpu.memory_space<vmem_shared>>) target(%dma_start3A_495 : memref<624x128xf32, #tpu.memory_space<hbm>>) target_semaphore(%run_scoped3A : memref<!tpu.dma_semaphore, #tpu.memory_space<semaphore_mem>>)
      %dma_wait3A_498 = arith.constant 0 : i32
      %dma_wait3A_499 = tpu.memref_slice %arg4[%add3A_488, %dma_wait3A_498] : memref<20000x128xf32, #tpu.memory_space<hbm>> -> memref<624x128xf32, #tpu.memory_space<hbm>>
      %dma_wait3A_500 = arith.constant 0 : i32
      %dma_wait3A_501 = tpu.memref_slice %arg26[%mul3A_483, %dma_wait3A_500] : memref<10000x128xf32, #tpu.memory_space<vmem_shared>> -> memref<624x128xf32, #tpu.memory_space<vmem_shared>>
      tpu.wait_dma2 semaphore(%run_scoped3A : memref<!tpu.dma_semaphore, #tpu.memory_space<semaphore_mem>>) src(%dma_wait3A_501 : memref<624x128xf32, #tpu.memory_space<vmem_shared>>) dst(%dma_wait3A_499 : memref<624x128xf32, #tpu.memory_space<hbm>>)
      tpu.yield
    }) : () -> ()
    %eq3A_489 = arith.constant 15 : i32
    %eq3A_490 = arith.cmpi eq, %arg1, %eq3A_489 : i32
    %convert_element_type3A_491 = arith.extui %eq3A_490 : i1 to i32
    %cond3A_492 = arith.constant 0 : i32
    %cond3A_493 = arith.cmpi ne, %convert_element_type3A_491, %cond3A_492 : i32
    scf.if %cond3A_493 {
      %mul3A_494 = arith.constant 10000 : i32
      %mul3A_495 = arith.muli %arg0, %mul3A_494 : i32
      %add3A_496 = arith.constant 9984 : i32
      %add3A_497 = arith.addi %mul3A_495, %add3A_496 : i32
      "tpu.region"() ({
        %run_scoped3A = tpu.sem_alloc : memref<!tpu.dma_semaphore, #tpu.memory_space<semaphore_mem>>
        %dma_start3A_498 = arith.constant 0 : i32
        %dma_start3A_499 = tpu.memref_slice %arg4[%add3A_497, %dma_start3A_498] : memref<20000x128xf32, #tpu.memory_space<hbm>> -> memref<16x128xf32, #tpu.memory_space<hbm>>
        %dma_start3A_500 = arith.constant 9984 : i32
        %dma_start3A_501 = arith.constant 0 : i32
        %dma_start3A_502 = tpu.memref_slice %arg26[%dma_start3A_500, %dma_start3A_501] : memref<10000x128xf32, #tpu.memory_space<vmem_shared>> -> memref<16x128xf32, #tpu.memory_space<vmem_shared>>
        tpu.enqueue_dma source(%dma_start3A_502 : memref<16x128xf32, #tpu.memory_space<vmem_shared>>) target(%dma_start3A_499 : memref<16x128xf32, #tpu.memory_space<hbm>>) target_semaphore(%run_scoped3A : memref<!tpu.dma_semaphore, #tpu.memory_space<semaphore_mem>>)
        %dma_wait3A_503 = arith.constant 0 : i32
        %dma_wait3A_504 = tpu.memref_slice %arg4[%add3A_497, %dma_wait3A_503] : memref<20000x128xf32, #tpu.memory_space<hbm>> -> memref<16x128xf32, #tpu.memory_space<hbm>>
        %dma_wait3A_505 = arith.constant 9984 : i32
        %dma_wait3A_506 = arith.constant 0 : i32
        %dma_wait3A_507 = tpu.memref_slice %arg26[%dma_wait3A_505, %dma_wait3A_506] : memref<10000x128xf32, #tpu.memory_space<vmem_shared>> -> memref<16x128xf32, #tpu.memory_space<vmem_shared>>
        tpu.wait_dma2 semaphore(%run_scoped3A : memref<!tpu.dma_semaphore, #tpu.memory_space<semaphore_mem>>) src(%dma_wait3A_507 : memref<16x128xf32, #tpu.memory_space<vmem_shared>>) dst(%dma_wait3A_504 : memref<16x128xf32, #tpu.memory_space<hbm>>)
        tpu.yield
      }) : () -> ()
    } else {
    }
    return
  }
}

</mosaic_0001>

<sc_bundles>
// kernel: _sc_agg.3.cloned.1.call-start
scs
__scs_entry_jumppad:
0x0: {  	(pc) =	sbr.rel $0x88, $3  }
0x1: {  	(tag) =	ssettag $0x0;
	lr =	simm.s32 $0x1  }
0x2: {  	[smem:$0x3F9F] =	sst lr;
	_ =	strace $0xD0000000  }
0x3: {  	_ = 	snop  }
0x4: {  	_ = 	snop  }
0x5: {  	_ = 	snop  }
0x6: {  	_ = 	snop  }
0x7: {  	_ = 	snop  }
__scs_overlays_trampoline_lowered:
0x8: {  	[smem:$0x3FAE] =	sst s0  }
0x9: {  	[smem:$0x3FAF] =	sst s1  }
0xa: {  	[smem:$0x3FB0] =	sst s2  }
0xb: {  	[smem:$0x3FB1] =	sst s3  }
0xc: {  	[smem:$0x3FB2] =	sst s4  }
0xd: {  	[smem:$0x3FB3] =	sst s5  }
0xe: {  	[smem:$0x3FB4] =	sst s6  }
0xf: {  	[smem:$0x3FB5] =	sst s7  }
0x10: {  	[smem:$0x3FB6] =	sst s8  }
0x11: {  	[smem:$0x3FB7] =	sst s9;
	s0 =	simm.s32 @!p0 $0x0  }
0x12: {  	s1 =	sld [smem:$0x3F9D];
	s0 =	simm.s32 @p0 $0x1  }
0x13: {  	[smem:$0x3FB8] =	sst s0;
	s0 =	simm.s32 @!p1 $0x0  }
0x14: {  	s2 =	sld [smem:$0x3F9C];
	s0 =	simm.s32 @p1 $0x1  }
0x15: {  	[smem:$0x3FB9] =	sst s0;
	s0 =	simm.s32 @!p2 $0x0  }
0x16: {  	s3 =	sld [smem:$0x3FDB];
	s0 =	simm.s32 @p2 $0x1  }
0x17: {  	s4 =	simm.s32 $0x1BF5;
	[smem:$0x3FBB] =	sst s0  }
0x18: {  	s0 =	sld [smem:$0x3F9E];
	_ =	swait.ge [sflag:s4], $0x0  }
0x19: {  	s7 =	sld [smem:$0x3F9F]  }
0x1a: {  	s8 =	sadd.s32 $0xFFFFE003, lr  }
0x1b: {  	s9 =	sadd.s32 $0xFFFFFEF7, lr;
	s5 =	simm.s32 $0xFFFFFFFF;
	p2 =	slt.u32 s8, $0xFFFFF086  }
0x1c: {  	p1 =	slt.u32 s9, $0xF7A;
	s5 =	simm.s32 @!p2 $0x0  }
0x1d: {  	s5 =	simm.s32 @p1 $0x1;
	p0 =	seq.s32 s7, s2  }
0x1e: {  	s7 =	smul.u32 @!p0 $0xF7A, s2;
	p2 =	seq.s32 @!p0 s5, $0x0  }
0x1f: {  	s9 =	smul.u32 $0xF7A, s1;
	s8 =	simm.s32 @!p0 $0x1BF5;
	p2 =	por !p2, p0  }
0x20: {  	[sflag:s8] =	ssyncset.s32 @!p0 $0xFFFFF086;
	s6 =	sadd.s32 @!p0 s3, s7;
	s7 =	simm.s32 @!p0 $0x108  }
0x21: {  	s3 =	sadd.s32 s3, s9;
	s6 =	sadd.s32 @!p0 $0x88, s6;
	s7 =	simm.s32 @p2 $0x1082  }
0x22: {  	[simem:s7], [sflag:s8] =	dma.local @!p0 [hbm:s6], $0xF7A  }
0x23: {  	s9 =	sor.u32 $0xD0000000, s2;
	s6 =	simm.s32 $0x108;
	_ =	swait.ge @!p0 [sflag:s8], $0x0  }
0x24: {  	s3 =	sadd.s32 $0x88, s3;
	s6 =	simm.s32 @!p1 $0x1082;
	[sflag:s4] =	ssyncset.s32 $0xFFFFF086  }
0x25: {  	[simem:s6], [sflag:s4] =	dma.local [hbm:s3], $0xF7A  }
0x26: {  	[smem:$0x3F9F] =	sst s1;
	(tag) =	ssettag s2;
	_ =	strace s9  }
0x27: {  	s1 =	sld [smem:$0x3FAF]  }
0x28: {  	s2 =	sld [smem:$0x3FB0]  }
0x29: {  	s4 =	sld [smem:$0x3FB2]  }
0x2a: {  	p0 =	seq.s32 s5, $0x0;
	s5 =	sld [smem:$0x3FB3]  }
0x2b: {  	s6 =	sld [smem:$0x3FB4]  }
0x2c: {  	s7 =	sld [smem:$0x3FB5]  }
0x2d: {  	s3 =	simm.s32 $0x108;
	s8 =	sld [smem:$0x3FB6]  }
0x2e: {  	s3 =	simm.s32 @!p0 $0x1082;
	s9 =	sld [smem:$0x3FB7]  }
0x2f: {  	lr =	sadd.s32 s0, s3;
	s0 =	sld [smem:$0x3FAE]  }
0x30: {  	s3 =	sld [smem:$0x3FB1]  }
0x31: {  	[smem:$0x3FBA] =	sst s10  }
0x32: {  	s10 =	sld [smem:$0x3FB8];
	_ =	sdelay $0x3  }
0x33: {  	p0 =	seq.s32 s10, $0x1;
	s10 =	sld [smem:$0x3FBA];
	_ =	sdelay $0x3  }
0x34: {  	[smem:$0x3FBA] =	sst s10  }
0x35: {  	s10 =	sld [smem:$0x3FB9];
	_ =	sdelay $0x3  }
0x36: {  	p1 =	seq.s32 s10, $0x1;
	s10 =	sld [smem:$0x3FBA];
	_ =	sdelay $0x3  }
0x37: {  	[smem:$0x3FBA] =	sst s10  }
0x38: {  	s10 =	sld [smem:$0x3FBB]  }
0x39: {  	_ = 	snop;
	(pc) =	sbr.ind lr, $3  }
0x3a: {  	_ = 	snop  }
0x3b: {  	_ = 	snop  }
0x3c: {  	p2 =	seq.s32 s10, $0x1;
	s10 =	sld [smem:$0x3FBA]  }
0x3d: {  	_ =	shalt  }
0x3e: {  	_ =	shalt  }
0x3f: {  	_ =	shalt  }
0x40: {  	_ =	shalt  }
0x41: {  	_ =	shalt  }
0x42: {  	_ =	shalt  }
0x43: {  	_ =	shalt  }
0x44: {  	_ =	shalt  }
0x45: {  	_ =	shalt  }
0x46: {  	_ =	shalt  }
0x47: {  	_ =	shalt  }
0x48: {  	_ =	shalt  }
0x49: {  	_ =	shalt  }
0x4a: {  	_ =	shalt  }
0x4b: {  	_ =	shalt  }
0x4c: {  	_ =	shalt  }
0x4d: {  	_ =	shalt  }
0x4e: {  	_ =	shalt  }
0x4f: {  	_ =	shalt  }
0x50: {  	_ =	shalt  }
0x51: {  	_ =	shalt  }
0x52: {  	_ =	shalt  }
0x53: {  	_ =	shalt  }
0x54: {  	_ =	shalt  }
0x55: {  	_ =	shalt  }
0x56: {  	_ =	shalt  }
0x57: {  	_ =	shalt  }
0x58: {  	_ =	shalt  }
0x59: {  	_ =	shalt  }
0x5a: {  	_ =	shalt  }
0x5b: {  	_ =	shalt  }
0x5c: {  	_ =	shalt  }
0x5d: {  	_ =	shalt  }
0x5e: {  	_ =	shalt  }
0x5f: {  	_ =	shalt  }
0x60: {  	_ =	shalt  }
0x61: {  	_ =	shalt  }
0x62: {  	_ =	shalt  }
0x63: {  	_ =	shalt  }
0x64: {  	_ =	shalt  }
0x65: {  	_ =	shalt  }
0x66: {  	_ =	shalt  }
0x67: {  	_ =	shalt  }
0x68: {  	_ =	shalt  }
0x69: {  	_ =	shalt  }
0x6a: {  	_ =	shalt  }
0x6b: {  	_ =	shalt  }
0x6c: {  	_ =	shalt  }
0x6d: {  	_ =	shalt  }
0x6e: {  	_ =	shalt  }
0x6f: {  	_ =	shalt  }
0x70: {  	_ =	shalt  }
0x71: {  	_ =	shalt  }
0x72: {  	_ =	shalt  }
0x73: {  	_ =	shalt  }
0x74: {  	_ =	shalt  }
0x75: {  	_ =	shalt  }
0x76: {  	_ =	shalt  }
0x77: {  	_ =	shalt  }
0x78: {  	_ =	shalt  }
0x79: {  	_ =	shalt  }
0x7a: {  	_ =	shalt  }
0x7b: {  	_ =	shalt  }
0x7c: {  	_ =	shalt  }
0x7d: {  	_ =	shalt  }
0x7e: {  	_ =	shalt  }
0x7f: {  	_ =	shalt  }
0x80: {  	_ =	shalt  }
0x81: {  	_ =	shalt  }
0x82: {  	_ =	shalt  }
0x83: {  	_ =	shalt  }
0x84: {  	_ =	shalt  }
0x85: {  	_ =	shalt  }
0x86: {  	_ =	shalt  }
0x87: {  	_ =	shalt  }
.Lfunc_end0:
.L_simem_size_0:
called_computation_lowered:
.L_overlay_start_0:
0x88: {  	s2 =	sld [smem:$0x3FD9]  }
0x89: {  	s3 =	sld [smem:$0x3FFE];
	_ =	sdelay $0x1  }
0x8a: {  	s1 =	srdreg.scid  }
0x8b: {  	s0 =	sand.u32 $0x1, s1  }
0x8c: {  	s18 =	sshll.u32 s0, $0xA;
	s2 =	sadd.s32 s3, s2  }
0x8d: {  	s2 =	sadd.s32 s2, s18  }
0x8e: {  	[smem:$0x3FC6] =	sst s2  }
0x8f: {  	_ = 	snop  }
0x90: {  	s2 =	sld [smem:$0x3FC9]  }
0x91: {  	s19 =	sld [smem:$0x3FC8]  }
0x92: {  	s4 =	sld [smem:$0x3FD0];
	(tm) =	ssettm $0x1  }
0x93: {  	s5 =	sld [smem:$0x3FFB];
	_ =	sdelay $0x3  }
0x94: {  	_ =	strace s5  }
0x95: {  	s5 =	sld [smem:$0x3FFC];
	_ =	sdelay $0x3  }
0x96: {  	_ =	strace s5  }
0x97: {  	s5 =	sld [smem:$0x3FFD];
	_ =	sdelay $0x3  }
0x98: {  	_ =	strace s5  }
0x99: {  	_ =	strace $0x8FFFFFFF  }
0x9a: {  	s20 =	sld [smem:$0x3FDB];
	_ =	sdelay $0x1  }
0x9b: {  	s6 =	simm.s32 $_scs_section_size  }
0x9c: {  	s7 =	simm.s32 $_size__tile_overlayer_lowered;
	s8 =	simm.s32 $_tile_overlayer_lowered  }
0x9d: {  	s23 =	simm.s32 $0x1BFF;
	s22 =	sshll.u32 s8, $0x1;
	s5 =	sadd.s32 s6, s20  }
0x9e: {  	s9 =	simm.s32 $0x0;
	s21 =	sshll.u32 s7, $0x1;
	s7 =	sadd.s32 s22, s5  }
0x9f: {  	[timem:s9], [sflag:s23] =	dma.local [hbm:s7], s21  }
0xa0: {  	_ =	swait.ge [sflag:s23], s21  }
0xa1: {  	s6 =	ssub.s32 $0x0, s21;
	[sflag:s23] =	ssyncset.done $0x0  }
0xa2: {  	[sflag:s23] =	ssyncadd.s32 s6;
	_ =	sdelay $0x1  }
0xa3: {  	s24 =	simm.s32 $0x1B8B  }
0xa4: {  	_ =	swait.ge [sflag:s24], $0x1  }
0xa5: {  	[sflag:s24] =	ssyncset.done $0x0  }
0xa6: {  	s25 =	simm.s32 $0x1B8E;
	[sflag:s24] =	ssyncadd.s32 $0xFFFFFFFF  }
0xa7: {  	s26 =	simm.s32 $execute0_lowered;
	[smem:$0x3FD2] =	sst s25  }
0xa8: {  	s6 =	sshll.u32 s26, $0x1;
	_ =	strace $0x80000046;
	[dreg:$0x1] =	wrdreg $0xFFFFFFFF  }
0xa9: {  	s28 =	simm.s32 $_size_execute0_lowered;
	s5 =	sadd.s32 s5, s6;
	[dreg:$0x0] =	wrdreg $0x0  }
0xaa: {  	s6 =	sshll.u32 s28, $0x1;
	[dreg:$0x2] =	wrdreg s5  }
0xab: {  	[dreg:$0x3] =	wrdreg s6  }
0xac: {  	[dreg:$0x4] =	wrdreg $0xC0  }
0xad: {  	_ =	task [dreg:s9], $0x5FFFF  }
0xae: {  	[dreg:$0x1] =	wrdreg $0xFFFFFFFF  }
0xaf: {  	[dreg:$0x0] =	wrdreg $0x60  }
0xb0: {  	[dreg:$0x2] =	wrdreg s2  }
0xb1: {  	[dreg:$0x3] =	wrdreg s19  }
0xb2: {  	[dreg:$0x4] =	wrdreg s4  }
0xb3: {  	[dreg:$0x5] =	wrdreg $0xC0000  }
0xb4: {  	[dreg:$0x6] =	wrdreg $0x9  }
0xb5: {  	_ =	task.clear_ibuf [dreg:s9], $0x7FFFF;
	_ =	strace $0x90000046  }
0xb6: {  	s29 =	simm.s32 $0x9;
	_ =	strace $0x80000048  }
0xb7: {  	_ =	swait.ge [sflag:s29], $0x1  }
0xb8: {  	[sflag:s29] =	ssyncadd.s32 $0xFFFFFFFF  }
0xb9: {  	_ =	strace $0x90000048  }
0xba: {  	_ =	sfence  }
0xbb: {  	s30 =	sld [smem:$0x0];
	_ =	sdelay $0x2  }
0xbc: {  	s31 =	sshll.u32 s1, $0xD;
	s1 =	sshrl.u32 s1, $0x2  }
0xbd: {  	s3 =	sand.u32 $0x4000, s31;
	s1 =	sadd.s32 s1, s30  }
0xbe: {  	s0 =	sor.u32 s3, s0;
	s1 =	sshll.u32 s1, $0x11  }
0xbf: {  	s0 =	sor.u32 s1, s0  }
0xc0: {  	s0 =	sadd.s32 $0x8F2B, s0  }
0xc1: {  	[sflag:s0] =	ssyncadd.remote.s32 $0x1  }
0xc2: {  	_ =	sfence.sel $0xFFFF  }
0xc3: {  	[dreg:$0x0] =	wrdreg $0xFFFFFFFF;
	(pc) =	sbr.abs _section_cstart, $3  }
0xc4: {  	[dreg:$0x1] =	wrdreg $0xFFFFFFFF  }
0xc5: {  	_ =	task.clear_ibuf [dreg:s9], $0x2FFFF;
	_ =	strace $0x9FFFFFFF  }
0xc6: {  	(tm) =	ssettm $0x7FFFFFFF  }
0xc7: {  	_ =	shalt  }
tec
execute0_lowered:
.L_overlay_start_1:
0x0: {  	(tag) =	ssettag $0x1  }
0x1: {  	s0 =	srdreg.scid  }
0x2: {  	s5 =	sand.u32 $0x1, s0  }
0x3: {  	s11 =	stileid.u32;
	s2 =	sshll.u32 s5, $0x4  }
0x4: {  	s1 =	rddreg [dreg:$0x0];
	s2 =	sor.u32 s11, s2  }
0x5: {  	s7 =	rddreg [dreg:$0x2];
	s2 =	smul.u32 $0x2710, s2  }
0x6: {  	s3 =	rddreg [dreg:$0x3]  }
0x7: {  	s24 =	simm.s32 $0x0;
	s0 =	rddreg [dreg:$0x1];
	s9 =	sshrl.u32 s2, $0x3  }
0x8: {  	[smem:$0x7FF] =	sst s24;
	s12 =	sadd.s32 s0, s9  }
0x9: {  	_ =	strace $0x80000047;
	s14 =	sadd.s32 $0x9C40, s12;
	[dreg:$0x15] =	wrdreg s12  }
0xa: {  	s15 =	sadd.s32 $0xA, s12;
	[dreg:$0x16] =	wrdreg s14  }
0xb: {  	s19 =	smul.u32 $0x2700, s11;
	s16 =	sadd.s32 $0x9C4A, s12;
	[dreg:$0x17] =	wrdreg s15  }
0xc: {  	s25 =	smul.u32 $0x2710, s11;
	s17 =	sadd.s32 $0x14, s12;
	[dreg:$0x18] =	wrdreg s16  }
0xd: {  	s6 =	ssub.s32 $0x2, s5;
	s18 =	sadd.s32 $0x9C54, s12;
	[dreg:$0x19] =	wrdreg s17  }
0xe: {  	s22 =	smul.u32 $0x27100, s5;
	s20 =	sadd.s32 $0x1E, s12;
	[dreg:$0x1a] =	wrdreg s18  }
0xf: {  	s5 =	smul.u32 $0x138800, s5;
	s21 =	sadd.s32 $0x9C5E, s12;
	[dreg:$0x1b] =	wrdreg s20  }
0x10: {  	s8 =	sshrl.u32 s6, $0x1;
	s9 =	sadd.s32 $0x28, s12;
	[dreg:$0x1c] =	wrdreg s21  }
0x11: {  	s13 =	sadd.s32 s19, s22;
	s23 =	sadd.s32 $0x9C68, s12;
	[dreg:$0x1d] =	wrdreg s9  }
0x12: {  	s5 =	sshrl.u32 s5, $0x3;
	s10 =	sadd.s32 $0x32, s12;
	[dreg:$0x1e] =	wrdreg s23  }
0x13: {  	s2 =	ssub.s32 s6, s8;
	s26 =	sadd.s32 $0x9C72, s12;
	[dreg:$0x1f] =	wrdreg s10  }
0x14: {  	s6 =	sadd.s32 s25, s22;
	s4 =	sadd.s32 $0x3C, s12;
	[smem:$0x7DE] =	sst s26  }
0x15: {  	s5 =	sadd.s32 s7, s5;
	s25 =	sadd.s32 $0x4E750, s6;
	[smem:$0x7DF] =	sst s4  }
0x16: {  	s14 =	sadd.s32 s7, s13;
	s15 =	sadd.s32 $0x5F0, s6;
	s17 =	sadd.s32 $0x4E7F0, s6  }
0x17: {  	s9 =	sadd.s32 $0x5A0, s6;
	s21 =	sadd.s32 $0x4E7A0, s6;
	s23 =	sadd.s32 $0x550, s6  }
0x18: {  	s4 =	sshrl.u32 s25, $0x3;
	s10 =	sadd.s32 $0x500, s6;
	[smem:$0x7E0] =	sst s14  }
0x19: {  	s16 =	sshrl.u32 s15, $0x3;
	s8 =	sshrl.u32 s17, $0x3;
	s19 =	sshrl.u32 s9, $0x3  }
0x1a: {  	s22 =	sshrl.u32 s21, $0x3;
	s9 =	sadd.s32 s4, s0;
	s13 =	sshrl.u32 s10, $0x3  }
0x1b: {  	s14 =	sadd.s32 $0x4E700, s6;
	s7 =	sadd.s32 s16, s0;
	[dreg:$0xa] =	wrdreg s9  }
0x1c: {  	s15 =	sadd.s32 $0x4B0, s6;
	s18 =	sadd.s32 s8, s0;
	[dreg:$0x5] =	wrdreg s7  }
0x1d: {  	s21 =	sadd.s32 $0x460, s6;
	s20 =	sadd.s32 s19, s0;
	[dreg:$0x6] =	wrdreg s18  }
0x1e: {  	s8 =	sshrl.u32 s23, $0x3;
	[dreg:$0x7] =	wrdreg s20;
	s7 =	sadd.s32 s22, s0  }
0x1f: {  	s17 =	sshrl.u32 s15, $0x3;
	s26 =	sadd.s32 s8, s0;
	[dreg:$0x8] =	wrdreg s7  }
0x20: {  	s10 =	sadd.s32 $0x3C0, s6;
	s18 =	sadd.s32 s17, s0;
	[dreg:$0x9] =	wrdreg s26  }
0x21: {  	s19 =	sadd.s32 $0x4E6B0, s6;
	s17 =	sadd.s32 $0x9C7C, s12;
	[dreg:$0xd] =	wrdreg s18  }
0x22: {  	s8 =	sshrl.u32 s14, $0x3;
	s7 =	sadd.s32 s13, s0;
	[smem:$0x7E1] =	sst s17  }
0x23: {  	s15 =	smul.u32 $0x4E000, s11;
	s16 =	sadd.s32 s8, s0;
	[dreg:$0xb] =	wrdreg s7  }
0x24: {  	s20 =	sshrl.u32 s19, $0x3;
	s18 =	sadd.s32 $0x46, s12;
	[dreg:$0xc] =	wrdreg s16  }
0x25: {  	s19 =	sshrl.u32 s15, $0x2;
	s15 =	sadd.s32 $0x138000, s3;
	[smem:$0x7E2] =	sst s18  }
0x26: {  	s22 =	sadd.s32 $0x4E660, s6;
	s17 =	sadd.s32 $0x9C90, s12;
	[smem:$0x7F3] =	sst s15  }
0x27: {  	s8 =	sshrl.u32 s21, $0x3;
	s7 =	sadd.s32 s20, s0;
	[smem:$0x7F5] =	sst s17  }
0x28: {  	s25 =	sshrl.u32 s22, $0x3;
	s23 =	sadd.s32 s8, s0;
	[dreg:$0xe] =	wrdreg s7  }
0x29: {  	s14 =	sshrl.u32 s10, $0x3;
	s26 =	sadd.s32 s25, s0;
	[dreg:$0xf] =	wrdreg s23  }
0x2a: {  	s16 =	sadd.s32 s14, s0;
	[dreg:$0x10] =	wrdreg s26  }
0x2b: {  	s20 =	sadd.s32 $0x9C86, s12;
	[dreg:$0x13] =	wrdreg s16  }
0x2c: {  	s25 =	smax.u32 s2, $0x1;
	[smem:$0x7E3] =	sst s20  }
0x2d: {  	s31 =	simm.s32 $0x180;
	s21 =	sadd.s32 s19, s3;
	[smem:$0x7E6] =	sst s25  }
0x2e: {  	s4 =	sadd.s32 $0x410, s6;
	s18 =	sadd.s32 $0x5A, s12;
	[smem:$0x7F1] =	sst s21  }
0x2f: {  	s8 =	sshrl.u32 s4, $0x3;
	s19 =	sadd.s32 $0x9C9A, s12;
	[smem:$0x7F6] =	sst s18  }
0x30: {  	s28 =	simm.s32 $0x7;
	s7 =	sadd.s32 s8, s0;
	[smem:$0x7F7] =	sst s19  }
0x31: {  	s29 =	simm.s32 $0x10;
	s22 =	sadd.s32 $0x1800, s21;
	[dreg:$0x11] =	wrdreg s7  }
0x32: {  	s30 =	simm.s32 $0x8;
	s23 =	sadd.s32 $0x27000, s5;
	[smem:$0x7E4] =	sst s22  }
0x33: {  	p0 =	sne.s32 s11, $0xF;
	s26 =	sadd.s32 $0x3000, s21;
	[smem:$0x7E5] =	sst s23  }
0x34: {  	s9 =	sadd.s32 $0x4E610, s6;
	s2 =	sadd.s32 $0x4800, s21;
	[smem:$0x7E7] =	sst s26  }
0x35: {  	s6 =	sadd.s32 $0x4E5C0, s6;
	s4 =	sadd.s32 $0x6000, s21;
	[smem:$0x7E8] =	sst s2  }
0x36: {  	s6 =	sshrl.u32 s6, $0x3;
	s5 =	sadd.s32 $0x7800, s21;
	[smem:$0x7E9] =	sst s4  }
0x37: {  	s8 =	sshrl.u32 s9, $0x3;
	s9 =	sadd.s32 $0xC000, s21;
	[smem:$0x7EA] =	sst s5  }
0x38: {  	s15 =	simm.s32 $0x300;
	s10 =	sadd.s32 $0xD800, s21;
	[smem:$0x7ED] =	sst s9  }
0x39: {  	s17 =	simm.s32 $0x0;
	s11 =	sadd.s32 $0xF000, s21;
	[smem:$0x7EE] =	sst s10  }
0x3a: {  	s14 =	sadd.s32 $0x12000, s21;
	s16 =	sadd.s32 $0x50, s12;
	[smem:$0x7EF] =	sst s11  }
0x3b: {  	s20 =	sadd.s32 $0x64, s12;
	s25 =	sadd.s32 $0x4D8, s12;
	[smem:$0x7F2] =	sst s14  }
0x3c: {  	s18 =	simm.s32 $0x9;
	s19 =	simm.s32 $0xD;
	[smem:$0x7F4] =	sst s16  }
0x3d: {  	s13 =	sadd.s32 s8, s0;
	s0 =	sadd.s32 s6, s0;
	[smem:$0x7F8] =	sst s20  }
0x3e: {  	s7 =	sadd.s32 $0x9000, s21;
	s8 =	sadd.s32 $0xA800, s21;
	[smem:$0x7FC] =	sst s25  }
0x3f: {  	s22 =	sadd.s32 $0x6E, s12;
	s23 =	sadd.s32 $0x9CAE, s12;
	[dreg:$0x12] =	wrdreg s13  }
0x40: {  	s26 =	sadd.s32 $0xA118, s12;
	s4 =	simm.s32 $0x80;
	[dreg:$0x14] =	wrdreg s0  }
0x41: {  	s6 =	simm.s32 $0x480;
	s9 =	simm.s32 $0x500;
	[smem:$0x7EB] =	sst s7  }
0x42: {  	s11 =	simm.s32 $0x580;
	s2 =	simm.s32 $0x600;
	[smem:$0x7EC] =	sst s8  }
0x43: {  	s10 =	simm.s32 $0x680;
	s5 =	simm.s32 $0x700;
	[smem:$0x7FA] =	sst s22  }
0x44: {  	s14 =	simm.s32 $0x50;
	s16 =	simm.s32 $0x2;
	[smem:$0x7FB] =	sst s23  }
0x45: {  	s13 =	sadd.s32 $0x10800, s21;
	s21 =	sadd.s32 $0x9CA4, s12;
	[smem:$0x7FD] =	sst s26  }
0x46: {  	s12 =	simm.s32 $0x400;
	s8 =	simm.s32 $0x100;
	s7 =	simm.s32 $0x200  }
0x47: {  	s22 =	simm.s32 $0x380;
	s26 =	simm.s32 $0xF;
	[smem:$0x7F0] =	sst s13  }
0x48: {  	v0 =	vimm.f32 $0.0e+00;
	[smem:$0x7F9] =	sst s21;
	s13 =	simm.s32 $0x1;
	s21 =	simm.s32 $0x6  }
.LBB2_1:
0x49: {  	[smem:$0x7DD] =	sst s17  }
0x4a: {  	s0 =	rddreg [dreg:$0x15]  }
0x4b: {  	s23 =	rddreg [dreg:$0x16]  }
0x4c: {  	[tilespmem:s24], [sflag:$0x1] =	stream.linear.gather [hbm4b:s0+s24], $0x50, $0x38;
	[tilespmem:$0x1F880] =	vst v63  }
0x4d: {  	s25 =	rddreg [dreg:$0x17]  }
0x4e: {  	[tilespmem:s12], [sflag:$0x1] =	stream.linear.gather [hbm4b:s23+s24], $0x50, $0x38;
	[tilespmem:$0x1F880] =	vst v63  }
0x4f: {  	s17 =	rddreg [dreg:$0x19]  }
0x50: {  	[tilespmem:s4], [sflag:$0x2] =	stream.linear.gather [hbm4b:s25+s24], $0x50, $0x38;
	[tilespmem:$0x1F880] =	vst v63  }
0x51: {  	s12 =	rddreg [dreg:$0x18]  }
0x52: {  	[tilespmem:s6], [sflag:$0x2] =	stream.linear.gather [hbm4b:s12+s24], $0x50, $0x38;
	[tilespmem:$0x1F880] =	vst v63  }
0x53: {  	s20 =	rddreg [dreg:$0x1a]  }
0x54: {  	[tilespmem:s8], [sflag:$0x3] =	stream.linear.gather [hbm4b:s17+s24], $0x50, $0x38;
	[tilespmem:$0x1F880] =	vst v63  }
0x55: {  	s23 =	rddreg [dreg:$0x1b]  }
0x56: {  	[tilespmem:s9], [sflag:$0x3] =	stream.linear.gather [hbm4b:s20+s24], $0x50, $0x38;
	[tilespmem:$0x1F880] =	vst v63  }
0x57: {  	s25 =	rddreg [dreg:$0x1c]  }
0x58: {  	[tilespmem:s31], [sflag:$0x4] =	stream.linear.gather [hbm4b:s23+s24], $0x50, $0x38;
	[tilespmem:$0x1F880] =	vst v63  }
0x59: {  	s6 =	rddreg [dreg:$0x1d]  }
0x5a: {  	[tilespmem:s11], [sflag:$0x4] =	stream.linear.gather [hbm4b:s25+s24], $0x50, $0x38;
	[tilespmem:$0x1F880] =	vst v63  }
0x5b: {  	s8 =	rddreg [dreg:$0x1f]  }
0x5c: {  	[tilespmem:s7], [sflag:$0x5] =	stream.linear.gather [hbm4b:s6+s24], $0x50, $0x38;
	[tilespmem:$0x1F880] =	vst v63  }
0x5d: {  	s7 =	rddreg [dreg:$0x1e]  }
0x5e: {  	[tilespmem:s2], [sflag:$0x5] =	stream.linear.gather [hbm4b:s7+s24], $0x50, $0x38;
	[tilespmem:$0x1F880] =	vst v63  }
0x5f: {  	s9 =	simm.s32 $0x280;
	s11 =	sld [smem:$0x7DE]  }
0x60: {  	[tilespmem:s9], [sflag:$0x6] =	stream.linear.gather [hbm4b:s8+s24], $0x50, $0x38;
	[tilespmem:$0x1F880] =	vst v63  }
0x61: {  	s12 =	sld [smem:$0x7DF]  }
0x62: {  	[tilespmem:s10], [sflag:$0x6] =	stream.linear.gather [hbm4b:s11+s24], $0x50, $0x38;
	[tilespmem:$0x1F880] =	vst v63  }
0x63: {  	s17 =	sld [smem:$0x7E1]  }
0x64: {  	[tilespmem:s15], [sflag:$0x7] =	stream.linear.gather [hbm4b:s12+s24], $0x50, $0x38;
	[tilespmem:$0x1F880] =	vst v63  }
0x65: {  	s20 =	sld [smem:$0x7E2]  }
0x66: {  	[tilespmem:s5], [sflag:$0x7] =	stream.linear.gather [hbm4b:s17+s24], $0x50, $0x38;
	[tilespmem:$0x1F880] =	vst v63  }
0x67: {  	s23 =	sld [smem:$0x7E3]  }
0x68: {  	[tilespmem:s22], [sflag:$0x8] =	stream.linear.gather [hbm4b:s20+s24], $0x50, $0x38;
	[tilespmem:$0x1F880] =	vst v63  }
0x69: {  	s25 =	simm.s32 $0x780  }
0x6a: {  	[tilespmem:s25], [sflag:$0x8] =	stream.linear.gather [hbm4b:s23+s24], $0x50, $0x38;
	[tilespmem:$0x1F880] =	vst v63  }
0x6b: {  	s31 =	simm.s32 $0x3C0;
	s2 =	simm.s32 $0x70;
	s24 =	simm.s32 $0x200  }
.LBB2_2:
0x6c: {  	p1 =	sne.s32 s31, $0x5FC0;
	[tilespmem:s2+$0xA800] =	vst v0  }
0x6d: {  	[tilespmem:s2+$0xA790] =	vst v0  }
0x6e: {  	[tilespmem:s2+$0xA7A0] =	vst v0  }
.Ltmp0:
0x6f: {  	[tilespmem:s2+$0xA7B0] =	vst v0;
	(pc) =	sbr.rel @p1 .LBB2_2-.Ltmp0, $4  }
0x70: {  	[tilespmem:s2+$0xA7C0] =	vst v0  }
0x71: {  	[tilespmem:s2+$0xA7D0] =	vst v0  }
0x72: {  	[tilespmem:s2+$0xA7E0] =	vst v0  }
0x73: {  	[tilespmem:s2+$0xA7F0] =	vst v0;
	s2 =	sshra.s32 s31, $0x2;
	s31 =	sadd.s32 $0x200, s31  }
0x74: {  	[tilespmem:s2+$0xA800] =	vst v0  }
0x75: {  	[tilespmem:s2+$0xA790] =	vst v0  }
0x76: {  	[tilespmem:s2+$0xA7A0] =	vst v0  }
0x77: {  	[tilespmem:s2+$0xA7B0] =	vst v0  }
0x78: {  	[tilespmem:s2+$0xA7C0] =	vst v0  }
0x79: {  	[tilespmem:s2+$0xA7D0] =	vst v0;
	s0 =	sld [smem:$0x7F1]  }
0x7a: {  	[tilespmem:s2+$0xA7E0] =	vst v0  }
0x7b: {  	[tilespmem:s2+$0xA7F0] =	vst v0;
	s2 =	simm.s32 $0xA800;
	s6 =	simm.s32 $0x11  }
0x7c: {  	[spmem:s0] =	stream.linear.scatter [tilespmem:s2], [sflag:$0x11], $0x1800, $0x38;
	[tilespmem:$0x1F880] =	vst v63  }
0x7d: {  	_ =	swait.ge [sflag:s6], $0x1800  }
0x7e: {  	s8 =	sld [smem:$0x7E4]  }
0x7f: {  	[sflag:s6] =	ssyncset.done $0x0  }
0x80: {  	[sflag:s6] =	ssyncadd.s32 $0xFFFFE800  }
0x81: {  	[spmem:s8] =	stream.linear.scatter [tilespmem:s2], [sflag:$0x11], $0x1800, $0x38;
	[tilespmem:$0x1F880] =	vst v63  }
0x82: {  	_ =	swait.ge [sflag:s6], $0x1800  }
0x83: {  	s9 =	sld [smem:$0x7E7]  }
0x84: {  	[sflag:s6] =	ssyncset.done $0x0  }
0x85: {  	[sflag:s6] =	ssyncadd.s32 $0xFFFFE800  }
0x86: {  	[spmem:s9] =	stream.linear.scatter [tilespmem:s2], [sflag:$0x11], $0x1800, $0x38;
	[tilespmem:$0x1F880] =	vst v63  }
0x87: {  	_ =	swait.ge [sflag:s6], $0x1800  }
0x88: {  	s10 =	sld [smem:$0x7E8]  }
0x89: {  	[sflag:s6] =	ssyncset.done $0x0  }
0x8a: {  	[sflag:s6] =	ssyncadd.s32 $0xFFFFE800  }
0x8b: {  	[spmem:s10] =	stream.linear.scatter [tilespmem:s2], [sflag:$0x11], $0x1800, $0x38;
	[tilespmem:$0x1F880] =	vst v63  }
0x8c: {  	_ =	swait.ge [sflag:s6], $0x1800  }
0x8d: {  	s11 =	sld [smem:$0x7E9]  }
0x8e: {  	[sflag:s6] =	ssyncset.done $0x0  }
0x8f: {  	[sflag:s6] =	ssyncadd.s32 $0xFFFFE800  }
0x90: {  	[spmem:s11] =	stream.linear.scatter [tilespmem:s2], [sflag:$0x11], $0x1800, $0x38;
	[tilespmem:$0x1F880] =	vst v63  }
0x91: {  	_ =	swait.ge [sflag:s6], $0x1800  }
0x92: {  	s12 =	sld [smem:$0x7EA]  }
0x93: {  	[sflag:s6] =	ssyncset.done $0x0  }
0x94: {  	[sflag:s6] =	ssyncadd.s32 $0xFFFFE800  }
0x95: {  	[spmem:s12] =	stream.linear.scatter [tilespmem:s2], [sflag:$0x11], $0x1800, $0x38;
	[tilespmem:$0x1F880] =	vst v63  }
0x96: {  	_ =	swait.ge [sflag:s6], $0x1800  }
0x97: {  	s17 =	sld [smem:$0x7EB]  }
0x98: {  	[sflag:s6] =	ssyncset.done $0x0  }
0x99: {  	[sflag:s6] =	ssyncadd.s32 $0xFFFFE800  }
0x9a: {  	[spmem:s17] =	stream.linear.scatter [tilespmem:s2], [sflag:$0x11], $0x1800, $0x38;
	[tilespmem:$0x1F880] =	vst v63  }
0x9b: {  	_ =	swait.ge [sflag:s6], $0x1800  }
0x9c: {  	s20 =	sld [smem:$0x7EC]  }
0x9d: {  	[sflag:s6] =	ssyncset.done $0x0  }
0x9e: {  	[sflag:s6] =	ssyncadd.s32 $0xFFFFE800  }
0x9f: {  	[spmem:s20] =	stream.linear.scatter [tilespmem:s2], [sflag:$0x11], $0x1800, $0x38;
	[tilespmem:$0x1F880] =	vst v63  }
0xa0: {  	_ =	swait.ge [sflag:s6], $0x1800  }
0xa1: {  	s23 =	sld [smem:$0x7ED]  }
0xa2: {  	[sflag:s6] =	ssyncset.done $0x0  }
0xa3: {  	[sflag:s6] =	ssyncadd.s32 $0xFFFFE800  }
0xa4: {  	[spmem:s23] =	stream.linear.scatter [tilespmem:s2], [sflag:$0x11], $0x1800, $0x38;
	[tilespmem:$0x1F880] =	vst v63  }
0xa5: {  	_ =	swait.ge [sflag:s6], $0x1800  }
0xa6: {  	s25 =	sld [smem:$0x7EE]  }
0xa7: {  	[sflag:s6] =	ssyncset.done $0x0  }
0xa8: {  	[sflag:s6] =	ssyncadd.s32 $0xFFFFE800  }
0xa9: {  	[spmem:s25] =	stream.linear.scatter [tilespmem:s2], [sflag:$0x11], $0x1800, $0x38;
	[tilespmem:$0x1F880] =	vst v63  }
0xaa: {  	_ =	swait.ge [sflag:s6], $0x1800  }
0xab: {  	s5 =	sld [smem:$0x7EF]  }
0xac: {  	[sflag:s6] =	ssyncset.done $0x0  }
0xad: {  	[sflag:s6] =	ssyncadd.s32 $0xFFFFE800  }
0xae: {  	[spmem:s5] =	stream.linear.scatter [tilespmem:s2], [sflag:$0x11], $0x1800, $0x38;
	[tilespmem:$0x1F880] =	vst v63  }
0xaf: {  	_ =	swait.ge [sflag:s6], $0x1800  }
0xb0: {  	s7 =	sld [smem:$0x7F0]  }
0xb1: {  	[sflag:s6] =	ssyncset.done $0x0  }
0xb2: {  	[sflag:s6] =	ssyncadd.s32 $0xFFFFE800  }
0xb3: {  	[spmem:s7] =	stream.linear.scatter [tilespmem:s2], [sflag:$0x11], $0x1800, $0x38;
	[tilespmem:$0x1F880] =	vst v63  }
0xb4: {  	_ =	swait.ge [sflag:s6], $0x1800  }
0xb5: {  	s8 =	sld [smem:$0x7F2]  }
0xb6: {  	[sflag:s6] =	ssyncset.done $0x0  }
0xb7: {  	[sflag:s6] =	ssyncadd.s32 $0xFFFFE800  }
0xb8: {  	[spmem:s8] =	stream.linear.scatter [tilespmem:s2], [sflag:$0x11], $0x1800, $0x38;
	[tilespmem:$0x1F880] =	vst v63  }
0xb9: {  	_ =	swait.ge [sflag:s6], $0x1800  }
0xba: {  	s0 =	sld [smem:$0x7F3]  }
0xbb: {  	[sflag:s6] =	ssyncset.done $0x0  }
0xbc: {  	s2 =	simm.s32 @!p0 $0xA800;
	[sflag:s6] =	ssyncadd.s32 $0xFFFFE800  }
0xbd: {  	[spmem:s0] =	stream.linear.scatter @!p0 [tilespmem:s2], [sflag:$0x11], $0x800, $0x38;
	[tilespmem:$0x1F880] =	vst v63  }
0xbe: {  	s2 =	simm.s32 @!p0 $0x11  }
0xbf: {  	_ =	swait.ge @!p0 [sflag:s2], $0x800  }
0xc0: {  	[sflag:s2] =	ssyncset.done @!p0 $0x0  }
0xc1: {  	[sflag:s2] =	ssyncadd.s32 @!p0 $0xFFFFF800  }
0xc2: {  	_ =	swait.ge [sflag:s13], $0x50  }
0xc3: {  	[sflag:s13] =	ssyncset.done $0x0  }
0xc4: {  	[sflag:s13] =	ssyncadd.s32 $0xFFFFFFB0  }
0xc5: {  	_ =	swait.ge [sflag:s13], $0x50  }
0xc6: {  	[sflag:s13] =	ssyncset.done $0x0  }
0xc7: {  	s20 =	simm.s32 $0x800;
	s2 =	simm.s32 $0x0;
	[sflag:s13] =	ssyncadd.s32 $0xFFFFFFB0  }
0xc8: {  	[tilespmem:s20], [sflag:$0x9] =	stream.indirect.gather [hbm4b:s1+s14], $0x80, s2, s14, $0xb8;
	[tilespmem:$0x1F880] =	vst v63  }
0xc9: {  	_ =	swait.ge [sflag:s16], $0x50  }
0xca: {  	[sflag:s16] =	ssyncset.done $0x0  }
0xcb: {  	[sflag:s16] =	ssyncadd.s32 $0xFFFFFFB0  }
0xcc: {  	_ =	swait.ge [sflag:s16], $0x50  }
0xcd: {  	[sflag:s16] =	ssyncset.done $0x0  }
0xce: {  	s31 =	simm.s32 $0x3000;
	[sflag:s16] =	ssyncadd.s32 $0xFFFFFFB0  }
0xcf: {  	[tilespmem:s31], [sflag:$0xA] =	stream.indirect.gather [hbm4b:s1+s14], $0x80, s4, s14, $0xb8;
	[tilespmem:$0x1F880] =	vst v63  }
0xd0: {  	[bflag:$0x0] =	sbarrier.arrive $0xFFFF  }
0xd1: {  	_ =	swait.ge [sflag:s18], $0x2800  }
0xd2: {  	[sflag:s18] =	ssyncset.done $0x0  }
0xd3: {  	s9 =	simm.s32 $0x400;
	s5 =	simm.s32 $0x3;
	[sflag:s18] =	ssyncadd.s32 $0xFFFFD800  }
0xd4: {  	[spmem:s3] =	stream.indirect.scatter.add.f32 [tilespmem:s20], [sflag:$0xD], $0x80, s9, s14, $0xb8;
	[tilespmem:$0x1F880] =	vst v63  }
0xd5: {  	_ =	swait.ge [sflag:s5], $0x50  }
0xd6: {  	[sflag:s5] =	ssyncset.done $0x0  }
0xd7: {  	[sflag:s5] =	ssyncadd.s32 $0xFFFFFFB0  }
0xd8: {  	_ =	swait.ge [sflag:s5], $0x50  }
0xd9: {  	[sflag:s5] =	ssyncset.done $0x0  }
0xda: {  	s10 =	simm.s32 $0x100;
	s9 =	simm.s32 $0x5800;
	[sflag:s5] =	ssyncadd.s32 $0xFFFFFFB0  }
0xdb: {  	[tilespmem:s9], [sflag:$0xB] =	stream.indirect.gather [hbm4b:s1+s14], $0x80, s10, s14, $0xb8;
	[tilespmem:$0x1F880] =	vst v63  }
0xdc: {  	s10 =	simm.s32 $0xA  }
0xdd: {  	_ =	swait.ge [sflag:s10], $0x2800  }
0xde: {  	[sflag:s10] =	ssyncset.done $0x0  }
0xdf: {  	s11 =	simm.s32 $0x480;
	[sflag:s10] =	ssyncadd.s32 $0xFFFFD800  }
0xe0: {  	[spmem:s3] =	stream.indirect.scatter.add.f32 [tilespmem:s31], [sflag:$0xE], $0x80, s11, s14, $0xb8;
	[tilespmem:$0x1F880] =	vst v63  }
0xe1: {  	s11 =	simm.s32 $0x4  }
0xe2: {  	_ =	swait.ge [sflag:s11], $0x50  }
0xe3: {  	[sflag:s11] =	ssyncset.done $0x0  }
0xe4: {  	[sflag:s11] =	ssyncadd.s32 $0xFFFFFFB0  }
0xe5: {  	_ =	swait.ge [sflag:s11], $0x50  }
0xe6: {  	[sflag:s11] =	ssyncset.done $0x0  }
0xe7: {  	s12 =	simm.s32 $0x180;
	s17 =	simm.s32 $0x8000;
	[sflag:s11] =	ssyncadd.s32 $0xFFFFFFB0  }
0xe8: {  	[tilespmem:s17], [sflag:$0xC] =	stream.indirect.gather [hbm4b:s1+s14], $0x80, s12, s14, $0xb8;
	[tilespmem:$0x1F880] =	vst v63  }
0xe9: {  	s12 =	simm.s32 $0xB  }
0xea: {  	_ =	swait.ge [sflag:s12], $0x2800  }
0xeb: {  	[sflag:s12] =	ssyncset.done $0x0  }
0xec: {  	s23 =	simm.s32 $0x500;
	[sflag:s12] =	ssyncadd.s32 $0xFFFFD800  }
0xed: {  	[spmem:s3] =	stream.indirect.scatter.add.f32 [tilespmem:s9], [sflag:$0xF], $0x80, s23, s14, $0xb8;
	[tilespmem:$0x1F880] =	vst v63  }
0xee: {  	_ =	swait.ge [sflag:s19], $0x2800  }
0xef: {  	[sflag:s19] =	ssyncset.done $0x0  }
0xf0: {  	s23 =	simm.s32 $0x5;
	[sflag:s19] =	ssyncadd.s32 $0xFFFFD800  }
0xf1: {  	_ =	swait.ge [sflag:s23], $0x50  }
0xf2: {  	[sflag:s23] =	ssyncset.done $0x0  }
0xf3: {  	[sflag:s23] =	ssyncadd.s32 $0xFFFFFFB0  }
0xf4: {  	_ =	swait.ge [sflag:s23], $0x50  }
0xf5: {  	[sflag:s23] =	ssyncset.done $0x0  }
0xf6: {  	[sflag:s23] =	ssyncadd.s32 $0xFFFFFFB0  }
0xf7: {  	[tilespmem:s20], [sflag:$0x9] =	stream.indirect.gather [hbm4b:s1+s14], $0x80, s24, s14, $0xb8;
	[tilespmem:$0x1F880] =	vst v63  }
0xf8: {  	s24 =	simm.s32 $0xC  }
0xf9: {  	_ =	swait.ge [sflag:s24], $0x2800  }
0xfa: {  	[sflag:s24] =	ssyncset.done $0x0  }
0xfb: {  	s25 =	simm.s32 $0x580;
	[sflag:s24] =	ssyncadd.s32 $0xFFFFD800  }
0xfc: {  	[spmem:s3] =	stream.indirect.scatter.add.f32 [tilespmem:s17], [sflag:$0x10], $0x80, s25, s14, $0xb8;
	[tilespmem:$0x1F880] =	vst v63  }
0xfd: {  	s25 =	simm.s32 $0xE  }
0xfe: {  	_ =	swait.ge [sflag:s25], $0x2800  }
0xff: {  	[sflag:s25] =	ssyncset.done $0x0  }
0x100: {  	[sflag:s25] =	ssyncadd.s32 $0xFFFFD800  }
0x101: {  	_ =	swait.ge [sflag:s21], $0x50  }
0x102: {  	[sflag:s21] =	ssyncset.done $0x0  }
0x103: {  	[sflag:s21] =	ssyncadd.s32 $0xFFFFFFB0  }
0x104: {  	_ =	swait.ge [sflag:s21], $0x50  }
0x105: {  	[sflag:s21] =	ssyncset.done $0x0  }
0x106: {  	s4 =	simm.s32 $0x280;
	[sflag:s21] =	ssyncadd.s32 $0xFFFFFFB0  }
0x107: {  	[tilespmem:s31], [sflag:$0xA] =	stream.indirect.gather [hbm4b:s1+s14], $0x80, s4, s14, $0xb8;
	[tilespmem:$0x1F880] =	vst v63  }
0x108: {  	_ =	swait.ge [sflag:s18], $0x2800  }
0x109: {  	[sflag:s18] =	ssyncset.done $0x0  }
0x10a: {  	s4 =	simm.s32 $0x600;
	[sflag:s18] =	ssyncadd.s32 $0xFFFFD800  }
0x10b: {  	[spmem:s3] =	stream.indirect.scatter.add.f32 [tilespmem:s20], [sflag:$0xD], $0x80, s4, s14, $0xb8;
	[tilespmem:$0x1F880] =	vst v63  }
0x10c: {  	_ =	swait.ge [sflag:s26], $0x2800  }
0x10d: {  	s4 =	sld [smem:$0x7F4]  }
0x10e: {  	[sflag:s26] =	ssyncset.done $0x0  }
0x10f: {  	[sflag:s26] =	ssyncadd.s32 $0xFFFFD800  }
0x110: {  	[tilespmem:s2], [sflag:$0x1] =	stream.linear.gather [hbm4b:s4+s2], $0x50, $0x38;
	[tilespmem:$0x1F880] =	vst v63  }
0x111: {  	s4 =	sld [smem:$0x7F5];
	_ =	sdelay $0x1  }
0x112: {  	s8 =	simm.s32 $0x400  }
0x113: {  	[tilespmem:s8], [sflag:$0x1] =	stream.linear.gather [hbm4b:s4+s2], $0x50, $0x38;
	[tilespmem:$0x1F880] =	vst v63  }
0x114: {  	_ =	swait.ge [sflag:s28], $0x50  }
0x115: {  	[sflag:s28] =	ssyncset.done $0x0  }
0x116: {  	[sflag:s28] =	ssyncadd.s32 $0xFFFFFFB0  }
0x117: {  	_ =	swait.ge [sflag:s28], $0x50  }
0x118: {  	[sflag:s28] =	ssyncset.done $0x0  }
0x119: {  	[sflag:s28] =	ssyncadd.s32 $0xFFFFFFB0  }
0x11a: {  	[tilespmem:s9], [sflag:$0xB] =	stream.indirect.gather [hbm4b:s1+s14], $0x80, s15, s14, $0xb8;
	[tilespmem:$0x1F880] =	vst v63  }
0x11b: {  	_ =	swait.ge [sflag:s10], $0x2800  }
0x11c: {  	[sflag:s10] =	ssyncset.done $0x0  }
0x11d: {  	s15 =	simm.s32 $0x680;
	[sflag:s10] =	ssyncadd.s32 $0xFFFFD800  }
0x11e: {  	[spmem:s3] =	stream.indirect.scatter.add.f32 [tilespmem:s31], [sflag:$0xE], $0x80, s15, s14, $0xb8;
	[tilespmem:$0x1F880] =	vst v63  }
0x11f: {  	_ =	swait.ge [sflag:s29], $0x2800  }
0x120: {  	s0 =	sld [smem:$0x7F6]  }
0x121: {  	[sflag:s29] =	ssyncset.done $0x0  }
0x122: {  	s15 =	simm.s32 $0x80;
	[sflag:s29] =	ssyncadd.s32 $0xFFFFD800  }
0x123: {  	[tilespmem:s15], [sflag:$0x2] =	stream.linear.gather [hbm4b:s0+s2], $0x50, $0x38;
	[tilespmem:$0x1F880] =	vst v63  }
0x124: {  	s15 =	sld [smem:$0x7F7];
	_ =	sdelay $0x1  }
0x125: {  	s6 =	simm.s32 $0x480  }
0x126: {  	[tilespmem:s6], [sflag:$0x2] =	stream.linear.gather [hbm4b:s15+s2], $0x50, $0x38;
	[tilespmem:$0x1F880] =	vst v63  }
0x127: {  	_ =	swait.ge [sflag:s30], $0x50  }
0x128: {  	[sflag:s30] =	ssyncset.done $0x0  }
0x129: {  	[sflag:s30] =	ssyncadd.s32 $0xFFFFFFB0  }
0x12a: {  	_ =	swait.ge [sflag:s30], $0x50  }
0x12b: {  	[sflag:s30] =	ssyncset.done $0x0  }
0x12c: {  	[sflag:s30] =	ssyncadd.s32 $0xFFFFFFB0  }
0x12d: {  	[tilespmem:s17], [sflag:$0xC] =	stream.indirect.gather [hbm4b:s1+s14], $0x80, s22, s14, $0xb8;
	[tilespmem:$0x1F880] =	vst v63  }
0x12e: {  	_ =	swait.ge [sflag:s12], $0x2800  }
0x12f: {  	[sflag:s12] =	ssyncset.done $0x0  }
0x130: {  	s15 =	simm.s32 $0x700;
	[sflag:s12] =	ssyncadd.s32 $0xFFFFD800  }
0x131: {  	[spmem:s3] =	stream.indirect.scatter.add.f32 [tilespmem:s9], [sflag:$0xF], $0x80, s15, s14, $0xb8;
	[tilespmem:$0x1F880] =	vst v63  }
0x132: {  	_ =	swait.ge [sflag:s19], $0x2800  }
0x133: {  	s22 =	sld [smem:$0x7F8]  }
0x134: {  	[sflag:s19] =	ssyncset.done $0x0  }
0x135: {  	s15 =	simm.s32 $0x100;
	s6 =	sld [smem:$0x7F9];
	[sflag:s19] =	ssyncadd.s32 $0xFFFFD800  }
0x136: {  	[tilespmem:s15], [sflag:$0x3] =	stream.linear.gather [hbm4b:s22+s2], $0x50, $0x38;
	[tilespmem:$0x1F880] =	vst v63  }
0x137: {  	s7 =	simm.s32 $0x500  }
0x138: {  	[tilespmem:s7], [sflag:$0x3] =	stream.linear.gather [hbm4b:s6+s2], $0x50, $0x38;
	[tilespmem:$0x1F880] =	vst v63  }
0x139: {  	_ =	swait.ge [sflag:s13], $0x50  }
0x13a: {  	[sflag:s13] =	ssyncset.done $0x0  }
0x13b: {  	[sflag:s13] =	ssyncadd.s32 $0xFFFFFFB0  }
0x13c: {  	_ =	swait.ge [sflag:s13], $0x50  }
0x13d: {  	[sflag:s13] =	ssyncset.done $0x0  }
0x13e: {  	[sflag:s13] =	ssyncadd.s32 $0xFFFFFFB0  }
0x13f: {  	[tilespmem:s20], [sflag:$0x9] =	stream.indirect.gather [hbm4b:s1+s14], $0x80, s2, s14, $0xb8;
	[tilespmem:$0x1F880] =	vst v63  }
0x140: {  	_ =	swait.ge [sflag:s24], $0x2800  }
0x141: {  	[sflag:s24] =	ssyncset.done $0x0  }
0x142: {  	s7 =	simm.s32 $0x780;
	[sflag:s24] =	ssyncadd.s32 $0xFFFFD800  }
0x143: {  	[spmem:s3] =	stream.indirect.scatter.add.f32 [tilespmem:s17], [sflag:$0x10], $0x80, s7, s14, $0xb8;
	[tilespmem:$0x1F880] =	vst v63  }
0x144: {  	_ =	swait.ge [sflag:s25], $0x2800  }
0x145: {  	s22 =	sld [smem:$0x7FA]  }
0x146: {  	[sflag:s25] =	ssyncset.done $0x0  }
0x147: {  	s6 =	simm.s32 $0x180;
	s7 =	sld [smem:$0x7FB];
	[sflag:s25] =	ssyncadd.s32 $0xFFFFD800  }
0x148: {  	[tilespmem:s6], [sflag:$0x4] =	stream.linear.gather [hbm4b:s22+s2], $0x50, $0x38;
	[tilespmem:$0x1F880] =	vst v63  }
0x149: {  	s22 =	simm.s32 $0x580  }
0x14a: {  	[tilespmem:s22], [sflag:$0x4] =	stream.linear.gather [hbm4b:s7+s2], $0x50, $0x38;
	[tilespmem:$0x1F880] =	vst v63  }
0x14b: {  	_ =	swait.ge [sflag:s16], $0x50  }
0x14c: {  	[sflag:s16] =	ssyncset.done $0x0  }
0x14d: {  	[sflag:s16] =	ssyncadd.s32 $0xFFFFFFB0  }
0x14e: {  	_ =	swait.ge [sflag:s16], $0x50  }
0x14f: {  	[sflag:s16] =	ssyncset.done $0x0  }
0x150: {  	s31 =	simm.s32 $0x80;
	s0 =	simm.s32 $0x3000;
	[sflag:s16] =	ssyncadd.s32 $0xFFFFFFB0  }
0x151: {  	[tilespmem:s0], [sflag:$0xA] =	stream.indirect.gather [hbm4b:s1+s14], $0x80, s31, s14, $0xb8;
	[tilespmem:$0x1F880] =	vst v63  }
0x152: {  	_ =	swait.ge [sflag:s18], $0x2800  }
0x153: {  	[sflag:s18] =	ssyncset.done $0x0  }
0x154: {  	s4 =	simm.s32 $0x400;
	[sflag:s18] =	ssyncadd.s32 $0xFFFFD800  }
0x155: {  	[spmem:s3] =	stream.indirect.scatter.add.f32 [tilespmem:s20], [sflag:$0xD], $0x80, s4, s14, $0xb8;
	[tilespmem:$0x1F880] =	vst v63  }
0x156: {  	_ =	swait.ge [sflag:s26], $0x2800  }
0x157: {  	s4 =	rddreg [dreg:$0x13]  }
0x158: {  	s8 =	simm.s32 $0x200;
	[sflag:s26] =	ssyncset.done $0x0;
	s31 =	rddreg [dreg:$0x14]  }
0x159: {  	[sflag:s26] =	ssyncadd.s32 $0xFFFFD800;
	s2 =	sadd.s32 $0x0, s4;
	s4 =	simm.s32 $0x0  }
0x15a: {  	[tilespmem:s8], [sflag:$0x5] =	stream.linear.gather [hbm4b:s2+s4], $0x50, $0x38;
	[tilespmem:$0x1F880] =	vst v63  }
0x15b: {  	s22 =	simm.s32 $0x600;
	s7 =	sadd.s32 $0x0, s31  }
0x15c: {  	[tilespmem:s22], [sflag:$0x5] =	stream.linear.gather [hbm4b:s7+s4], $0x50, $0x38;
	[tilespmem:$0x1F880] =	vst v63  }
0x15d: {  	_ =	swait.ge [sflag:s5], $0x50  }
0x15e: {  	[sflag:s5] =	ssyncset.done $0x0  }
0x15f: {  	[sflag:s5] =	ssyncadd.s32 $0xFFFFFFB0  }
0x160: {  	_ =	swait.ge [sflag:s5], $0x50  }
0x161: {  	[sflag:s5] =	ssyncset.done $0x0  }
0x162: {  	[sflag:s5] =	ssyncadd.s32 $0xFFFFFFB0  }
0x163: {  	[tilespmem:s9], [sflag:$0xB] =	stream.indirect.gather [hbm4b:s1+s14], $0x80, s15, s14, $0xb8;
	[tilespmem:$0x1F880] =	vst v63  }
0x164: {  	_ =	swait.ge [sflag:s10], $0x2800  }
0x165: {  	[sflag:s10] =	ssyncset.done $0x0  }
0x166: {  	s15 =	simm.s32 $0x480;
	[sflag:s10] =	ssyncadd.s32 $0xFFFFD800  }
0x167: {  	[spmem:s3] =	stream.indirect.scatter.add.f32 [tilespmem:s0], [sflag:$0xE], $0x80, s15, s14, $0xb8;
	[tilespmem:$0x1F880] =	vst v63  }
0x168: {  	_ =	swait.ge [sflag:s29], $0x2800  }
0x169: {  	s5 =	rddreg [dreg:$0x11]  }
0x16a: {  	[sflag:s29] =	ssyncset.done $0x0;
	s31 =	rddreg [dreg:$0x12]  }
0x16b: {  	[sflag:s29] =	ssyncadd.s32 $0xFFFFD800;
	s2 =	sadd.s32 $0x0, s5;
	s5 =	simm.s32 $0x280  }
0x16c: {  	[tilespmem:s5], [sflag:$0x6] =	stream.linear.gather [hbm4b:s2+s4], $0x50, $0x38;
	[tilespmem:$0x1F880] =	vst v63  }
0x16d: {  	s15 =	simm.s32 $0x680;
	s7 =	sadd.s32 $0x0, s31  }
0x16e: {  	[tilespmem:s15], [sflag:$0x6] =	stream.linear.gather [hbm4b:s7+s4], $0x50, $0x38;
	[tilespmem:$0x1F880] =	vst v63  }
0x16f: {  	_ =	swait.ge [sflag:s11], $0x50  }
0x170: {  	[sflag:s11] =	ssyncset.done $0x0  }
0x171: {  	[sflag:s11] =	ssyncadd.s32 $0xFFFFFFB0  }
0x172: {  	_ =	swait.ge [sflag:s11], $0x50  }
0x173: {  	[sflag:s11] =	ssyncset.done $0x0  }
0x174: {  	[sflag:s11] =	ssyncadd.s32 $0xFFFFFFB0  }
0x175: {  	[tilespmem:s17], [sflag:$0xC] =	stream.indirect.gather [hbm4b:s1+s14], $0x80, s6, s14, $0xb8;
	[tilespmem:$0x1F880] =	vst v63  }
0x176: {  	_ =	swait.ge [sflag:s12], $0x2800  }
0x177: {  	[sflag:s12] =	ssyncset.done $0x0  }
0x178: {  	s7 =	simm.s32 $0x500;
	[sflag:s12] =	ssyncadd.s32 $0xFFFFD800  }
0x179: {  	[spmem:s3] =	stream.indirect.scatter.add.f32 [tilespmem:s9], [sflag:$0xF], $0x80, s7, s14, $0xb8;
	[tilespmem:$0x1F880] =	vst v63  }
0x17a: {  	_ =	swait.ge [sflag:s19], $0x2800  }
0x17b: {  	s7 =	simm.s32 $0x300;
	s11 =	rddreg [dreg:$0xf];
	[sflag:s19] =	ssyncset.done $0x0  }
0x17c: {  	s31 =	rddreg [dreg:$0x10];
	[sflag:s19] =	ssyncadd.s32 $0xFFFFD800;
	s2 =	sadd.s32 $0x0, s11  }
0x17d: {  	[tilespmem:s7], [sflag:$0x7] =	stream.linear.gather [hbm4b:s2+s4], $0x50, $0x38;
	[tilespmem:$0x1F880] =	vst v63  }
0x17e: {  	s6 =	sadd.s32 $0x0, s31;
	s11 =	simm.s32 $0x700  }
0x17f: {  	[tilespmem:s11], [sflag:$0x7] =	stream.linear.gather [hbm4b:s6+s4], $0x50, $0x38;
	[tilespmem:$0x1F880] =	vst v63  }
0x180: {  	_ =	swait.ge [sflag:s23], $0x50  }
0x181: {  	[sflag:s23] =	ssyncset.done $0x0  }
0x182: {  	[sflag:s23] =	ssyncadd.s32 $0xFFFFFFB0  }
0x183: {  	_ =	swait.ge [sflag:s23], $0x50  }
0x184: {  	[sflag:s23] =	ssyncset.done $0x0  }
0x185: {  	[sflag:s23] =	ssyncadd.s32 $0xFFFFFFB0  }
0x186: {  	[tilespmem:s20], [sflag:$0x9] =	stream.indirect.gather [hbm4b:s1+s14], $0x80, s8, s14, $0xb8;
	[tilespmem:$0x1F880] =	vst v63  }
0x187: {  	_ =	swait.ge [sflag:s24], $0x2800  }
0x188: {  	[sflag:s24] =	ssyncset.done $0x0  }
0x189: {  	s6 =	simm.s32 $0x580;
	[sflag:s24] =	ssyncadd.s32 $0xFFFFD800  }
0x18a: {  	[spmem:s3] =	stream.indirect.scatter.add.f32 [tilespmem:s17], [sflag:$0x10], $0x80, s6, s14, $0xb8;
	[tilespmem:$0x1F880] =	vst v63  }
0x18b: {  	_ =	swait.ge [sflag:s25], $0x2800  }
0x18c: {  	s20 =	simm.s32 $0x380;
	s23 =	rddreg [dreg:$0xd];
	[sflag:s25] =	ssyncset.done $0x0  }
0x18d: {  	s31 =	rddreg [dreg:$0xe];
	[sflag:s25] =	ssyncadd.s32 $0xFFFFD800;
	s2 =	sadd.s32 $0x0, s23  }
0x18e: {  	[tilespmem:s20], [sflag:$0x8] =	stream.linear.gather [hbm4b:s2+s4], $0x50, $0x38;
	[tilespmem:$0x1F880] =	vst v63  }
0x18f: {  	s11 =	simm.s32 $0x780;
	s8 =	sadd.s32 $0x0, s31  }
0x190: {  	[tilespmem:s11], [sflag:$0x8] =	stream.linear.gather [hbm4b:s8+s4], $0x50, $0x38;
	[tilespmem:$0x1F880] =	vst v63  }
0x191: {  	_ =	swait.ge [sflag:s21], $0x50  }
0x192: {  	[sflag:s21] =	ssyncset.done $0x0  }
0x193: {  	[sflag:s21] =	ssyncadd.s32 $0xFFFFFFB0  }
0x194: {  	_ =	swait.ge [sflag:s21], $0x50  }
0x195: {  	[sflag:s21] =	ssyncset.done $0x0  }
0x196: {  	[sflag:s21] =	ssyncadd.s32 $0xFFFFFFB0  }
0x197: {  	[tilespmem:s0], [sflag:$0xA] =	stream.indirect.gather [hbm4b:s1+s14], $0x80, s5, s14, $0xb8;
	[tilespmem:$0x1F880] =	vst v63  }
0x198: {  	_ =	swait.ge [sflag:s18], $0x2800  }
0x199: {  	[sflag:s18] =	ssyncset.done $0x0  }
0x19a: {  	s8 =	simm.s32 $0x800;
	[sflag:s18] =	ssyncadd.s32 $0xFFFFD800  }
0x19b: {  	[spmem:s3] =	stream.indirect.scatter.add.f32 [tilespmem:s8], [sflag:$0xD], $0x80, s22, s14, $0xb8;
	[tilespmem:$0x1F880] =	vst v63  }
0x19c: {  	_ =	swait.ge [sflag:s26], $0x2800  }
0x19d: {  	s22 =	rddreg [dreg:$0xb];
	[sflag:s26] =	ssyncset.done $0x0  }
0x19e: {  	s31 =	rddreg [dreg:$0xc];
	[sflag:s26] =	ssyncadd.s32 $0xFFFFD800;
	s2 =	sadd.s32 $0x0, s22  }
0x19f: {  	[tilespmem:s4], [sflag:$0x1] =	stream.linear.gather [hbm4b:s2+s4], $0x50, $0x38;
	[tilespmem:$0x1F880] =	vst v63  }
0x1a0: {  	s23 =	sadd.s32 $0x0, s31;
	s26 =	simm.s32 $0x400  }
0x1a1: {  	[tilespmem:s26], [sflag:$0x1] =	stream.linear.gather [hbm4b:s23+s4], $0x50, $0x38;
	[tilespmem:$0x1F880] =	vst v63  }
0x1a2: {  	_ =	swait.ge [sflag:s28], $0x50  }
0x1a3: {  	[sflag:s28] =	ssyncset.done $0x0  }
0x1a4: {  	[sflag:s28] =	ssyncadd.s32 $0xFFFFFFB0  }
0x1a5: {  	_ =	swait.ge [sflag:s28], $0x50  }
0x1a6: {  	[sflag:s28] =	ssyncset.done $0x0  }
0x1a7: {  	[sflag:s28] =	ssyncadd.s32 $0xFFFFFFB0  }
0x1a8: {  	[tilespmem:s9], [sflag:$0xB] =	stream.indirect.gather [hbm4b:s1+s14], $0x80, s7, s14, $0xb8;
	[tilespmem:$0x1F880] =	vst v63  }
0x1a9: {  	_ =	swait.ge [sflag:s10], $0x2800  }
0x1aa: {  	[sflag:s10] =	ssyncset.done $0x0  }
0x1ab: {  	[sflag:s10] =	ssyncadd.s32 $0xFFFFD800  }
0x1ac: {  	[spmem:s3] =	stream.indirect.scatter.add.f32 [tilespmem:s0], [sflag:$0xE], $0x80, s15, s14, $0xb8;
	[tilespmem:$0x1F880] =	vst v63  }
0x1ad: {  	_ =	swait.ge [sflag:s29], $0x2800  }
0x1ae: {  	s9 =	simm.s32 $0x80;
	s5 =	rddreg [dreg:$0x9];
	[sflag:s29] =	ssyncset.done $0x0  }
0x1af: {  	s31 =	rddreg [dreg:$0xa];
	[sflag:s29] =	ssyncadd.s32 $0xFFFFD800;
	s2 =	sadd.s32 $0x0, s5  }
0x1b0: {  	[tilespmem:s9], [sflag:$0x2] =	stream.linear.gather [hbm4b:s2+s4], $0x50, $0x38;
	[tilespmem:$0x1F880] =	vst v63  }
0x1b1: {  	s15 =	simm.s32 $0x480;
	s10 =	sadd.s32 $0x0, s31  }
0x1b2: {  	[tilespmem:s15], [sflag:$0x2] =	stream.linear.gather [hbm4b:s10+s4], $0x50, $0x38;
	[tilespmem:$0x1F880] =	vst v63  }
0x1b3: {  	_ =	swait.ge [sflag:s30], $0x50  }
0x1b4: {  	[sflag:s30] =	ssyncset.done $0x0  }
0x1b5: {  	[sflag:s30] =	ssyncadd.s32 $0xFFFFFFB0  }
0x1b6: {  	_ =	swait.ge [sflag:s30], $0x50  }
0x1b7: {  	[sflag:s30] =	ssyncset.done $0x0  }
0x1b8: {  	[sflag:s30] =	ssyncadd.s32 $0xFFFFFFB0  }
0x1b9: {  	[tilespmem:s17], [sflag:$0xC] =	stream.indirect.gather [hbm4b:s1+s14], $0x80, s20, s14, $0xb8;
	[tilespmem:$0x1F880] =	vst v63  }
0x1ba: {  	_ =	swait.ge [sflag:s12], $0x2800  }
0x1bb: {  	[sflag:s12] =	ssyncset.done $0x0  }
0x1bc: {  	s18 =	simm.s32 $0x700;
	s28 =	simm.s32 $0x5800;
	[sflag:s12] =	ssyncadd.s32 $0xFFFFD800  }
0x1bd: {  	[spmem:s3] =	stream.indirect.scatter.add.f32 [tilespmem:s28], [sflag:$0xF], $0x80, s18, s14, $0xb8;
	[tilespmem:$0x1F880] =	vst v63  }
0x1be: {  	_ =	swait.ge [sflag:s19], $0x2800  }
0x1bf: {  	s21 =	simm.s32 $0x100;
	s20 =	rddreg [dreg:$0x7];
	[sflag:s19] =	ssyncset.done $0x0  }
0x1c0: {  	s31 =	rddreg [dreg:$0x8];
	[sflag:s19] =	ssyncadd.s32 $0xFFFFD800;
	s2 =	sadd.s32 $0x0, s20  }
0x1c1: {  	[tilespmem:s21], [sflag:$0x3] =	stream.linear.gather [hbm4b:s2+s4], $0x50, $0x38;
	[tilespmem:$0x1F880] =	vst v63  }
0x1c2: {  	s23 =	simm.s32 $0x500;
	s22 =	sadd.s32 $0x0, s31  }
0x1c3: {  	[tilespmem:s23], [sflag:$0x3] =	stream.linear.gather [hbm4b:s22+s4], $0x50, $0x38;
	[tilespmem:$0x1F880] =	vst v63  }
0x1c4: {  	_ =	swait.ge [sflag:s13], $0x50  }
0x1c5: {  	[sflag:s13] =	ssyncset.done $0x0  }
0x1c6: {  	[sflag:s13] =	ssyncadd.s32 $0xFFFFFFB0  }
0x1c7: {  	_ =	swait.ge [sflag:s13], $0x50  }
0x1c8: {  	[sflag:s13] =	ssyncset.done $0x0  }
0x1c9: {  	[sflag:s13] =	ssyncadd.s32 $0xFFFFFFB0  }
0x1ca: {  	[tilespmem:s8], [sflag:$0x9] =	stream.indirect.gather [hbm4b:s1+s14], $0x80, s4, s14, $0xb8;
	[tilespmem:$0x1F880] =	vst v63  }
0x1cb: {  	_ =	swait.ge [sflag:s24], $0x2800  }
0x1cc: {  	[sflag:s24] =	ssyncset.done $0x0  }
0x1cd: {  	[sflag:s24] =	ssyncadd.s32 $0xFFFFD800  }
0x1ce: {  	[spmem:s3] =	stream.indirect.scatter.add.f32 [tilespmem:s17], [sflag:$0x10], $0x80, s11, s14, $0xb8;
	[tilespmem:$0x1F880] =	vst v63  }
0x1cf: {  	s28 =	simm.s32 $0x180;
	_ =	swait.ge [sflag:s25], $0x2800  }
0x1d0: {  	s24 =	simm.s32 $0x0;
	s26 =	rddreg [dreg:$0x5];
	[sflag:s25] =	ssyncset.done $0x0  }
0x1d1: {  	s31 =	rddreg [dreg:$0x6];
	[sflag:s25] =	ssyncadd.s32 $0xFFFFD800;
	s2 =	sadd.s32 $0x0, s26  }
0x1d2: {  	[tilespmem:s28], [sflag:$0x4] =	stream.linear.gather [hbm4b:s2+s24], $0x50, $0x38;
	[tilespmem:$0x1F880] =	vst v63  }
0x1d3: {  	s30 =	sadd.s32 $0x0, s31  }
0x1d4: {  	[tilespmem:s6], [sflag:$0x4] =	stream.linear.gather [hbm4b:s30+s24], $0x50, $0x38;
	[tilespmem:$0x1F880] =	vst v63  }
0x1d5: {  	_ =	swait.ge [sflag:s16], $0x50  }
0x1d6: {  	[sflag:s16] =	ssyncset.done $0x0  }
0x1d7: {  	[sflag:s16] =	ssyncadd.s32 $0xFFFFFFB0  }
0x1d8: {  	_ =	swait.ge [sflag:s16], $0x50  }
0x1d9: {  	s29 =	simm.s32 $0x7;
	s18 =	simm.s32 $0x2;
	[sflag:s16] =	ssyncset.done $0x0  }
0x1da: {  	s31 =	simm.s32 $0x50;
	s26 =	simm.s32 $0x6;
	[sflag:s16] =	ssyncadd.s32 $0xFFFFFFB0  }
.LBB2_4:
0x1db: {  	s2 =	simm.s32 $0x80;
	s4 =	simm.s32 $0x9  }
0x1dc: {  	[tilespmem:s0], [sflag:$0xA] =	stream.indirect.gather [hbm4b:s1+s14], $0x80, s2, s14, $0xb8;
	[tilespmem:$0x1F880] =	vst v63  }
0x1dd: {  	_ =	swait.ge [sflag:s4], $0x2800  }
0x1de: {  	[sflag:s4] =	ssyncset.done $0x0  }
0x1df: {  	s23 =	simm.s32 $0x400;
	s10 =	simm.s32 $0xF;
	[sflag:s4] =	ssyncadd.s32 $0xFFFFD800  }
0x1e0: {  	[spmem:s3] =	stream.indirect.scatter.add.f32 [tilespmem:s8], [sflag:$0xD], $0x80, s23, s14, $0xb8;
	[tilespmem:$0x1F880] =	vst v63  }
0x1e1: {  	s5 =	simm.s32 $0x200;
	_ =	swait.ge [sflag:s10], $0x2800  }
0x1e2: {  	s2 =	smov.u32 s31;
	s28 =	rddreg [dreg:$0x13];
	[sflag:s10] =	ssyncset.done $0x0  }
0x1e3: {  	s6 =	rddreg [dreg:$0x14];
	[sflag:s10] =	ssyncadd.s32 $0xFFFFD800;
	s0 =	sadd.s32 s2, s28  }
0x1e4: {  	[tilespmem:s5], [sflag:$0x5] =	stream.linear.gather [hbm4b:s0+s24], $0x50, $0x38;
	[tilespmem:$0x1F880] =	vst v63  }
0x1e5: {  	s30 =	simm.s32 $0x600;
	s9 =	simm.s32 $0x3;
	s7 =	sadd.s32 s2, s6  }
0x1e6: {  	[tilespmem:s30], [sflag:$0x5] =	stream.linear.gather [hbm4b:s7+s24], $0x50, $0x38;
	[tilespmem:$0x1F880] =	vst v63  }
0x1e7: {  	_ =	swait.ge [sflag:s9], $0x50  }
0x1e8: {  	[sflag:s9] =	ssyncset.done $0x0  }
0x1e9: {  	[sflag:s9] =	ssyncadd.s32 $0xFFFFFFB0  }
0x1ea: {  	_ =	swait.ge [sflag:s9], $0x50  }
0x1eb: {  	s20 =	simm.s32 $0x5800;
	[sflag:s9] =	ssyncset.done $0x0  }
0x1ec: {  	s11 =	simm.s32 $0x100;
	s21 =	simm.s32 $0xA;
	[sflag:s9] =	ssyncadd.s32 $0xFFFFFFB0  }
0x1ed: {  	[tilespmem:s20], [sflag:$0xB] =	stream.indirect.gather [hbm4b:s1+s14], $0x80, s11, s14, $0xb8;
	[tilespmem:$0x1F880] =	vst v63  }
0x1ee: {  	_ =	swait.ge [sflag:s21], $0x2800  }
0x1ef: {  	s15 =	simm.s32 $0x3000;
	[sflag:s21] =	ssyncset.done $0x0  }
0x1f0: {  	s13 =	simm.s32 $0x480;
	s28 =	simm.s32 $0x10;
	[sflag:s21] =	ssyncadd.s32 $0xFFFFD800  }
0x1f1: {  	[spmem:s3] =	stream.indirect.scatter.add.f32 [tilespmem:s15], [sflag:$0xE], $0x80, s13, s14, $0xb8;
	[tilespmem:$0x1F880] =	vst v63  }
0x1f2: {  	_ =	swait.ge [sflag:s28], $0x2800  }
0x1f3: {  	s16 =	rddreg [dreg:$0x11]  }
0x1f4: {  	[sflag:s28] =	ssyncset.done $0x0;
	s17 =	rddreg [dreg:$0x12]  }
0x1f5: {  	[sflag:s28] =	ssyncadd.s32 $0xFFFFD800;
	s0 =	sadd.s32 s2, s16;
	s16 =	simm.s32 $0x280  }
0x1f6: {  	[tilespmem:s16], [sflag:$0x6] =	stream.linear.gather [hbm4b:s0+s24], $0x50, $0x38;
	[tilespmem:$0x1F880] =	vst v63  }
0x1f7: {  	s22 =	simm.s32 $0x4;
	s11 =	simm.s32 $0x680;
	s19 =	sadd.s32 s2, s17  }
0x1f8: {  	[tilespmem:s11], [sflag:$0x6] =	stream.linear.gather [hbm4b:s19+s24], $0x50, $0x38;
	[tilespmem:$0x1F880] =	vst v63  }
0x1f9: {  	_ =	swait.ge [sflag:s22], $0x50  }
0x1fa: {  	[sflag:s22] =	ssyncset.done $0x0  }
0x1fb: {  	[sflag:s22] =	ssyncadd.s32 $0xFFFFFFB0  }
0x1fc: {  	_ =	swait.ge [sflag:s22], $0x50  }
0x1fd: {  	[sflag:s22] =	ssyncset.done $0x0  }
0x1fe: {  	s13 =	simm.s32 $0x8000;
	s24 =	simm.s32 $0x180;
	[sflag:s22] =	ssyncadd.s32 $0xFFFFFFB0  }
0x1ff: {  	[tilespmem:s13], [sflag:$0xC] =	stream.indirect.gather [hbm4b:s1+s14], $0x80, s24, s14, $0xb8;
	[tilespmem:$0x1F880] =	vst v63  }
0x200: {  	s24 =	simm.s32 $0xB  }
0x201: {  	_ =	swait.ge [sflag:s24], $0x2800  }
0x202: {  	[sflag:s24] =	ssyncset.done $0x0  }
0x203: {  	s9 =	simm.s32 $0xD;
	s22 =	simm.s32 $0x500;
	[sflag:s24] =	ssyncadd.s32 $0xFFFFD800  }
0x204: {  	[spmem:s3] =	stream.indirect.scatter.add.f32 [tilespmem:s20], [sflag:$0xF], $0x80, s22, s14, $0xb8;
	[tilespmem:$0x1F880] =	vst v63  }
0x205: {  	s7 =	simm.s32 $0x0;
	_ =	swait.ge [sflag:s9], $0x2800  }
0x206: {  	s19 =	simm.s32 $0x300;
	s25 =	rddreg [dreg:$0xf];
	[sflag:s9] =	ssyncset.done $0x0  }
0x207: {  	s30 =	rddreg [dreg:$0x10];
	[sflag:s9] =	ssyncadd.s32 $0xFFFFD800;
	s0 =	sadd.s32 s2, s25  }
0x208: {  	[tilespmem:s19], [sflag:$0x7] =	stream.linear.gather [hbm4b:s0+s7], $0x50, $0x38;
	[tilespmem:$0x1F880] =	vst v63  }
0x209: {  	s17 =	sadd.s32 s2, s30;
	s30 =	simm.s32 $0x700;
	s25 =	simm.s32 $0x5  }
0x20a: {  	[tilespmem:s30], [sflag:$0x7] =	stream.linear.gather [hbm4b:s17+s7], $0x50, $0x38;
	[tilespmem:$0x1F880] =	vst v63  }
0x20b: {  	_ =	swait.ge [sflag:s25], $0x50  }
0x20c: {  	[sflag:s25] =	ssyncset.done $0x0  }
0x20d: {  	[sflag:s25] =	ssyncadd.s32 $0xFFFFFFB0  }
0x20e: {  	_ =	swait.ge [sflag:s25], $0x50  }
0x20f: {  	[sflag:s25] =	ssyncset.done $0x0  }
0x210: {  	s8 =	simm.s32 $0x800;
	[sflag:s25] =	ssyncadd.s32 $0xFFFFFFB0;
	s25 =	simm.s32 $0xC  }
0x211: {  	[tilespmem:s8], [sflag:$0x9] =	stream.indirect.gather [hbm4b:s1+s14], $0x80, s5, s14, $0xb8;
	[tilespmem:$0x1F880] =	vst v63  }
0x212: {  	_ =	swait.ge [sflag:s25], $0x2800  }
0x213: {  	[sflag:s25] =	ssyncset.done $0x0  }
0x214: {  	s12 =	simm.s32 $0x580;
	s5 =	simm.s32 $0xE;
	[sflag:s25] =	ssyncadd.s32 $0xFFFFD800  }
0x215: {  	[spmem:s3] =	stream.indirect.scatter.add.f32 [tilespmem:s13], [sflag:$0x10], $0x80, s12, s14, $0xb8;
	[tilespmem:$0x1F880] =	vst v63  }
0x216: {  	_ =	swait.ge [sflag:s5], $0x2800  }
0x217: {  	s17 =	simm.s32 $0x380;
	s6 =	rddreg [dreg:$0xd];
	[sflag:s5] =	ssyncset.done $0x0  }
0x218: {  	s12 =	rddreg [dreg:$0xe];
	[sflag:s5] =	ssyncadd.s32 $0xFFFFD800;
	s0 =	sadd.s32 s2, s6  }
0x219: {  	[tilespmem:s17], [sflag:$0x8] =	stream.linear.gather [hbm4b:s0+s7], $0x50, $0x38;
	[tilespmem:$0x1F880] =	vst v63  }
0x21a: {  	s6 =	sadd.s32 s2, s12;
	s12 =	simm.s32 $0x780  }
0x21b: {  	[tilespmem:s12], [sflag:$0x8] =	stream.linear.gather [hbm4b:s6+s7], $0x50, $0x38;
	[tilespmem:$0x1F880] =	vst v63  }
0x21c: {  	_ =	swait.ge [sflag:s26], $0x50  }
0x21d: {  	[sflag:s26] =	ssyncset.done $0x0  }
0x21e: {  	[sflag:s26] =	ssyncadd.s32 $0xFFFFFFB0  }
0x21f: {  	_ =	swait.ge [sflag:s26], $0x50  }
0x220: {  	[sflag:s26] =	ssyncset.done $0x0  }
0x221: {  	[sflag:s26] =	ssyncadd.s32 $0xFFFFFFB0  }
0x222: {  	[tilespmem:s15], [sflag:$0xA] =	stream.indirect.gather [hbm4b:s1+s14], $0x80, s16, s14, $0xb8;
	[tilespmem:$0x1F880] =	vst v63  }
0x223: {  	_ =	swait.ge [sflag:s4], $0x2800  }
0x224: {  	[sflag:s4] =	ssyncset.done $0x0  }
0x225: {  	s16 =	simm.s32 $0x600;
	[sflag:s4] =	ssyncadd.s32 $0xFFFFD800  }
0x226: {  	[spmem:s3] =	stream.indirect.scatter.add.f32 [tilespmem:s8], [sflag:$0xD], $0x80, s16, s14, $0xb8;
	[tilespmem:$0x1F880] =	vst v63  }
0x227: {  	_ =	swait.ge [sflag:s10], $0x2800  }
0x228: {  	s6 =	rddreg [dreg:$0xb];
	[sflag:s10] =	ssyncset.done $0x0  }
0x229: {  	s4 =	rddreg [dreg:$0xc];
	[sflag:s10] =	ssyncadd.s32 $0xFFFFD800;
	s0 =	sadd.s32 s2, s6  }
0x22a: {  	[tilespmem:s7], [sflag:$0x1] =	stream.linear.gather [hbm4b:s0+s7], $0x50, $0x38;
	[tilespmem:$0x1F880] =	vst v63  }
0x22b: {  	s4 =	sadd.s32 s2, s4  }
0x22c: {  	[tilespmem:s23], [sflag:$0x1] =	stream.linear.gather [hbm4b:s4+s7], $0x50, $0x38;
	[tilespmem:$0x1F880] =	vst v63  }
0x22d: {  	_ =	swait.ge [sflag:s29], $0x50  }
0x22e: {  	[sflag:s29] =	ssyncset.done $0x0  }
0x22f: {  	[sflag:s29] =	ssyncadd.s32 $0xFFFFFFB0  }
0x230: {  	_ =	swait.ge [sflag:s29], $0x50  }
0x231: {  	[sflag:s29] =	ssyncset.done $0x0  }
0x232: {  	[sflag:s29] =	ssyncadd.s32 $0xFFFFFFB0  }
0x233: {  	[tilespmem:s20], [sflag:$0xB] =	stream.indirect.gather [hbm4b:s1+s14], $0x80, s19, s14, $0xb8;
	[tilespmem:$0x1F880] =	vst v63  }
0x234: {  	_ =	swait.ge [sflag:s21], $0x2800  }
0x235: {  	[sflag:s21] =	ssyncset.done $0x0  }
0x236: {  	[sflag:s21] =	ssyncadd.s32 $0xFFFFD800  }
0x237: {  	[spmem:s3] =	stream.indirect.scatter.add.f32 [tilespmem:s15], [sflag:$0xE], $0x80, s11, s14, $0xb8;
	[tilespmem:$0x1F880] =	vst v63  }
0x238: {  	_ =	swait.ge [sflag:s28], $0x2800  }
0x239: {  	s19 =	simm.s32 $0x80;
	s6 =	rddreg [dreg:$0x9];
	[sflag:s28] =	ssyncset.done $0x0  }
0x23a: {  	s11 =	rddreg [dreg:$0xa];
	[sflag:s28] =	ssyncadd.s32 $0xFFFFD800;
	s0 =	sadd.s32 s2, s6  }
0x23b: {  	[tilespmem:s19], [sflag:$0x2] =	stream.linear.gather [hbm4b:s0+s7], $0x50, $0x38;
	[tilespmem:$0x1F880] =	vst v63  }
0x23c: {  	s4 =	simm.s32 $0x8;
	s20 =	sadd.s32 s2, s11;
	s28 =	simm.s32 $0x480  }
0x23d: {  	[tilespmem:s28], [sflag:$0x2] =	stream.linear.gather [hbm4b:s20+s7], $0x50, $0x38;
	[tilespmem:$0x1F880] =	vst v63  }
0x23e: {  	_ =	swait.ge [sflag:s4], $0x50  }
0x23f: {  	[sflag:s4] =	ssyncset.done $0x0  }
0x240: {  	[sflag:s4] =	ssyncadd.s32 $0xFFFFFFB0  }
0x241: {  	_ =	swait.ge [sflag:s4], $0x50  }
0x242: {  	[sflag:s4] =	ssyncset.done $0x0  }
0x243: {  	[sflag:s4] =	ssyncadd.s32 $0xFFFFFFB0  }
0x244: {  	[tilespmem:s13], [sflag:$0xC] =	stream.indirect.gather [hbm4b:s1+s14], $0x80, s17, s14, $0xb8;
	[tilespmem:$0x1F880] =	vst v63  }
0x245: {  	_ =	swait.ge [sflag:s24], $0x2800  }
0x246: {  	[sflag:s24] =	ssyncset.done $0x0  }
0x247: {  	s15 =	simm.s32 $0x5800;
	[sflag:s24] =	ssyncadd.s32 $0xFFFFD800  }
0x248: {  	[spmem:s3] =	stream.indirect.scatter.add.f32 [tilespmem:s15], [sflag:$0xF], $0x80, s30, s14, $0xb8;
	[tilespmem:$0x1F880] =	vst v63  }
0x249: {  	_ =	swait.ge [sflag:s9], $0x2800  }
0x24a: {  	s6 =	rddreg [dreg:$0x7]  }
0x24b: {  	s24 =	simm.s32 $0x0;
	[sflag:s9] =	ssyncset.done $0x0;
	s7 =	rddreg [dreg:$0x8]  }
0x24c: {  	[sflag:s9] =	ssyncadd.s32 $0xFFFFD800;
	s0 =	sadd.s32 s2, s6;
	s9 =	simm.s32 $0x100  }
0x24d: {  	[tilespmem:s9], [sflag:$0x3] =	stream.linear.gather [hbm4b:s0+s24], $0x50, $0x38;
	[tilespmem:$0x1F880] =	vst v63  }
0x24e: {  	s19 =	simm.s32 $0x1;
	s17 =	sadd.s32 s2, s7  }
0x24f: {  	[tilespmem:s22], [sflag:$0x3] =	stream.linear.gather [hbm4b:s17+s24], $0x50, $0x38;
	[tilespmem:$0x1F880] =	vst v63  }
0x250: {  	_ =	swait.ge [sflag:s19], $0x50  }
0x251: {  	[sflag:s19] =	ssyncset.done $0x0  }
0x252: {  	[sflag:s19] =	ssyncadd.s32 $0xFFFFFFB0  }
0x253: {  	_ =	swait.ge [sflag:s19], $0x50  }
0x254: {  	[sflag:s19] =	ssyncset.done $0x0  }
0x255: {  	[sflag:s19] =	ssyncadd.s32 $0xFFFFFFB0  }
0x256: {  	[tilespmem:s8], [sflag:$0x9] =	stream.indirect.gather [hbm4b:s1+s14], $0x80, s24, s14, $0xb8;
	[tilespmem:$0x1F880] =	vst v63  }
0x257: {  	_ =	swait.ge [sflag:s25], $0x2800  }
0x258: {  	[sflag:s25] =	ssyncset.done $0x0  }
0x259: {  	[sflag:s25] =	ssyncadd.s32 $0xFFFFD800  }
0x25a: {  	[spmem:s3] =	stream.indirect.scatter.add.f32 [tilespmem:s13], [sflag:$0x10], $0x80, s12, s14, $0xb8;
	[tilespmem:$0x1F880] =	vst v63  }
0x25b: {  	_ =	swait.ge [sflag:s5], $0x2800  }
0x25c: {  	s28 =	simm.s32 $0x180;
	s22 =	rddreg [dreg:$0x5];
	[sflag:s5] =	ssyncset.done $0x0  }
0x25d: {  	s25 =	rddreg [dreg:$0x6];
	[sflag:s5] =	ssyncadd.s32 $0xFFFFD800;
	s0 =	sadd.s32 s2, s22  }
0x25e: {  	[tilespmem:s28], [sflag:$0x4] =	stream.linear.gather [hbm4b:s0+s24], $0x50, $0x38;
	[tilespmem:$0x1F880] =	vst v63  }
0x25f: {  	s30 =	sadd.s32 s2, s25;
	s2 =	simm.s32 $0x580  }
0x260: {  	[tilespmem:s2], [sflag:$0x4] =	stream.linear.gather [hbm4b:s30+s24], $0x50, $0x38;
	[tilespmem:$0x1F880] =	vst v63  }
0x261: {  	p1 =	sne.s32 s31, $0x410;
	_ =	swait.ge [sflag:s18], $0x50  }
.Ltmp1:
0x262: {  	[sflag:s18] =	ssyncset.done $0x0;
	(pc) =	sbr.rel @p1 .LBB2_4-.Ltmp1, $4  }
0x263: {  	s31 =	sadd.s32 $0x50, s31;
	s10 =	simm.s32 $0x400;
	[sflag:s18] =	ssyncadd.s32 $0xFFFFFFB0  }
0x264: {  	s23 =	simm.s32 $0x480;
	s21 =	simm.s32 $0x80;
	_ =	swait.ge [sflag:s18], $0x50  }
0x265: {  	s11 =	simm.s32 $0x100;
	s20 =	simm.s32 $0x500;
	[sflag:s18] =	ssyncset.done $0x0  }
0x266: {  	s22 =	simm.s32 $0x180;
	s0 =	simm.s32 $0x3000;
	[sflag:s18] =	ssyncadd.s32 $0xFFFFFFB0  }
0x267: {  	[tilespmem:s0], [sflag:$0xA] =	stream.indirect.gather [hbm4b:s1+s14], $0x80, s21, s14, $0xb8;
	[tilespmem:$0x1F880] =	vst v63  }
0x268: {  	s4 =	simm.s32 $0x9  }
0x269: {  	_ =	swait.ge [sflag:s4], $0x2800  }
0x26a: {  	[sflag:s4] =	ssyncset.done $0x0  }
0x26b: {  	s12 =	simm.s32 $0xF;
	[sflag:s4] =	ssyncadd.s32 $0xFFFFD800  }
0x26c: {  	[spmem:s3] =	stream.indirect.scatter.add.f32 [tilespmem:s8], [sflag:$0xD], $0x80, s10, s14, $0xb8;
	[tilespmem:$0x1F880] =	vst v63  }
0x26d: {  	_ =	swait.ge [sflag:s12], $0x2800  }
0x26e: {  	s25 =	sld [smem:$0x7FC]  }
0x26f: {  	[sflag:s12] =	ssyncset.done $0x0  }
0x270: {  	s26 =	simm.s32 $0x200;
	s5 =	sld [smem:$0x7FD];
	[sflag:s12] =	ssyncadd.s32 $0xFFFFD800  }
0x271: {  	[tilespmem:s26], [sflag:$0x5] =	stream.linear.gather [hbm4b:s25+s24], $0x50, $0x38;
	[tilespmem:$0x1F880] =	vst v63  }
0x272: {  	s7 =	simm.s32 $0x3  }
0x273: {  	[tilespmem:s16], [sflag:$0x5] =	stream.linear.gather [hbm4b:s5+s24], $0x50, $0x38;
	[tilespmem:$0x1F880] =	vst v63  }
0x274: {  	_ =	swait.ge [sflag:s7], $0x50  }
0x275: {  	[sflag:s7] =	ssyncset.done $0x0  }
0x276: {  	[sflag:s7] =	ssyncadd.s32 $0xFFFFFFB0  }
0x277: {  	_ =	swait.ge [sflag:s7], $0x50  }
0x278: {  	[sflag:s7] =	ssyncset.done $0x0  }
0x279: {  	s9 =	simm.s32 $0xA;
	[sflag:s7] =	ssyncadd.s32 $0xFFFFFFB0  }
0x27a: {  	[tilespmem:s15], [sflag:$0xB] =	stream.indirect.gather [hbm4b:s1+s14], $0x80, s11, s14, $0xb8;
	[tilespmem:$0x1F880] =	vst v63  }
0x27b: {  	_ =	swait.ge [sflag:s9], $0x2800  }
0x27c: {  	[sflag:s9] =	ssyncset.done $0x0  }
0x27d: {  	s6 =	simm.s32 $0x3000;
	[sflag:s9] =	ssyncadd.s32 $0xFFFFD800;
	s9 =	simm.s32 $0x10  }
0x27e: {  	[spmem:s3] =	stream.indirect.scatter.add.f32 [tilespmem:s6], [sflag:$0xE], $0x80, s23, s14, $0xb8;
	[tilespmem:$0x1F880] =	vst v63  }
0x27f: {  	_ =	swait.ge [sflag:s9], $0x2800  }
0x280: {  	[sflag:s9] =	ssyncset.done $0x0  }
0x281: {  	s11 =	simm.s32 $0x4;
	[sflag:s9] =	ssyncadd.s32 $0xFFFFD800  }
0x282: {  	_ =	swait.ge [sflag:s11], $0x50  }
0x283: {  	[sflag:s11] =	ssyncset.done $0x0  }
0x284: {  	[sflag:s11] =	ssyncadd.s32 $0xFFFFFFB0  }
0x285: {  	_ =	swait.ge [sflag:s11], $0x50  }
0x286: {  	[sflag:s11] =	ssyncset.done $0x0  }
0x287: {  	s13 =	simm.s32 $0x8000;
	s5 =	simm.s32 $0xB;
	[sflag:s11] =	ssyncadd.s32 $0xFFFFFFB0  }
0x288: {  	[tilespmem:s13], [sflag:$0xC] =	stream.indirect.gather [hbm4b:s1+s14], $0x80, s22, s14, $0xb8;
	[tilespmem:$0x1F880] =	vst v63  }
0x289: {  	_ =	swait.ge [sflag:s5], $0x2800  }
0x28a: {  	[sflag:s5] =	ssyncset.done $0x0  }
0x28b: {  	s17 =	simm.s32 $0xD;
	[sflag:s5] =	ssyncadd.s32 $0xFFFFD800  }
0x28c: {  	[spmem:s3] =	stream.indirect.scatter.add.f32 [tilespmem:s15], [sflag:$0xF], $0x80, s20, s14, $0xb8;
	[tilespmem:$0x1F880] =	vst v63  }
0x28d: {  	_ =	swait.ge [sflag:s17], $0x2800  }
0x28e: {  	[sflag:s17] =	ssyncset.done $0x0  }
0x28f: {  	s18 =	simm.s32 $0x5;
	[sflag:s17] =	ssyncadd.s32 $0xFFFFD800  }
0x290: {  	_ =	swait.ge [sflag:s18], $0x50  }
0x291: {  	[sflag:s18] =	ssyncset.done $0x0  }
0x292: {  	[sflag:s18] =	ssyncadd.s32 $0xFFFFFFB0  }
0x293: {  	_ =	swait.ge [sflag:s18], $0x50  }
0x294: {  	[sflag:s18] =	ssyncset.done $0x0  }
0x295: {  	s19 =	simm.s32 $0xC;
	[sflag:s18] =	ssyncadd.s32 $0xFFFFFFB0  }
0x296: {  	[tilespmem:s8], [sflag:$0x9] =	stream.indirect.gather [hbm4b:s1+s14], $0x80, s26, s14, $0xb8;
	[tilespmem:$0x1F880] =	vst v63  }
0x297: {  	_ =	swait.ge [sflag:s19], $0x2800  }
0x298: {  	[sflag:s19] =	ssyncset.done $0x0  }
0x299: {  	s20 =	simm.s32 $0xE;
	[sflag:s19] =	ssyncadd.s32 $0xFFFFD800  }
0x29a: {  	[spmem:s3] =	stream.indirect.scatter.add.f32 [tilespmem:s13], [sflag:$0x10], $0x80, s2, s14, $0xb8;
	[tilespmem:$0x1F880] =	vst v63  }
0x29b: {  	_ =	swait.ge [sflag:s20], $0x2800  }
0x29c: {  	[sflag:s20] =	ssyncset.done $0x0  }
0x29d: {  	[sflag:s20] =	ssyncadd.s32 $0xFFFFD800  }
0x29e: {  	_ =	swait.ge [sflag:s4], $0x2800  }
0x29f: {  	[sflag:s4] =	ssyncset.done $0x0  }
0x2a0: {  	[sflag:s4] =	ssyncadd.s32 $0xFFFFD800  }
0x2a1: {  	[spmem:s3] =	stream.indirect.scatter.add.f32 [tilespmem:s8], [sflag:$0xD], $0x80, s16, s14, $0xb8;
	[tilespmem:$0x1F880] =	vst v63  }
0x2a2: {  	_ =	swait.ge [sflag:s12], $0x2800  }
0x2a3: {  	[sflag:s12] =	ssyncset.done $0x0  }
0x2a4: {  	[sflag:s12] =	ssyncadd.s32 $0xFFFFD800  }
0x2a5: {  	_ =	swait.ge [sflag:s9], $0x2800  }
0x2a6: {  	[sflag:s9] =	ssyncset.done $0x0  }
0x2a7: {  	[sflag:s9] =	ssyncadd.s32 $0xFFFFD800  }
0x2a8: {  	_ =	swait.ge [sflag:s17], $0x2800  }
0x2a9: {  	[sflag:s17] =	ssyncset.done $0x0  }
0x2aa: {  	[sflag:s17] =	ssyncadd.s32 $0xFFFFD800  }
0x2ab: {  	[bflag:$0x0] =	sbarrier.arrive $0xFFFF  }
0x2ac: {  	s22 =	sld [smem:$0x7F1]  }
0x2ad: {  	s21 =	stileid.u32;
	s23 =	sld [smem:$0x7E0]  }
0x2ae: {  	s0 =	sshll.u32 s21, $0x6  }
0x2af: {  	s0 =	sor.u32 $0x1C11, s0;
	s25 =	simm.s32 $0x11;
	s2 =	sshrl.u32 s22, $0x3  }
0x2b0: {  	[hbm:s23], [sflag:s0] =	dma.local [spmem:s2], $0x2700  }
0x2b1: {  	_ =	swait.ge [sflag:s25], $0x2700  }
0x2b2: {  	s2 =	sld [smem:$0x7F3]  }
0x2b3: {  	s6 =	sld [smem:$0x7E5]  }
0x2b4: {  	[sflag:s25] =	ssyncset.done $0x0  }
0x2b5: {  	[sflag:s25] =	ssyncadd.s32 $0xFFFFD900;
	s2 =	sshrl.u32 @!p0 s2, $0x3  }
0x2b6: {  	[hbm:s6], [sflag:s0] =	dma.local @!p0 [spmem:s2], $0x100  }
0x2b7: {  	s0 =	simm.s32 @!p0 $0x11  }
0x2b8: {  	_ =	swait.ge @!p0 [sflag:s0], $0x100  }
0x2b9: {  	s31 =	simm.s32 $0x180;
	s17 =	sld [smem:$0x7DD]  }
0x2ba: {  	s28 =	simm.s32 $0x7;
	s29 =	simm.s32 $0x10;
	s26 =	sld [smem:$0x7E6]  }
0x2bb: {  	s30 =	simm.s32 $0x8;
	s21 =	simm.s32 $0x6;
	s10 =	simm.s32 $0x680  }
0x2bc: {  	s7 =	simm.s32 $0x200;
	s11 =	simm.s32 $0x580;
	s17 =	sadd.s32 $0x1, s17  }
0x2bd: {  	s5 =	simm.s32 $0x700;
	s15 =	simm.s32 $0x300;
	p1 =	sne.s32 s17, s26  }
.Ltmp2:
0x2be: {  	s18 =	simm.s32 $0x9;
	s19 =	simm.s32 $0xD;
	(pc) =	sbr.rel @p1 .LBB2_1-.Ltmp2, $4  }
0x2bf: {  	s13 =	simm.s32 $0x1;
	s4 =	simm.s32 $0x80;
	s8 =	simm.s32 $0x100  }
0x2c0: {  	s16 =	simm.s32 $0x2;
	s12 =	simm.s32 $0x400;
	s9 =	simm.s32 $0x500  }
0x2c1: {  	s22 =	simm.s32 $0x380;
	s6 =	simm.s32 $0x480;
	[sflag:s0] =	ssyncset.done @!p0 $0x0  }
0x2c2: {  	s2 =	simm.s32 $0x600;
	[sflag:s0] =	ssyncadd.s32 @!p0 $0xFFFFFF00;
	s26 =	simm.s32 $0xF  }
0x2c3: {  	_ =	sfence.sel $0x180000  }
0x2c4: {  	[bflag:$0x0] =	sbarrier.arrive $0xFFFF  }
0x2c5: {  	_ =	strace $0x90000047  }
0x2c6: {  	s0 =	stileid.u32;
	[bflag:$0x2] =	sbarrier.arrive $0xFFFF  }
0x2c7: {  	p0 =	sne.s32 s0, $0x0;
	s0 =	rddreg [dreg:$0x4]  }
0x2c8: {  	s0 =	sadd.s32 @!p0 $0x100000, s0  }
0x2c9: {  	[sflag:s0] =	ssyncadd.tile.s32 @!p0 $0x1;
	_ =	shalt  }
.Lfunc_end2:
_tile_overlayer_lowered:
.L_overlay_start_2:
0x2ca: {  	(tag) =	ssettag $0x2  }
0x2cb: {  	s0 =	rddreg [dreg:$0x0];
	s2 =	stileid.u32  }
0x2cc: {  	s1 =	rddreg [dreg:$0x1];
	p0 =	sne.s32 s2, $0x0  }
0x2cd: {  	s3 =	rddreg [dreg:$0x2];
	[bflag:$0x3] =	sbarrier.arrive $0xFFFF;
	s2 =	simm.s32 @!p0 $0x1C11  }
0x2ce: {  	[timem:s3], [sflag:s2] =	dma.local @!p0 [hbm:s0], s1  }
0x2cf: {  	s0 =	simm.s32 @!p0 $0x11  }
0x2d0: {  	_ =	swait.ge @!p0 [sflag:s0], s1  }
0x2d1: {  	s1 =	ssub.s32 @!p0 $0x0, s1;
	[sflag:s0] =	ssyncset.done @!p0 $0x0  }
0x2d2: {  	[sflag:s0] =	ssyncadd.s32 @!p0 s1  }
0x2d3: {  	[bflag:$0x3] =	sbarrier.arrive $0xFFFF  }
0x2d4: {  	_ =	shalt  }

</sc_bundles>
